<compile_context>
chip_gen: v7x
topology: tpu7x:2x2x1
jax: 0.10.2.dev20260603
libtpu: 0.0.44.dev20260713+nightly
codegen_flags: <defaults>
</compile_context>

<pallas_src>
import functools

import jax
import jax.numpy as jnp
from jax import lax
from jax.experimental import pallas as pl
from jax.experimental.pallas import tpu as pltpu
from jax.experimental.pallas import tpu_sc as plsc

B, L = 16, 2048
MW, MH, H = 1024, 1024, 768
N = B * L
NC, NS, LANES = 2, 16, 16
NT = 8 * MW
RW = N // NS
RB = 8
NBLK = RW // RB
HW = H // 2
HC = HW // NC
NGRP = HC // LANES
TROWS = NT // NS

_mesh = plsc.VectorSubcoreMesh(core_axis_name="c", subcore_axis_name="s")


@functools.partial(
    pl.kernel,
    out_type=jax.ShapeDtypeStruct((N, H), jnp.float32),
    mesh=_mesh,
    compiler_params=pltpu.CompilerParams(needs_layout_passes=False,
                                         use_tc_tiling_on_sc=False),
    scratch_types=[
        pltpu.VMEM_SHARED((NT, HC), jnp.int32),
        pltpu.VMEM((128, 4), jnp.int32),
        pltpu.VMEM((8 * RB,), jnp.int32),
        pltpu.VMEM((8 * RB,), jnp.int32),
        pltpu.VMEM((8 * RB, HC), jnp.int32),
        pltpu.VMEM((8 * RB, HC), jnp.int32),
        pltpu.VMEM((RB, 2 * HC), jnp.float32),
        pltpu.VMEM((RB, 2 * HC), jnp.float32),
        pltpu.SemaphoreType.DMA,
        pltpu.SemaphoreType.DMA,
        pltpu.SemaphoreType.DMA,
        pltpu.SemaphoreType.DMA,
    ],
)
def _bbox_embed_sc(boxes_hbm, wcat_hbm, out_hbm,
                   wtab, coords_v, idx0_v, idx1_v, gbuf0, gbuf1,
                   out_v0, out_v1, gsem0, gsem1, osem0, osem1):
    gbufs, out_vs = (gbuf0, gbuf1), (out_v0, out_v1)
    idxs = (idx0_v, idx1_v)
    gsems, osems = (gsem0, gsem1), (osem0, osem1)
    cid = lax.axis_index("c")
    sid = lax.axis_index("s")
    rbase = sid * RW
    cbase = cid * HC

    pltpu.sync_copy(
        wcat_hbm.at[pl.ds(sid * TROWS, TROWS), pl.ds(cbase, HC)],
        wtab.at[pl.ds(sid * TROWS, TROWS)])
    plsc.subcore_barrier()

    def refill_coords(off):
        pltpu.sync_copy(boxes_hbm.at[pl.ds(rbase + off, 128)], coords_v)

    def compute_idx(g, p):
        off = g * RB

        @pl.when((off & 127) == 0)
        def _():
            refill_coords(off)

        lane = lax.iota(jnp.int32, LANES)
        msk = lane < 8 if p == 0 else lane >= 8
        ridx = (off & 127) - p * 8 + lane

        def coord(k):
            return plsc.load_gather(
                coords_v, [ridx, jnp.full((LANES,), k, jnp.int32)])

        x1 = jnp.clip(coord(0), 0, MW - 1)
        y1 = jnp.clip(coord(1), 0, MH - 1)
        x2 = jnp.clip(coord(2), 0, MW - 1)
        y2 = jnp.clip(coord(3), 0, MH - 1)
        w = jnp.clip(x2 - x1, 0, MW - 1)
        h = jnp.clip(y2 - y1, 0, MH - 1)
        cx = jnp.clip((x1 + x2) >> 1, 0, MW - 1)
        cy = jnp.clip((y1 + y2) >> 1, 0, MH - 1)
        vecs = (x1, y1 + MW, x2 + 2 * MW, y2 + 3 * MW,
                w + 4 * MW, h + 5 * MW, cx + 6 * MW, cy + 7 * MW)
        for t, v in enumerate(vecs):
            plsc.store_scatter(idxs[p], [t * RB + (lane & 7)], v, mask=msk)

    def start_gather(p):
        return pltpu.async_copy(wtab.at[idxs[p]], gbufs[p], gsems[p])

    def accumulate(p):
        gbuf, out_v = gbufs[p], out_vs[p]

        @plsc.parallel_loop(0, RB, 1, unroll=2)
        def _row(r):
            for gg in range(NGRP):
                sl = pl.ds(gg * LANES, LANES)
                v = [plsc.bitcast(gbuf[t * RB + r, sl], jnp.bfloat16)
                     for t in range(8)]
                s01, s23 = v[0] + v[1], v[2] + v[3]
                s45, s67 = v[4] + v[5], v[6] + v[7]
                w = plsc.bitcast((s01 + s23) + (s45 + s67), jnp.int32)
                lo = plsc.bitcast(w << 16, jnp.float32)
                hi = plsc.bitcast(w & jnp.int32(-65536), jnp.float32)
                out_v[r, pl.ds(gg * 2 * LANES, LANES)] = lo
                out_v[r, pl.ds(gg * 2 * LANES + LANES, LANES)] = hi

    def out_dst(g):
        return out_hbm.at[pl.ds(rbase + g * RB, RB), pl.ds(cbase * 2, 2 * HC)]

    compute_idx(0, 0)
    start_gather(0)

    @pl.loop(0, NBLK, step=2)
    def _blocks(g):
        for p in range(2):
            gi = g + p

            with jax.named_scope("issue"):
                @pl.when(gi + 1 < NBLK)
                def _():
                    compute_idx(gi + 1, 1 - p)
                    start_gather(1 - p)

            with jax.named_scope("gwait"):
                pltpu.make_async_copy(
                    wtab.at[idxs[p]], gbufs[p], gsems[p]).wait()

            with jax.named_scope("owait"):
                @pl.when(gi >= 2)
                def _():
                    pltpu.make_async_copy(
                        out_vs[p], out_dst(0), osems[p]).wait()

            with jax.named_scope("acc"):
                accumulate(p)
            pltpu.async_copy(out_vs[p], out_dst(gi), osems[p])

    for p in range(2):
        pltpu.make_async_copy(out_vs[p], out_dst(0), osems[p]).wait()


def _pack_tables(*tables):
    wcat = jnp.concatenate(tables, axis=0).astype(jnp.bfloat16)
    grp = wcat.reshape(NT, H // 32, 2, LANES)
    pairs = jnp.stack([grp[:, :, 0, :], grp[:, :, 1, :]], axis=-1)
    return jax.lax.bitcast_convert_type(pairs, jnp.int32).reshape(NT, HW)


def kernel(boxes, input_box_counts, W_x1, W_y1, W_x2, W_y2, W_w, W_h,
           W_cx, W_cy):
    del input_box_counts
    wcat = _pack_tables(W_x1, W_y1, W_x2, W_y2, W_w, W_h, W_cx, W_cy)
    out = _bbox_embed_sc(boxes.reshape(N, 4), wcat)
    return out.reshape(B, L, H)

# --- scband reference (transcript-rebuilt; emitter-appended) ---
"""Pipeline reference for scband-bbox-embedding-45853070852200 (READ-ONLY COPY).

The authoritative reference and input builder live on the scoring server;
editing this copy changes nothing except your own understanding.
"""

import jax, jax.numpy as jnp
import numpy as np

B, L = 16, 2048
MW, MH, H = 1024, 1024, 768

def setup_inputs(seed: int = 0) -> dict:
    key = jax.random.key(seed)
    ks = jax.random.split(key, 12)
    boxes = jax.random.randint(ks[0], (B, L, 4), 0, MW, dtype=jnp.int32)
    input_box_counts = jnp.sort(jax.random.randint(ks[1], (B, 2), 0, L, dtype=jnp.int32), axis=-1)
    def tbl(k, n):
        return (jax.random.normal(k, (n, H), dtype=jnp.float32) * 0.02)
    return {
        'boxes': boxes,
        'input_box_counts': input_box_counts,
        'W_x1': tbl(ks[2], MW),
        'W_y1': tbl(ks[3], MH),
        'W_x2': tbl(ks[4], MW),
        'W_y2': tbl(ks[5], MH),
        'W_w': tbl(ks[6], MW),
        'W_h': tbl(ks[7], MH),
        'W_cx': tbl(ks[8], MW),
        'W_cy': tbl(ks[9], MH),
    }

def reference(boxes, input_box_counts, W_x1, W_y1, W_x2, W_y2, W_w, W_h, W_cx, W_cy):
    x1 = jnp.clip(boxes[..., 0], 0, MW - 1)
    y1 = jnp.clip(boxes[..., 1], 0, MH - 1)
    x2 = jnp.clip(boxes[..., 2], 0, MW - 1)
    y2 = jnp.clip(boxes[..., 3], 0, MH - 1)
    w = jnp.clip(x2 - x1, 0, MW - 1)
    h = jnp.clip(y2 - y1, 0, MH - 1)
    cx = jnp.clip((x1 + x2) // 2, 0, MW - 1)
    cy = jnp.clip((y1 + y2) // 2, 0, MH - 1)
    coord = jnp.take(W_x1, x1, axis=0) + jnp.take(W_y1, y1, axis=0) + jnp.take(W_x2, x2, axis=0) + jnp.take(W_y2, y2, axis=0)
    embedded = coord + jnp.take(W_w, w, axis=0) + jnp.take(W_h, h, axis=0) + jnp.take(W_cx, cx, axis=0) + jnp.take(W_cy, cy, axis=0)
    return embedded

if __name__ == "__main__":
    import jax
    _d = setup_inputs()
    print(jax.jit(kernel)(*tuple(_d.values())))

</pallas_src>

<mosaic_0001>
#map = affine_map<(d0, d1) -> (0, 0)>
module attributes {stable_mosaic.version = 14 : i64} {
  func.func @_bbox_embed_sc(%arg0: i32, %arg1: i32, %arg2: memref<32768x4xi32, #tpu.memory_space<hbm>>, %arg3: memref<8192x384xi32, #tpu.memory_space<hbm>>, %arg4: memref<32768x768xf32, #tpu.memory_space<hbm>>, %arg5: memref<8192x192xi32, #tpu.memory_space<vmem_shared>>, %arg6: memref<128x4xi32, #tpu.memory_space<vmem>>, %arg7: memref<64xi32, #tpu.memory_space<vmem>>, %arg8: memref<64xi32, #tpu.memory_space<vmem>>, %arg9: memref<64x192xi32, #tpu.memory_space<vmem>>, %arg10: memref<64x192xi32, #tpu.memory_space<vmem>>, %arg11: memref<8x384xf32, #tpu.memory_space<vmem>>, %arg12: memref<8x384xf32, #tpu.memory_space<vmem>>, %arg13: memref<!tpu.dma_semaphore, #tpu.memory_space<semaphore_mem>>, %arg14: memref<!tpu.dma_semaphore, #tpu.memory_space<semaphore_mem>>, %arg15: memref<!tpu.dma_semaphore, #tpu.memory_space<semaphore_mem>>, %arg16: memref<!tpu.dma_semaphore, #tpu.memory_space<semaphore_mem>>) attributes {dimension_semantics = [#tpu.dimension_semantics<core_parallel>, #tpu.dimension_semantics<subcore_parallel>], iteration_bounds = array<i64: 2, 16>, scalar_prefetch = 0 : i64, scratch_operands = 12 : i64, tpu.core_type = #tpu.core_type<sc_vector_subcore>, window_params = [{transform_indices = #map}, {transform_indices = #map}, {transform_indices = #map}]} {
    %mul3A = arith.constant 2048 : i32
    %mul3A_0 = arith.muli %arg1, %mul3A : i32
    %mul3A_1 = arith.constant 192 : i32
    %mul3A_2 = arith.muli %arg0, %mul3A_1 : i32
    %mul3A_3 = arith.constant 512 : i32
    %mul3A_4 = arith.muli %arg1, %mul3A_3 : i32
    %mul3A_5 = arith.constant 512 : i32
    %mul3A_6 = arith.muli %arg1, %mul3A_5 : i32
    "tpu.region"() ({
      %run_scoped3A = tpu.sem_alloc : memref<!tpu.dma_semaphore, #tpu.memory_space<semaphore_mem>>
      %dma_start3A_161 = arith.constant 0 : i32
      %dma_start3A_162 = tpu.memref_slice %arg5[%mul3A_6, %dma_start3A_161] : memref<8192x192xi32, #tpu.memory_space<vmem_shared>> -> memref<512x192xi32, #tpu.memory_space<vmem_shared>>
      %dma_start3A_163 = tpu.memref_slice %arg3[%mul3A_4, %mul3A_2] : memref<8192x384xi32, #tpu.memory_space<hbm>> -> memref<512x192xi32, #tpu.memory_space<hbm>>
      tpu.enqueue_dma source(%dma_start3A_163 : memref<512x192xi32, #tpu.memory_space<hbm>>) target(%dma_start3A_162 : memref<512x192xi32, #tpu.memory_space<vmem_shared>>) target_semaphore(%run_scoped3A : memref<!tpu.dma_semaphore, #tpu.memory_space<semaphore_mem>>)
      %dma_wait3A_164 = arith.constant 0 : i32
      %dma_wait3A_165 = tpu.memref_slice %arg5[%mul3A_6, %dma_wait3A_164] : memref<8192x192xi32, #tpu.memory_space<vmem_shared>> -> memref<512x192xi32, #tpu.memory_space<vmem_shared>>
      %dma_wait3A_166 = tpu.memref_slice %arg3[%mul3A_4, %mul3A_2] : memref<8192x384xi32, #tpu.memory_space<hbm>> -> memref<512x192xi32, #tpu.memory_space<hbm>>
      tpu.wait_dma2 semaphore(%run_scoped3A : memref<!tpu.dma_semaphore, #tpu.memory_space<semaphore_mem>>) src(%dma_wait3A_166 : memref<512x192xi32, #tpu.memory_space<hbm>>) dst(%dma_wait3A_165 : memref<512x192xi32, #tpu.memory_space<vmem_shared>>)
      tpu.yield
    }) : () -> ()
    %barrier3A = arith.constant 0 : index
    tpu.barrier barrier_id(%barrier3A)
    %add3A = arith.constant 0 : i32
    %add3A_7 = arith.addi %mul3A_0, %add3A : i32
    "tpu.region"() ({
      %run_scoped3A = tpu.sem_alloc : memref<!tpu.dma_semaphore, #tpu.memory_space<semaphore_mem>>
      %dma_start3A_161 = arith.constant 0 : i32
      %dma_start3A_162 = tpu.memref_slice %arg2[%add3A_7, %dma_start3A_161] : memref<32768x4xi32, #tpu.memory_space<hbm>> -> memref<128x4xi32, #tpu.memory_space<hbm>>
      %dma_start3A_163 = arith.constant 0 : i32
      %dma_start3A_164 = tpu.memref_slice %arg2[%add3A_7, %dma_start3A_163] : memref<32768x4xi32, #tpu.memory_space<hbm>> -> memref<128x4xi32, #tpu.memory_space<hbm>>
      tpu.enqueue_dma source(%dma_start3A_164 : memref<128x4xi32, #tpu.memory_space<hbm>>) target(%arg6 : memref<128x4xi32, #tpu.memory_space<vmem>>) target_semaphore(%run_scoped3A : memref<!tpu.dma_semaphore, #tpu.memory_space<semaphore_mem>>)
      %dma_wait3A_165 = arith.constant 0 : i32
      %dma_wait3A_166 = tpu.memref_slice %arg2[%add3A_7, %dma_wait3A_165] : memref<32768x4xi32, #tpu.memory_space<hbm>> -> memref<128x4xi32, #tpu.memory_space<hbm>>
      %dma_wait3A_167 = arith.constant 0 : i32
      %dma_wait3A_168 = tpu.memref_slice %arg2[%add3A_7, %dma_wait3A_167] : memref<32768x4xi32, #tpu.memory_space<hbm>> -> memref<128x4xi32, #tpu.memory_space<hbm>>
      tpu.wait_dma2 semaphore(%run_scoped3A : memref<!tpu.dma_semaphore, #tpu.memory_space<semaphore_mem>>) src(%dma_wait3A_168 : memref<128x4xi32, #tpu.memory_space<hbm>>) dst(%arg6 : memref<128x4xi32, #tpu.memory_space<vmem>>)
      tpu.yield
    }) : () -> ()
    %iota3A = tpu.iota {dimensions = array<i32: 0>} : vector<16xi32>
    %lt3A = arith.constant 8 : i32
    %lt3A_8 = vector.broadcast %lt3A : i32 to vector<16xi32>
    %lt3A_9 = arith.cmpi slt, %iota3A, %lt3A_8 : vector<16xi32>
    %add3A_10 = arith.constant 0 : i32
    %add3A_11 = vector.broadcast %add3A_10 : i32 to vector<16xi32>
    %add3A_12 = arith.addi %add3A_11, %iota3A : vector<16xi32>
    %broadcast_in_dim3A = arith.constant 0 : i32
    %broadcast_in_dim3A_13 = vector.broadcast %broadcast_in_dim3A : i32 to vector<16xi32>
    %gather3A = tpu.vector_load_idx %arg6[%add3A_12, %broadcast_in_dim3A_13] : memref<128x4xi32, #tpu.memory_space<vmem>>[vector<16xi32>, vector<16xi32>], vector<16xi32>,
    %jit3A = arith.constant 0 : i32
    %jit3A_14 = arith.constant 1023 : i32
    %max3A = vector.broadcast %jit3A : i32 to vector<16xi32>
    %max3A_15 = arith.maxsi %max3A, %gather3A : vector<16xi32>
    %min3A = vector.broadcast %jit3A_14 : i32 to vector<16xi32>
    %min3A_16 = arith.minsi %min3A, %max3A_15 : vector<16xi32>
    %broadcast_in_dim3A_17 = arith.constant 1 : i32
    %broadcast_in_dim3A_18 = vector.broadcast %broadcast_in_dim3A_17 : i32 to vector<16xi32>
    %gather3A_19 = tpu.vector_load_idx %arg6[%add3A_12, %broadcast_in_dim3A_18] : memref<128x4xi32, #tpu.memory_space<vmem>>[vector<16xi32>, vector<16xi32>], vector<16xi32>,
    %jit3A_20 = arith.constant 0 : i32
    %jit3A_21 = arith.constant 1023 : i32
    %max3A_22 = vector.broadcast %jit3A_20 : i32 to vector<16xi32>
    %max3A_23 = arith.maxsi %max3A_22, %gather3A_19 : vector<16xi32>
    %min3A_24 = vector.broadcast %jit3A_21 : i32 to vector<16xi32>
    %min3A_25 = arith.minsi %min3A_24, %max3A_23 : vector<16xi32>
    %broadcast_in_dim3A_26 = arith.constant 2 : i32
    %broadcast_in_dim3A_27 = vector.broadcast %broadcast_in_dim3A_26 : i32 to vector<16xi32>
    %gather3A_28 = tpu.vector_load_idx %arg6[%add3A_12, %broadcast_in_dim3A_27] : memref<128x4xi32, #tpu.memory_space<vmem>>[vector<16xi32>, vector<16xi32>], vector<16xi32>,
    %jit3A_29 = arith.constant 0 : i32
    %jit3A_30 = arith.constant 1023 : i32
    %max3A_31 = vector.broadcast %jit3A_29 : i32 to vector<16xi32>
    %max3A_32 = arith.maxsi %max3A_31, %gather3A_28 : vector<16xi32>
    %min3A_33 = vector.broadcast %jit3A_30 : i32 to vector<16xi32>
    %min3A_34 = arith.minsi %min3A_33, %max3A_32 : vector<16xi32>
    %broadcast_in_dim3A_35 = arith.constant 3 : i32
    %broadcast_in_dim3A_36 = vector.broadcast %broadcast_in_dim3A_35 : i32 to vector<16xi32>
    %gather3A_37 = tpu.vector_load_idx %arg6[%add3A_12, %broadcast_in_dim3A_36] : memref<128x4xi32, #tpu.memory_space<vmem>>[vector<16xi32>, vector<16xi32>], vector<16xi32>,
    %jit3A_38 = arith.constant 0 : i32
    %jit3A_39 = arith.constant 1023 : i32
    %max3A_40 = vector.broadcast %jit3A_38 : i32 to vector<16xi32>
    %max3A_41 = arith.maxsi %max3A_40, %gather3A_37 : vector<16xi32>
    %min3A_42 = vector.broadcast %jit3A_39 : i32 to vector<16xi32>
    %min3A_43 = arith.minsi %min3A_42, %max3A_41 : vector<16xi32>
    %sub3A = arith.subi %min3A_34, %min3A_16 : vector<16xi32>
    %jit3A_44 = arith.constant 0 : i32
    %jit3A_45 = arith.constant 1023 : i32
    %max3A_46 = vector.broadcast %jit3A_44 : i32 to vector<16xi32>
    %max3A_47 = arith.maxsi %max3A_46, %sub3A : vector<16xi32>
    %min3A_48 = vector.broadcast %jit3A_45 : i32 to vector<16xi32>
    %min3A_49 = arith.minsi %min3A_48, %max3A_47 : vector<16xi32>
    %sub3A_50 = arith.subi %min3A_43, %min3A_25 : vector<16xi32>
    %jit3A_51 = arith.constant 0 : i32
    %jit3A_52 = arith.constant 1023 : i32
    %max3A_53 = vector.broadcast %jit3A_51 : i32 to vector<16xi32>
    %max3A_54 = arith.maxsi %max3A_53, %sub3A_50 : vector<16xi32>
    %min3A_55 = vector.broadcast %jit3A_52 : i32 to vector<16xi32>
    %min3A_56 = arith.minsi %min3A_55, %max3A_54 : vector<16xi32>
    %add3A_57 = arith.addi %min3A_16, %min3A_34 : vector<16xi32>
    %shift_right_arithmetic3A = arith.constant 1 : i32
    %shift_right_arithmetic3A_58 = vector.broadcast %shift_right_arithmetic3A : i32 to vector<16xi32>
    %shift_right_arithmetic3A_59 = arith.shrsi %add3A_57, %shift_right_arithmetic3A_58 : vector<16xi32>
    %jit3A_60 = arith.constant 0 : i32
    %jit3A_61 = arith.constant 1023 : i32
    %max3A_62 = vector.broadcast %jit3A_60 : i32 to vector<16xi32>
    %max3A_63 = arith.maxsi %max3A_62, %shift_right_arithmetic3A_59 : vector<16xi32>
    %min3A_64 = vector.broadcast %jit3A_61 : i32 to vector<16xi32>
    %min3A_65 = arith.minsi %min3A_64, %max3A_63 : vector<16xi32>
    %add3A_66 = arith.addi %min3A_25, %min3A_43 : vector<16xi32>
    %shift_right_arithmetic3A_67 = arith.constant 1 : i32
    %shift_right_arithmetic3A_68 = vector.broadcast %shift_right_arithmetic3A_67 : i32 to vector<16xi32>
    %shift_right_arithmetic3A_69 = arith.shrsi %add3A_66, %shift_right_arithmetic3A_68 : vector<16xi32>
    %jit3A_70 = arith.constant 0 : i32
    %jit3A_71 = arith.constant 1023 : i32
    %max3A_72 = vector.broadcast %jit3A_70 : i32 to vector<16xi32>
    %max3A_73 = arith.maxsi %max3A_72, %shift_right_arithmetic3A_69 : vector<16xi32>
    %min3A_74 = vector.broadcast %jit3A_71 : i32 to vector<16xi32>
    %min3A_75 = arith.minsi %min3A_74, %max3A_73 : vector<16xi32>
    %add3A_76 = arith.constant 1024 : i32
    %add3A_77 = vector.broadcast %add3A_76 : i32 to vector<16xi32>
    %add3A_78 = arith.addi %min3A_25, %add3A_77 : vector<16xi32>
    %add3A_79 = arith.constant 2048 : i32
    %add3A_80 = vector.broadcast %add3A_79 : i32 to vector<16xi32>
    %add3A_81 = arith.addi %min3A_34, %add3A_80 : vector<16xi32>
    %add3A_82 = arith.constant 3072 : i32
    %add3A_83 = vector.broadcast %add3A_82 : i32 to vector<16xi32>
    %add3A_84 = arith.addi %min3A_43, %add3A_83 : vector<16xi32>
    %add3A_85 = arith.constant 4096 : i32
    %add3A_86 = vector.broadcast %add3A_85 : i32 to vector<16xi32>
    %add3A_87 = arith.addi %min3A_49, %add3A_86 : vector<16xi32>
    %add3A_88 = arith.constant 5120 : i32
    %add3A_89 = vector.broadcast %add3A_88 : i32 to vector<16xi32>
    %add3A_90 = arith.addi %min3A_56, %add3A_89 : vector<16xi32>
    %add3A_91 = arith.constant 6144 : i32
    %add3A_92 = vector.broadcast %add3A_91 : i32 to vector<16xi32>
    %add3A_93 = arith.addi %min3A_65, %add3A_92 : vector<16xi32>
    %add3A_94 = arith.constant 7168 : i32
    %add3A_95 = vector.broadcast %add3A_94 : i32 to vector<16xi32>
    %add3A_96 = arith.addi %min3A_75, %add3A_95 : vector<16xi32>
    %and3A = arith.constant 7 : i32
    %and3A_97 = vector.broadcast %and3A : i32 to vector<16xi32>
    %and3A_98 = arith.andi %iota3A, %and3A_97 : vector<16xi32>
    %add3A_99 = arith.constant 0 : i32
    %add3A_100 = vector.broadcast %add3A_99 : i32 to vector<16xi32>
    %add3A_101 = arith.addi %add3A_100, %and3A_98 : vector<16xi32>
    tpu.vector_store_idx %arg7[%add3A_101], %min3A_16 masked %lt3A_9 : memref<64xi32, #tpu.memory_space<vmem>>[vector<16xi32>], vector<16xi32>, vector<16xi1>
    %and3A_102 = arith.constant 7 : i32
    %and3A_103 = vector.broadcast %and3A_102 : i32 to vector<16xi32>
    %and3A_104 = arith.andi %iota3A, %and3A_103 : vector<16xi32>
    %add3A_105 = arith.constant 8 : i32
    %add3A_106 = vector.broadcast %add3A_105 : i32 to vector<16xi32>
    %add3A_107 = arith.addi %add3A_106, %and3A_104 : vector<16xi32>
    tpu.vector_store_idx %arg7[%add3A_107], %add3A_78 masked %lt3A_9 : memref<64xi32, #tpu.memory_space<vmem>>[vector<16xi32>], vector<16xi32>, vector<16xi1>
    %and3A_108 = arith.constant 7 : i32
    %and3A_109 = vector.broadcast %and3A_108 : i32 to vector<16xi32>
    %and3A_110 = arith.andi %iota3A, %and3A_109 : vector<16xi32>
    %add3A_111 = arith.constant 16 : i32
    %add3A_112 = vector.broadcast %add3A_111 : i32 to vector<16xi32>
    %add3A_113 = arith.addi %add3A_112, %and3A_110 : vector<16xi32>
    tpu.vector_store_idx %arg7[%add3A_113], %add3A_81 masked %lt3A_9 : memref<64xi32, #tpu.memory_space<vmem>>[vector<16xi32>], vector<16xi32>, vector<16xi1>
    %and3A_114 = arith.constant 7 : i32
    %and3A_115 = vector.broadcast %and3A_114 : i32 to vector<16xi32>
    %and3A_116 = arith.andi %iota3A, %and3A_115 : vector<16xi32>
    %add3A_117 = arith.constant 24 : i32
    %add3A_118 = vector.broadcast %add3A_117 : i32 to vector<16xi32>
    %add3A_119 = arith.addi %add3A_118, %and3A_116 : vector<16xi32>
    tpu.vector_store_idx %arg7[%add3A_119], %add3A_84 masked %lt3A_9 : memref<64xi32, #tpu.memory_space<vmem>>[vector<16xi32>], vector<16xi32>, vector<16xi1>
    %and3A_120 = arith.constant 7 : i32
    %and3A_121 = vector.broadcast %and3A_120 : i32 to vector<16xi32>
    %and3A_122 = arith.andi %iota3A, %and3A_121 : vector<16xi32>
    %add3A_123 = arith.constant 32 : i32
    %add3A_124 = vector.broadcast %add3A_123 : i32 to vector<16xi32>
    %add3A_125 = arith.addi %add3A_124, %and3A_122 : vector<16xi32>
    tpu.vector_store_idx %arg7[%add3A_125], %add3A_87 masked %lt3A_9 : memref<64xi32, #tpu.memory_space<vmem>>[vector<16xi32>], vector<16xi32>, vector<16xi1>
    %and3A_126 = arith.constant 7 : i32
    %and3A_127 = vector.broadcast %and3A_126 : i32 to vector<16xi32>
    %and3A_128 = arith.andi %iota3A, %and3A_127 : vector<16xi32>
    %add3A_129 = arith.constant 40 : i32
    %add3A_130 = vector.broadcast %add3A_129 : i32 to vector<16xi32>
    %add3A_131 = arith.addi %add3A_130, %and3A_128 : vector<16xi32>
    tpu.vector_store_idx %arg7[%add3A_131], %add3A_90 masked %lt3A_9 : memref<64xi32, #tpu.memory_space<vmem>>[vector<16xi32>], vector<16xi32>, vector<16xi1>
    %and3A_132 = arith.constant 7 : i32
    %and3A_133 = vector.broadcast %and3A_132 : i32 to vector<16xi32>
    %and3A_134 = arith.andi %iota3A, %and3A_133 : vector<16xi32>
    %add3A_135 = arith.constant 48 : i32
    %add3A_136 = vector.broadcast %add3A_135 : i32 to vector<16xi32>
    %add3A_137 = arith.addi %add3A_136, %and3A_134 : vector<16xi32>
    tpu.vector_store_idx %arg7[%add3A_137], %add3A_93 masked %lt3A_9 : memref<64xi32, #tpu.memory_space<vmem>>[vector<16xi32>], vector<16xi32>, vector<16xi1>
    %and3A_138 = arith.constant 7 : i32
    %and3A_139 = vector.broadcast %and3A_138 : i32 to vector<16xi32>
    %and3A_140 = arith.andi %iota3A, %and3A_139 : vector<16xi32>
    %add3A_141 = arith.constant 56 : i32
    %add3A_142 = vector.broadcast %add3A_141 : i32 to vector<16xi32>
    %add3A_143 = arith.addi %add3A_142, %and3A_140 : vector<16xi32>
    tpu.vector_store_idx %arg7[%add3A_143], %add3A_96 masked %lt3A_9 : memref<64xi32, #tpu.memory_space<vmem>>[vector<16xi32>], vector<16xi32>, vector<16xi1>
    %dma_start3A = arith.constant 0 : i32
    %dma_start3A_144 = arith.constant 0 : i32
    %dma_start3A_145 = tpu.memref_slice %arg5[%dma_start3A, %dma_start3A_144] : memref<8192x192xi32, #tpu.memory_space<vmem_shared>> -> memref<8192x192xi32, #tpu.memory_space<vmem_shared>>
    tpu.enqueue_indirect_dma source(%dma_start3A_145 : memref<8192x192xi32, #tpu.memory_space<vmem_shared>>) target(%arg9 : memref<64x192xi32, #tpu.memory_space<vmem>>) offsets(%arg7 : memref<64xi32, #tpu.memory_space<vmem>>) semaphore(%arg13 : memref<!tpu.dma_semaphore, #tpu.memory_space<semaphore_mem>>)
    %scan3A = arith.constant 0 : i32
    %scan3A_146 = arith.constant 128 : i32
    %scan3A_147 = arith.addi %scan3A, %scan3A_146 : i32
    %scan3A_148 = arith.constant 1 : i32
    scf.for %scan3A_161 = %scan3A to %scan3A_147 step %scan3A_148  : i32 {
      %mul3A_162 = arith.constant 2 : i32
      %mul3A_163 = arith.muli %scan3A_161, %mul3A_162 : i32
      %add3A_164 = arith.constant 0 : i32
      %add3A_165 = arith.addi %add3A_164, %mul3A_163 : i32
      %add3A_166 = arith.constant 0 : i32
      %add3A_167 = arith.addi %add3A_165, %add3A_166 : i32
      "tpu.trace_start"() <{level = 10 : i32, message = "issue"}> : () -> ()
      %add3A_168 = arith.constant 1 : i32
      %add3A_169 = arith.addi %add3A_167, %add3A_168 : i32
      %lt3A_170 = arith.constant 256 : i32
      %lt3A_171 = arith.cmpi slt, %add3A_169, %lt3A_170 : i32
      %convert_element_type3A = arith.extui %lt3A_171 : i1 to i32
      %cond3A = arith.constant 0 : i32
      %cond3A_172 = arith.cmpi ne, %convert_element_type3A, %cond3A : i32
      scf.if %cond3A_172 {
        %add3A_216 = arith.constant 1 : i32
        %add3A_217 = arith.addi %add3A_167, %add3A_216 : i32
        %mul3A_218 = arith.constant 8 : i32
        %mul3A_219 = arith.muli %add3A_217, %mul3A_218 : i32
        %and3A_220 = arith.constant 127 : i32
        %and3A_221 = arith.andi %mul3A_219, %and3A_220 : i32
        %eq3A = arith.constant 0 : i32
        %eq3A_222 = arith.cmpi eq, %and3A_221, %eq3A : i32
        %convert_element_type3A_223 = arith.extui %eq3A_222 : i1 to i32
        %cond3A_224 = arith.constant 0 : i32
        %cond3A_225 = arith.cmpi ne, %convert_element_type3A_223, %cond3A_224 : i32
        scf.if %cond3A_225 {
          %add3A_378 = arith.addi %mul3A_0, %mul3A_219 : i32
          "tpu.region"() ({
            %run_scoped3A = tpu.sem_alloc : memref<!tpu.dma_semaphore, #tpu.memory_space<semaphore_mem>>
            %dma_start3A_379 = arith.constant 0 : i32
            %dma_start3A_380 = tpu.memref_slice %arg2[%add3A_378, %dma_start3A_379] : memref<32768x4xi32, #tpu.memory_space<hbm>> -> memref<128x4xi32, #tpu.memory_space<hbm>>
            %dma_start3A_381 = arith.constant 0 : i32
            %dma_start3A_382 = tpu.memref_slice %arg2[%add3A_378, %dma_start3A_381] : memref<32768x4xi32, #tpu.memory_space<hbm>> -> memref<128x4xi32, #tpu.memory_space<hbm>>
            tpu.enqueue_dma source(%dma_start3A_382 : memref<128x4xi32, #tpu.memory_space<hbm>>) target(%arg6 : memref<128x4xi32, #tpu.memory_space<vmem>>) target_semaphore(%run_scoped3A : memref<!tpu.dma_semaphore, #tpu.memory_space<semaphore_mem>>)
            %dma_wait3A_383 = arith.constant 0 : i32
            %dma_wait3A_384 = tpu.memref_slice %arg2[%add3A_378, %dma_wait3A_383] : memref<32768x4xi32, #tpu.memory_space<hbm>> -> memref<128x4xi32, #tpu.memory_space<hbm>>
            %dma_wait3A_385 = arith.constant 0 : i32
            %dma_wait3A_386 = tpu.memref_slice %arg2[%add3A_378, %dma_wait3A_385] : memref<32768x4xi32, #tpu.memory_space<hbm>> -> memref<128x4xi32, #tpu.memory_space<hbm>>
            tpu.wait_dma2 semaphore(%run_scoped3A : memref<!tpu.dma_semaphore, #tpu.memory_space<semaphore_mem>>) src(%dma_wait3A_386 : memref<128x4xi32, #tpu.memory_space<hbm>>) dst(%arg6 : memref<128x4xi32, #tpu.memory_space<vmem>>)
            tpu.yield
          }) : () -> ()
        } else {
        }
        %iota3A_226 = tpu.iota {dimensions = array<i32: 0>} : vector<16xi32>
        %ge3A_227 = arith.constant 8 : i32
        %ge3A_228 = vector.broadcast %ge3A_227 : i32 to vector<16xi32>
        %ge3A_229 = arith.cmpi sge, %iota3A_226, %ge3A_228 : vector<16xi32>
        %and3A_230 = arith.constant 127 : i32
        %and3A_231 = arith.andi %mul3A_219, %and3A_230 : i32
        %sub3A_232 = arith.constant 8 : i32
        %sub3A_233 = arith.subi %and3A_231, %sub3A_232 : i32
        %add3A_234 = vector.broadcast %sub3A_233 : i32 to vector<16xi32>
        %add3A_235 = arith.addi %add3A_234, %iota3A_226 : vector<16xi32>
        %broadcast_in_dim3A_236 = arith.constant 0 : i32
        %broadcast_in_dim3A_237 = vector.broadcast %broadcast_in_dim3A_236 : i32 to vector<16xi32>
        %gather3A_238 = tpu.vector_load_idx %arg6[%add3A_235, %broadcast_in_dim3A_237] : memref<128x4xi32, #tpu.memory_space<vmem>>[vector<16xi32>, vector<16xi32>], vector<16xi32>,
        %jit3A_239 = arith.constant 0 : i32
        %jit3A_240 = arith.constant 1023 : i32
        %max3A_241 = vector.broadcast %jit3A_239 : i32 to vector<16xi32>
        %max3A_242 = arith.maxsi %max3A_241, %gather3A_238 : vector<16xi32>
        %min3A_243 = vector.broadcast %jit3A_240 : i32 to vector<16xi32>
        %min3A_244 = arith.minsi %min3A_243, %max3A_242 : vector<16xi32>
        %broadcast_in_dim3A_245 = arith.constant 1 : i32
        %broadcast_in_dim3A_246 = vector.broadcast %broadcast_in_dim3A_245 : i32 to vector<16xi32>
        %gather3A_247 = tpu.vector_load_idx %arg6[%add3A_235, %broadcast_in_dim3A_246] : memref<128x4xi32, #tpu.memory_space<vmem>>[vector<16xi32>, vector<16xi32>], vector<16xi32>,
        %jit3A_248 = arith.constant 0 : i32
        %jit3A_249 = arith.constant 1023 : i32
        %max3A_250 = vector.broadcast %jit3A_248 : i32 to vector<16xi32>
        %max3A_251 = arith.maxsi %max3A_250, %gather3A_247 : vector<16xi32>
        %min3A_252 = vector.broadcast %jit3A_249 : i32 to vector<16xi32>
        %min3A_253 = arith.minsi %min3A_252, %max3A_251 : vector<16xi32>
        %broadcast_in_dim3A_254 = arith.constant 2 : i32
        %broadcast_in_dim3A_255 = vector.broadcast %broadcast_in_dim3A_254 : i32 to vector<16xi32>
        %gather3A_256 = tpu.vector_load_idx %arg6[%add3A_235, %broadcast_in_dim3A_255] : memref<128x4xi32, #tpu.memory_space<vmem>>[vector<16xi32>, vector<16xi32>], vector<16xi32>,
        %jit3A_257 = arith.constant 0 : i32
        %jit3A_258 = arith.constant 1023 : i32
        %max3A_259 = vector.broadcast %jit3A_257 : i32 to vector<16xi32>
        %max3A_260 = arith.maxsi %max3A_259, %gather3A_256 : vector<16xi32>
        %min3A_261 = vector.broadcast %jit3A_258 : i32 to vector<16xi32>
        %min3A_262 = arith.minsi %min3A_261, %max3A_260 : vector<16xi32>
        %broadcast_in_dim3A_263 = arith.constant 3 : i32
        %broadcast_in_dim3A_264 = vector.broadcast %broadcast_in_dim3A_263 : i32 to vector<16xi32>
        %gather3A_265 = tpu.vector_load_idx %arg6[%add3A_235, %broadcast_in_dim3A_264] : memref<128x4xi32, #tpu.memory_space<vmem>>[vector<16xi32>, vector<16xi32>], vector<16xi32>,
        %jit3A_266 = arith.constant 0 : i32
        %jit3A_267 = arith.constant 1023 : i32
        %max3A_268 = vector.broadcast %jit3A_266 : i32 to vector<16xi32>
        %max3A_269 = arith.maxsi %max3A_268, %gather3A_265 : vector<16xi32>
        %min3A_270 = vector.broadcast %jit3A_267 : i32 to vector<16xi32>
        %min3A_271 = arith.minsi %min3A_270, %max3A_269 : vector<16xi32>
        %sub3A_272 = arith.subi %min3A_262, %min3A_244 : vector<16xi32>
        %jit3A_273 = arith.constant 0 : i32
        %jit3A_274 = arith.constant 1023 : i32
        %max3A_275 = vector.broadcast %jit3A_273 : i32 to vector<16xi32>
        %max3A_276 = arith.maxsi %max3A_275, %sub3A_272 : vector<16xi32>
        %min3A_277 = vector.broadcast %jit3A_274 : i32 to vector<16xi32>
        %min3A_278 = arith.minsi %min3A_277, %max3A_276 : vector<16xi32>
        %sub3A_279 = arith.subi %min3A_271, %min3A_253 : vector<16xi32>
        %jit3A_280 = arith.constant 0 : i32
        %jit3A_281 = arith.constant 1023 : i32
        %max3A_282 = vector.broadcast %jit3A_280 : i32 to vector<16xi32>
        %max3A_283 = arith.maxsi %max3A_282, %sub3A_279 : vector<16xi32>
        %min3A_284 = vector.broadcast %jit3A_281 : i32 to vector<16xi32>
        %min3A_285 = arith.minsi %min3A_284, %max3A_283 : vector<16xi32>
        %add3A_286 = arith.addi %min3A_244, %min3A_262 : vector<16xi32>
        %shift_right_arithmetic3A_287 = arith.constant 1 : i32
        %shift_right_arithmetic3A_288 = vector.broadcast %shift_right_arithmetic3A_287 : i32 to vector<16xi32>
        %shift_right_arithmetic3A_289 = arith.shrsi %add3A_286, %shift_right_arithmetic3A_288 : vector<16xi32>
        %jit3A_290 = arith.constant 0 : i32
        %jit3A_291 = arith.constant 1023 : i32
        %max3A_292 = vector.broadcast %jit3A_290 : i32 to vector<16xi32>
        %max3A_293 = arith.maxsi %max3A_292, %shift_right_arithmetic3A_289 : vector<16xi32>
        %min3A_294 = vector.broadcast %jit3A_291 : i32 to vector<16xi32>
        %min3A_295 = arith.minsi %min3A_294, %max3A_293 : vector<16xi32>
        %add3A_296 = arith.addi %min3A_253, %min3A_271 : vector<16xi32>
        %shift_right_arithmetic3A_297 = arith.constant 1 : i32
        %shift_right_arithmetic3A_298 = vector.broadcast %shift_right_arithmetic3A_297 : i32 to vector<16xi32>
        %shift_right_arithmetic3A_299 = arith.shrsi %add3A_296, %shift_right_arithmetic3A_298 : vector<16xi32>
        %jit3A_300 = arith.constant 0 : i32
        %jit3A_301 = arith.constant 1023 : i32
        %max3A_302 = vector.broadcast %jit3A_300 : i32 to vector<16xi32>
        %max3A_303 = arith.maxsi %max3A_302, %shift_right_arithmetic3A_299 : vector<16xi32>
        %min3A_304 = vector.broadcast %jit3A_301 : i32 to vector<16xi32>
        %min3A_305 = arith.minsi %min3A_304, %max3A_303 : vector<16xi32>
        %add3A_306 = arith.constant 1024 : i32
        %add3A_307 = vector.broadcast %add3A_306 : i32 to vector<16xi32>
        %add3A_308 = arith.addi %min3A_253, %add3A_307 : vector<16xi32>
        %add3A_309 = arith.constant 2048 : i32
        %add3A_310 = vector.broadcast %add3A_309 : i32 to vector<16xi32>
        %add3A_311 = arith.addi %min3A_262, %add3A_310 : vector<16xi32>
        %add3A_312 = arith.constant 3072 : i32
        %add3A_313 = vector.broadcast %add3A_312 : i32 to vector<16xi32>
        %add3A_314 = arith.addi %min3A_271, %add3A_313 : vector<16xi32>
        %add3A_315 = arith.constant 4096 : i32
        %add3A_316 = vector.broadcast %add3A_315 : i32 to vector<16xi32>
        %add3A_317 = arith.addi %min3A_278, %add3A_316 : vector<16xi32>
        %add3A_318 = arith.constant 5120 : i32
        %add3A_319 = vector.broadcast %add3A_318 : i32 to vector<16xi32>
        %add3A_320 = arith.addi %min3A_285, %add3A_319 : vector<16xi32>
        %add3A_321 = arith.constant 6144 : i32
        %add3A_322 = vector.broadcast %add3A_321 : i32 to vector<16xi32>
        %add3A_323 = arith.addi %min3A_295, %add3A_322 : vector<16xi32>
        %add3A_324 = arith.constant 7168 : i32
        %add3A_325 = vector.broadcast %add3A_324 : i32 to vector<16xi32>
        %add3A_326 = arith.addi %min3A_305, %add3A_325 : vector<16xi32>
        %and3A_327 = arith.constant 7 : i32
        %and3A_328 = vector.broadcast %and3A_327 : i32 to vector<16xi32>
        %and3A_329 = arith.andi %iota3A_226, %and3A_328 : vector<16xi32>
        %add3A_330 = arith.constant 0 : i32
        %add3A_331 = vector.broadcast %add3A_330 : i32 to vector<16xi32>
        %add3A_332 = arith.addi %add3A_331, %and3A_329 : vector<16xi32>
        tpu.vector_store_idx %arg8[%add3A_332], %min3A_244 masked %ge3A_229 : memref<64xi32, #tpu.memory_space<vmem>>[vector<16xi32>], vector<16xi32>, vector<16xi1>
        %and3A_333 = arith.constant 7 : i32
        %and3A_334 = vector.broadcast %and3A_333 : i32 to vector<16xi32>
        %and3A_335 = arith.andi %iota3A_226, %and3A_334 : vector<16xi32>
        %add3A_336 = arith.constant 8 : i32
        %add3A_337 = vector.broadcast %add3A_336 : i32 to vector<16xi32>
        %add3A_338 = arith.addi %add3A_337, %and3A_335 : vector<16xi32>
        tpu.vector_store_idx %arg8[%add3A_338], %add3A_308 masked %ge3A_229 : memref<64xi32, #tpu.memory_space<vmem>>[vector<16xi32>], vector<16xi32>, vector<16xi1>
        %and3A_339 = arith.constant 7 : i32
        %and3A_340 = vector.broadcast %and3A_339 : i32 to vector<16xi32>
        %and3A_341 = arith.andi %iota3A_226, %and3A_340 : vector<16xi32>
        %add3A_342 = arith.constant 16 : i32
        %add3A_343 = vector.broadcast %add3A_342 : i32 to vector<16xi32>
        %add3A_344 = arith.addi %add3A_343, %and3A_341 : vector<16xi32>
        tpu.vector_store_idx %arg8[%add3A_344], %add3A_311 masked %ge3A_229 : memref<64xi32, #tpu.memory_space<vmem>>[vector<16xi32>], vector<16xi32>, vector<16xi1>
        %and3A_345 = arith.constant 7 : i32
        %and3A_346 = vector.broadcast %and3A_345 : i32 to vector<16xi32>
        %and3A_347 = arith.andi %iota3A_226, %and3A_346 : vector<16xi32>
        %add3A_348 = arith.constant 24 : i32
        %add3A_349 = vector.broadcast %add3A_348 : i32 to vector<16xi32>
        %add3A_350 = arith.addi %add3A_349, %and3A_347 : vector<16xi32>
        tpu.vector_store_idx %arg8[%add3A_350], %add3A_314 masked %ge3A_229 : memref<64xi32, #tpu.memory_space<vmem>>[vector<16xi32>], vector<16xi32>, vector<16xi1>
        %and3A_351 = arith.constant 7 : i32
        %and3A_352 = vector.broadcast %and3A_351 : i32 to vector<16xi32>
        %and3A_353 = arith.andi %iota3A_226, %and3A_352 : vector<16xi32>
        %add3A_354 = arith.constant 32 : i32
        %add3A_355 = vector.broadcast %add3A_354 : i32 to vector<16xi32>
        %add3A_356 = arith.addi %add3A_355, %and3A_353 : vector<16xi32>
        tpu.vector_store_idx %arg8[%add3A_356], %add3A_317 masked %ge3A_229 : memref<64xi32, #tpu.memory_space<vmem>>[vector<16xi32>], vector<16xi32>, vector<16xi1>
        %and3A_357 = arith.constant 7 : i32
        %and3A_358 = vector.broadcast %and3A_357 : i32 to vector<16xi32>
        %and3A_359 = arith.andi %iota3A_226, %and3A_358 : vector<16xi32>
        %add3A_360 = arith.constant 40 : i32
        %add3A_361 = vector.broadcast %add3A_360 : i32 to vector<16xi32>
        %add3A_362 = arith.addi %add3A_361, %and3A_359 : vector<16xi32>
        tpu.vector_store_idx %arg8[%add3A_362], %add3A_320 masked %ge3A_229 : memref<64xi32, #tpu.memory_space<vmem>>[vector<16xi32>], vector<16xi32>, vector<16xi1>
        %and3A_363 = arith.constant 7 : i32
        %and3A_364 = vector.broadcast %and3A_363 : i32 to vector<16xi32>
        %and3A_365 = arith.andi %iota3A_226, %and3A_364 : vector<16xi32>
        %add3A_366 = arith.constant 48 : i32
        %add3A_367 = vector.broadcast %add3A_366 : i32 to vector<16xi32>
        %add3A_368 = arith.addi %add3A_367, %and3A_365 : vector<16xi32>
        tpu.vector_store_idx %arg8[%add3A_368], %add3A_323 masked %ge3A_229 : memref<64xi32, #tpu.memory_space<vmem>>[vector<16xi32>], vector<16xi32>, vector<16xi1>
        %and3A_369 = arith.constant 7 : i32
        %and3A_370 = vector.broadcast %and3A_369 : i32 to vector<16xi32>
        %and3A_371 = arith.andi %iota3A_226, %and3A_370 : vector<16xi32>
        %add3A_372 = arith.constant 56 : i32
        %add3A_373 = vector.broadcast %add3A_372 : i32 to vector<16xi32>
        %add3A_374 = arith.addi %add3A_373, %and3A_371 : vector<16xi32>
        tpu.vector_store_idx %arg8[%add3A_374], %add3A_326 masked %ge3A_229 : memref<64xi32, #tpu.memory_space<vmem>>[vector<16xi32>], vector<16xi32>, vector<16xi1>
        %dma_start3A_375 = arith.constant 0 : i32
        %dma_start3A_376 = arith.constant 0 : i32
        %dma_start3A_377 = tpu.memref_slice %arg5[%dma_start3A_375, %dma_start3A_376] : memref<8192x192xi32, #tpu.memory_space<vmem_shared>> -> memref<8192x192xi32, #tpu.memory_space<vmem_shared>>
        tpu.enqueue_indirect_dma source(%dma_start3A_377 : memref<8192x192xi32, #tpu.memory_space<vmem_shared>>) target(%arg10 : memref<64x192xi32, #tpu.memory_space<vmem>>) offsets(%arg8 : memref<64xi32, #tpu.memory_space<vmem>>) semaphore(%arg14 : memref<!tpu.dma_semaphore, #tpu.memory_space<semaphore_mem>>)
      } else {
      }
      "tpu.trace_stop"() : () -> ()
      "tpu.trace_start"() <{level = 10 : i32, message = "gwait"}> : () -> ()
      %dma_wait3A_173 = arith.constant 0 : i32
      %dma_wait3A_174 = arith.constant 0 : i32
      %dma_wait3A_175 = tpu.memref_slice %arg5[%dma_wait3A_173, %dma_wait3A_174] : memref<8192x192xi32, #tpu.memory_space<vmem_shared>> -> memref<8192x192xi32, #tpu.memory_space<vmem_shared>>
      tpu.wait_indirect_dma semaphore(%arg13 : memref<!tpu.dma_semaphore, #tpu.memory_space<semaphore_mem>>) src(%dma_wait3A_175 : memref<8192x192xi32, #tpu.memory_space<vmem_shared>>) dst(%arg9 : memref<64x192xi32, #tpu.memory_space<vmem>>)
      %ge3A = arith.constant 2 : i32
      "tpu.trace_stop"() : () -> ()
      "tpu.trace_start"() <{level = 10 : i32, message = "owait"}> : () -> ()
      %ge3A_176 = arith.cmpi sge, %add3A_167, %ge3A : i32
      %convert_element_type3A_177 = arith.extui %ge3A_176 : i1 to i32
      %cond3A_178 = arith.constant 0 : i32
      %cond3A_179 = arith.cmpi ne, %convert_element_type3A_177, %cond3A_178 : i32
      scf.if %cond3A_179 {
        %add3A_216 = arith.constant 0 : i32
        %add3A_217 = arith.addi %mul3A_0, %add3A_216 : i32
        %mul3A_218 = arith.constant 2 : i32
        %mul3A_219 = arith.muli %mul3A_2, %mul3A_218 : i32
        %dma_wait3A_220 = tpu.memref_slice %arg4[%add3A_217, %mul3A_219] : memref<32768x768xf32, #tpu.memory_space<hbm>> -> memref<8x384xf32, #tpu.memory_space<hbm>>
        %dma_wait3A_221 = tpu.memref_slice %arg4[%add3A_217, %mul3A_219] : memref<32768x768xf32, #tpu.memory_space<hbm>> -> memref<8x384xf32, #tpu.memory_space<hbm>>
        tpu.wait_dma2 semaphore(%arg15 : memref<!tpu.dma_semaphore, #tpu.memory_space<semaphore_mem>>) src(%arg11 : memref<8x384xf32, #tpu.memory_space<vmem>>) dst(%dma_wait3A_221 : memref<8x384xf32, #tpu.memory_space<hbm>>)
      } else {
      }
      %parallel_loop3A = arith.constant 0 : i32
      %parallel_loop3A_180 = arith.constant 8 : i32
      %parallel_loop3A_181 = arith.constant 1 : i32
      "tpu.trace_stop"() : () -> ()
      "tpu.trace_start"() <{level = 10 : i32, message = "acc"}> : () -> ()
      scf.for %parallel_loop3A_216 = %parallel_loop3A to %parallel_loop3A_180 step %parallel_loop3A_181  : i32 {
        %parallel_loop3A_217 = arith.constant 0 : i32
        %parallel_loop3A_218 = arith.addi %parallel_loop3A_217, %parallel_loop3A_216 : i32
        %parallel_loop3A_219 = arith.index_cast %parallel_loop3A_218 : i32 to index
        %parallel_loop3A_220 = arith.constant 0 : index
        %parallel_loop3A_221 = tpu.vector_load %arg9[%parallel_loop3A_219, %parallel_loop3A_220] {strides = array<i32>} : memref<64x192xi32, #tpu.memory_space<vmem>>, vector<16xi32>,
        %parallel_loop3A_222 = vector.bitcast %parallel_loop3A_221 : vector<16xi32> to vector<32xbf16>
        %parallel_loop3A_223 = arith.constant 8 : i32
        %parallel_loop3A_224 = arith.addi %parallel_loop3A_223, %parallel_loop3A_216 : i32
        %parallel_loop3A_225 = arith.index_cast %parallel_loop3A_224 : i32 to index
        %parallel_loop3A_226 = arith.constant 0 : index
        %parallel_loop3A_227 = tpu.vector_load %arg9[%parallel_loop3A_225, %parallel_loop3A_226] {strides = array<i32>} : memref<64x192xi32, #tpu.memory_space<vmem>>, vector<16xi32>,
        %parallel_loop3A_228 = vector.bitcast %parallel_loop3A_227 : vector<16xi32> to vector<32xbf16>
        %parallel_loop3A_229 = arith.constant 16 : i32
        %parallel_loop3A_230 = arith.addi %parallel_loop3A_229, %parallel_loop3A_216 : i32
        %parallel_loop3A_231 = arith.index_cast %parallel_loop3A_230 : i32 to index
        %parallel_loop3A_232 = arith.constant 0 : index
        %parallel_loop3A_233 = tpu.vector_load %arg9[%parallel_loop3A_231, %parallel_loop3A_232] {strides = array<i32>} : memref<64x192xi32, #tpu.memory_space<vmem>>, vector<16xi32>,
        %parallel_loop3A_234 = vector.bitcast %parallel_loop3A_233 : vector<16xi32> to vector<32xbf16>
        %parallel_loop3A_235 = arith.constant 24 : i32
        %parallel_loop3A_236 = arith.addi %parallel_loop3A_235, %parallel_loop3A_216 : i32
        %parallel_loop3A_237 = arith.index_cast %parallel_loop3A_236 : i32 to index
        %parallel_loop3A_238 = arith.constant 0 : index
        %parallel_loop3A_239 = tpu.vector_load %arg9[%parallel_loop3A_237, %parallel_loop3A_238] {strides = array<i32>} : memref<64x192xi32, #tpu.memory_space<vmem>>, vector<16xi32>,
        %parallel_loop3A_240 = vector.bitcast %parallel_loop3A_239 : vector<16xi32> to vector<32xbf16>
        %parallel_loop3A_241 = arith.constant 32 : i32
        %parallel_loop3A_242 = arith.addi %parallel_loop3A_241, %parallel_loop3A_216 : i32
        %parallel_loop3A_243 = arith.index_cast %parallel_loop3A_242 : i32 to index
        %parallel_loop3A_244 = arith.constant 0 : index
        %parallel_loop3A_245 = tpu.vector_load %arg9[%parallel_loop3A_243, %parallel_loop3A_244] {strides = array<i32>} : memref<64x192xi32, #tpu.memory_space<vmem>>, vector<16xi32>,
        %parallel_loop3A_246 = vector.bitcast %parallel_loop3A_245 : vector<16xi32> to vector<32xbf16>
        %parallel_loop3A_247 = arith.constant 40 : i32
        %parallel_loop3A_248 = arith.addi %parallel_loop3A_247, %parallel_loop3A_216 : i32
        %parallel_loop3A_249 = arith.index_cast %parallel_loop3A_248 : i32 to index
        %parallel_loop3A_250 = arith.constant 0 : index
        %parallel_loop3A_251 = tpu.vector_load %arg9[%parallel_loop3A_249, %parallel_loop3A_250] {strides = array<i32>} : memref<64x192xi32, #tpu.memory_space<vmem>>, vector<16xi32>,
        %parallel_loop3A_252 = vector.bitcast %parallel_loop3A_251 : vector<16xi32> to vector<32xbf16>
        %parallel_loop3A_253 = arith.constant 48 : i32
        %parallel_loop3A_254 = arith.addi %parallel_loop3A_253, %parallel_loop3A_216 : i32
        %parallel_loop3A_255 = arith.index_cast %parallel_loop3A_254 : i32 to index
        %parallel_loop3A_256 = arith.constant 0 : index
        %parallel_loop3A_257 = tpu.vector_load %arg9[%parallel_loop3A_255, %parallel_loop3A_256] {strides = array<i32>} : memref<64x192xi32, #tpu.memory_space<vmem>>, vector<16xi32>,
        %parallel_loop3A_258 = vector.bitcast %parallel_loop3A_257 : vector<16xi32> to vector<32xbf16>
        %parallel_loop3A_259 = arith.constant 56 : i32
        %parallel_loop3A_260 = arith.addi %parallel_loop3A_259, %parallel_loop3A_216 : i32
        %parallel_loop3A_261 = arith.index_cast %parallel_loop3A_260 : i32 to index
        %parallel_loop3A_262 = arith.constant 0 : index
        %parallel_loop3A_263 = tpu.vector_load %arg9[%parallel_loop3A_261, %parallel_loop3A_262] {strides = array<i32>} : memref<64x192xi32, #tpu.memory_space<vmem>>, vector<16xi32>,
        %parallel_loop3A_264 = vector.bitcast %parallel_loop3A_263 : vector<16xi32> to vector<32xbf16>
        %parallel_loop3A_265 = arith.addf %parallel_loop3A_222, %parallel_loop3A_228 : vector<32xbf16>
        %parallel_loop3A_266 = arith.addf %parallel_loop3A_234, %parallel_loop3A_240 : vector<32xbf16>
        %parallel_loop3A_267 = arith.addf %parallel_loop3A_246, %parallel_loop3A_252 : vector<32xbf16>
        %parallel_loop3A_268 = arith.addf %parallel_loop3A_258, %parallel_loop3A_264 : vector<32xbf16>
        %parallel_loop3A_269 = arith.addf %parallel_loop3A_265, %parallel_loop3A_266 : vector<32xbf16>
        %parallel_loop3A_270 = arith.addf %parallel_loop3A_267, %parallel_loop3A_268 : vector<32xbf16>
        %parallel_loop3A_271 = arith.addf %parallel_loop3A_269, %parallel_loop3A_270 : vector<32xbf16>
        %parallel_loop3A_272 = vector.bitcast %parallel_loop3A_271 : vector<32xbf16> to vector<16xi32>
        %parallel_loop3A_273 = arith.constant 16 : i32
        %parallel_loop3A_274 = vector.broadcast %parallel_loop3A_273 : i32 to vector<16xi32>
        %parallel_loop3A_275 = arith.shli %parallel_loop3A_272, %parallel_loop3A_274 : vector<16xi32>
        %parallel_loop3A_276 = vector.bitcast %parallel_loop3A_275 : vector<16xi32> to vector<16xf32>
        %parallel_loop3A_277 = arith.constant -65536 : i32
        %parallel_loop3A_278 = vector.broadcast %parallel_loop3A_277 : i32 to vector<16xi32>
        %parallel_loop3A_279 = arith.andi %parallel_loop3A_272, %parallel_loop3A_278 : vector<16xi32>
        %parallel_loop3A_280 = vector.bitcast %parallel_loop3A_279 : vector<16xi32> to vector<16xf32>
        %parallel_loop3A_281 = arith.index_cast %parallel_loop3A_216 : i32 to index
        %parallel_loop3A_282 = arith.constant 0 : index
        %parallel_loop3A_283 = tpu.vector_load %arg11[%parallel_loop3A_281, %parallel_loop3A_282] {strides = array<i32>} : memref<8x384xf32, #tpu.memory_space<vmem>>, vector<16xf32>,
        tpu.vector_store %arg11[%parallel_loop3A_281, %parallel_loop3A_282], %parallel_loop3A_276 {strides = array<i32>} : memref<8x384xf32, #tpu.memory_space<vmem>>, vector<16xf32>,
        %parallel_loop3A_284 = arith.index_cast %parallel_loop3A_216 : i32 to index
        %parallel_loop3A_285 = arith.constant 16 : index
        %parallel_loop3A_286 = tpu.vector_load %arg11[%parallel_loop3A_284, %parallel_loop3A_285] {strides = array<i32>} : memref<8x384xf32, #tpu.memory_space<vmem>>, vector<16xf32>,
        tpu.vector_store %arg11[%parallel_loop3A_284, %parallel_loop3A_285], %parallel_loop3A_280 {strides = array<i32>} : memref<8x384xf32, #tpu.memory_space<vmem>>, vector<16xf32>,
        %parallel_loop3A_287 = arith.constant 0 : i32
        %parallel_loop3A_288 = arith.addi %parallel_loop3A_287, %parallel_loop3A_216 : i32
        %parallel_loop3A_289 = arith.index_cast %parallel_loop3A_288 : i32 to index
        %parallel_loop3A_290 = arith.constant 16 : index
        %parallel_loop3A_291 = tpu.vector_load %arg9[%parallel_loop3A_289, %parallel_loop3A_290] {strides = array<i32>} : memref<64x192xi32, #tpu.memory_space<vmem>>, vector<16xi32>,
        %parallel_loop3A_292 = vector.bitcast %parallel_loop3A_291 : vector<16xi32> to vector<32xbf16>
        %parallel_loop3A_293 = arith.constant 8 : i32
        %parallel_loop3A_294 = arith.addi %parallel_loop3A_293, %parallel_loop3A_216 : i32
        %parallel_loop3A_295 = arith.index_cast %parallel_loop3A_294 : i32 to index
        %parallel_loop3A_296 = arith.constant 16 : index
        %parallel_loop3A_297 = tpu.vector_load %arg9[%parallel_loop3A_295, %parallel_loop3A_296] {strides = array<i32>} : memref<64x192xi32, #tpu.memory_space<vmem>>, vector<16xi32>,
        %parallel_loop3A_298 = vector.bitcast %parallel_loop3A_297 : vector<16xi32> to vector<32xbf16>
        %parallel_loop3A_299 = arith.constant 16 : i32
        %parallel_loop3A_300 = arith.addi %parallel_loop3A_299, %parallel_loop3A_216 : i32
        %parallel_loop3A_301 = arith.index_cast %parallel_loop3A_300 : i32 to index
        %parallel_loop3A_302 = arith.constant 16 : index
        %parallel_loop3A_303 = tpu.vector_load %arg9[%parallel_loop3A_301, %parallel_loop3A_302] {strides = array<i32>} : memref<64x192xi32, #tpu.memory_space<vmem>>, vector<16xi32>,
        %parallel_loop3A_304 = vector.bitcast %parallel_loop3A_303 : vector<16xi32> to vector<32xbf16>
        %parallel_loop3A_305 = arith.constant 24 : i32
        %parallel_loop3A_306 = arith.addi %parallel_loop3A_305, %parallel_loop3A_216 : i32
        %parallel_loop3A_307 = arith.index_cast %parallel_loop3A_306 : i32 to index
        %parallel_loop3A_308 = arith.constant 16 : index
        %parallel_loop3A_309 = tpu.vector_load %arg9[%parallel_loop3A_307, %parallel_loop3A_308] {strides = array<i32>} : memref<64x192xi32, #tpu.memory_space<vmem>>, vector<16xi32>,
        %parallel_loop3A_310 = vector.bitcast %parallel_loop3A_309 : vector<16xi32> to vector<32xbf16>
        %parallel_loop3A_311 = arith.constant 32 : i32
        %parallel_loop3A_312 = arith.addi %parallel_loop3A_311, %parallel_loop3A_216 : i32
        %parallel_loop3A_313 = arith.index_cast %parallel_loop3A_312 : i32 to index
        %parallel_loop3A_314 = arith.constant 16 : index
        %parallel_loop3A_315 = tpu.vector_load %arg9[%parallel_loop3A_313, %parallel_loop3A_314] {strides = array<i32>} : memref<64x192xi32, #tpu.memory_space<vmem>>, vector<16xi32>,
        %parallel_loop3A_316 = vector.bitcast %parallel_loop3A_315 : vector<16xi32> to vector<32xbf16>
        %parallel_loop3A_317 = arith.constant 40 : i32
        %parallel_loop3A_318 = arith.addi %parallel_loop3A_317, %parallel_loop3A_216 : i32
        %parallel_loop3A_319 = arith.index_cast %parallel_loop3A_318 : i32 to index
        %parallel_loop3A_320 = arith.constant 16 : index
        %parallel_loop3A_321 = tpu.vector_load %arg9[%parallel_loop3A_319, %parallel_loop3A_320] {strides = array<i32>} : memref<64x192xi32, #tpu.memory_space<vmem>>, vector<16xi32>,
        %parallel_loop3A_322 = vector.bitcast %parallel_loop3A_321 : vector<16xi32> to vector<32xbf16>
        %parallel_loop3A_323 = arith.constant 48 : i32
        %parallel_loop3A_324 = arith.addi %parallel_loop3A_323, %parallel_loop3A_216 : i32
        %parallel_loop3A_325 = arith.index_cast %parallel_loop3A_324 : i32 to index
        %parallel_loop3A_326 = arith.constant 16 : index
        %parallel_loop3A_327 = tpu.vector_load %arg9[%parallel_loop3A_325, %parallel_loop3A_326] {strides = array<i32>} : memref<64x192xi32, #tpu.memory_space<vmem>>, vector<16xi32>,
        %parallel_loop3A_328 = vector.bitcast %parallel_loop3A_327 : vector<16xi32> to vector<32xbf16>
        %parallel_loop3A_329 = arith.constant 56 : i32
        %parallel_loop3A_330 = arith.addi %parallel_loop3A_329, %parallel_loop3A_216 : i32
        %parallel_loop3A_331 = arith.index_cast %parallel_loop3A_330 : i32 to index
        %parallel_loop3A_332 = arith.constant 16 : index
        %parallel_loop3A_333 = tpu.vector_load %arg9[%parallel_loop3A_331, %parallel_loop3A_332] {strides = array<i32>} : memref<64x192xi32, #tpu.memory_space<vmem>>, vector<16xi32>,
        %parallel_loop3A_334 = vector.bitcast %parallel_loop3A_333 : vector<16xi32> to vector<32xbf16>
        %parallel_loop3A_335 = arith.addf %parallel_loop3A_292, %parallel_loop3A_298 : vector<32xbf16>
        %parallel_loop3A_336 = arith.addf %parallel_loop3A_304, %parallel_loop3A_310 : vector<32xbf16>
        %parallel_loop3A_337 = arith.addf %parallel_loop3A_316, %parallel_loop3A_322 : vector<32xbf16>
        %parallel_loop3A_338 = arith.addf %parallel_loop3A_328, %parallel_loop3A_334 : vector<32xbf16>
        %parallel_loop3A_339 = arith.addf %parallel_loop3A_335, %parallel_loop3A_336 : vector<32xbf16>
        %parallel_loop3A_340 = arith.addf %parallel_loop3A_337, %parallel_loop3A_338 : vector<32xbf16>
        %parallel_loop3A_341 = arith.addf %parallel_loop3A_339, %parallel_loop3A_340 : vector<32xbf16>
        %parallel_loop3A_342 = vector.bitcast %parallel_loop3A_341 : vector<32xbf16> to vector<16xi32>
        %parallel_loop3A_343 = arith.constant 16 : i32
        %parallel_loop3A_344 = vector.broadcast %parallel_loop3A_343 : i32 to vector<16xi32>
        %parallel_loop3A_345 = arith.shli %parallel_loop3A_342, %parallel_loop3A_344 : vector<16xi32>
        %parallel_loop3A_346 = vector.bitcast %parallel_loop3A_345 : vector<16xi32> to vector<16xf32>
        %parallel_loop3A_347 = arith.constant -65536 : i32
        %parallel_loop3A_348 = vector.broadcast %parallel_loop3A_347 : i32 to vector<16xi32>
        %parallel_loop3A_349 = arith.andi %parallel_loop3A_342, %parallel_loop3A_348 : vector<16xi32>
        %parallel_loop3A_350 = vector.bitcast %parallel_loop3A_349 : vector<16xi32> to vector<16xf32>
        %parallel_loop3A_351 = arith.index_cast %parallel_loop3A_216 : i32 to index
        %parallel_loop3A_352 = arith.constant 32 : index
        %parallel_loop3A_353 = tpu.vector_load %arg11[%parallel_loop3A_351, %parallel_loop3A_352] {strides = array<i32>} : memref<8x384xf32, #tpu.memory_space<vmem>>, vector<16xf32>,
        tpu.vector_store %arg11[%parallel_loop3A_351, %parallel_loop3A_352], %parallel_loop3A_346 {strides = array<i32>} : memref<8x384xf32, #tpu.memory_space<vmem>>, vector<16xf32>,
        %parallel_loop3A_354 = arith.index_cast %parallel_loop3A_216 : i32 to index
        %parallel_loop3A_355 = arith.constant 48 : index
        %parallel_loop3A_356 = tpu.vector_load %arg11[%parallel_loop3A_354, %parallel_loop3A_355] {strides = array<i32>} : memref<8x384xf32, #tpu.memory_space<vmem>>, vector<16xf32>,
        tpu.vector_store %arg11[%parallel_loop3A_354, %parallel_loop3A_355], %parallel_loop3A_350 {strides = array<i32>} : memref<8x384xf32, #tpu.memory_space<vmem>>, vector<16xf32>,
        %parallel_loop3A_357 = arith.constant 0 : i32
        %parallel_loop3A_358 = arith.addi %parallel_loop3A_357, %parallel_loop3A_216 : i32
        %parallel_loop3A_359 = arith.index_cast %parallel_loop3A_358 : i32 to index
        %parallel_loop3A_360 = arith.constant 32 : index
        %parallel_loop3A_361 = tpu.vector_load %arg9[%parallel_loop3A_359, %parallel_loop3A_360] {strides = array<i32>} : memref<64x192xi32, #tpu.memory_space<vmem>>, vector<16xi32>,
        %parallel_loop3A_362 = vector.bitcast %parallel_loop3A_361 : vector<16xi32> to vector<32xbf16>
        %parallel_loop3A_363 = arith.constant 8 : i32
        %parallel_loop3A_364 = arith.addi %parallel_loop3A_363, %parallel_loop3A_216 : i32
        %parallel_loop3A_365 = arith.index_cast %parallel_loop3A_364 : i32 to index
        %parallel_loop3A_366 = arith.constant 32 : index
        %parallel_loop3A_367 = tpu.vector_load %arg9[%parallel_loop3A_365, %parallel_loop3A_366] {strides = array<i32>} : memref<64x192xi32, #tpu.memory_space<vmem>>, vector<16xi32>,
        %parallel_loop3A_368 = vector.bitcast %parallel_loop3A_367 : vector<16xi32> to vector<32xbf16>
        %parallel_loop3A_369 = arith.constant 16 : i32
        %parallel_loop3A_370 = arith.addi %parallel_loop3A_369, %parallel_loop3A_216 : i32
        %parallel_loop3A_371 = arith.index_cast %parallel_loop3A_370 : i32 to index
        %parallel_loop3A_372 = arith.constant 32 : index
        %parallel_loop3A_373 = tpu.vector_load %arg9[%parallel_loop3A_371, %parallel_loop3A_372] {strides = array<i32>} : memref<64x192xi32, #tpu.memory_space<vmem>>, vector<16xi32>,
        %parallel_loop3A_374 = vector.bitcast %parallel_loop3A_373 : vector<16xi32> to vector<32xbf16>
        %parallel_loop3A_375 = arith.constant 24 : i32
        %parallel_loop3A_376 = arith.addi %parallel_loop3A_375, %parallel_loop3A_216 : i32
        %parallel_loop3A_377 = arith.index_cast %parallel_loop3A_376 : i32 to index
        %parallel_loop3A_378 = arith.constant 32 : index
        %parallel_loop3A_379 = tpu.vector_load %arg9[%parallel_loop3A_377, %parallel_loop3A_378] {strides = array<i32>} : memref<64x192xi32, #tpu.memory_space<vmem>>, vector<16xi32>,
        %parallel_loop3A_380 = vector.bitcast %parallel_loop3A_379 : vector<16xi32> to vector<32xbf16>
        %parallel_loop3A_381 = arith.constant 32 : i32
        %parallel_loop3A_382 = arith.addi %parallel_loop3A_381, %parallel_loop3A_216 : i32
        %parallel_loop3A_383 = arith.index_cast %parallel_loop3A_382 : i32 to index
        %parallel_loop3A_384 = arith.constant 32 : index
        %parallel_loop3A_385 = tpu.vector_load %arg9[%parallel_loop3A_383, %parallel_loop3A_384] {strides = array<i32>} : memref<64x192xi32, #tpu.memory_space<vmem>>, vector<16xi32>,
        %parallel_loop3A_386 = vector.bitcast %parallel_loop3A_385 : vector<16xi32> to vector<32xbf16>
        %parallel_loop3A_387 = arith.constant 40 : i32
        %parallel_loop3A_388 = arith.addi %parallel_loop3A_387, %parallel_loop3A_216 : i32
        %parallel_loop3A_389 = arith.index_cast %parallel_loop3A_388 : i32 to index
        %parallel_loop3A_390 = arith.constant 32 : index
        %parallel_loop3A_391 = tpu.vector_load %arg9[%parallel_loop3A_389, %parallel_loop3A_390] {strides = array<i32>} : memref<64x192xi32, #tpu.memory_space<vmem>>, vector<16xi32>,
        %parallel_loop3A_392 = vector.bitcast %parallel_loop3A_391 : vector<16xi32> to vector<32xbf16>
        %parallel_loop3A_393 = arith.constant 48 : i32
        %parallel_loop3A_394 = arith.addi %parallel_loop3A_393, %parallel_loop3A_216 : i32
        %parallel_loop3A_395 = arith.index_cast %parallel_loop3A_394 : i32 to index
        %parallel_loop3A_396 = arith.constant 32 : index
        %parallel_loop3A_397 = tpu.vector_load %arg9[%parallel_loop3A_395, %parallel_loop3A_396] {strides = array<i32>} : memref<64x192xi32, #tpu.memory_space<vmem>>, vector<16xi32>,
        %parallel_loop3A_398 = vector.bitcast %parallel_loop3A_397 : vector<16xi32> to vector<32xbf16>
        %parallel_loop3A_399 = arith.constant 56 : i32
        %parallel_loop3A_400 = arith.addi %parallel_loop3A_399, %parallel_loop3A_216 : i32
        %parallel_loop3A_401 = arith.index_cast %parallel_loop3A_400 : i32 to index
        %parallel_loop3A_402 = arith.constant 32 : index
        %parallel_loop3A_403 = tpu.vector_load %arg9[%parallel_loop3A_401, %parallel_loop3A_402] {strides = array<i32>} : memref<64x192xi32, #tpu.memory_space<vmem>>, vector<16xi32>,
        %parallel_loop3A_404 = vector.bitcast %parallel_loop3A_403 : vector<16xi32> to vector<32xbf16>
        %parallel_loop3A_405 = arith.addf %parallel_loop3A_362, %parallel_loop3A_368 : vector<32xbf16>
        %parallel_loop3A_406 = arith.addf %parallel_loop3A_374, %parallel_loop3A_380 : vector<32xbf16>
        %parallel_loop3A_407 = arith.addf %parallel_loop3A_386, %parallel_loop3A_392 : vector<32xbf16>
        %parallel_loop3A_408 = arith.addf %parallel_loop3A_398, %parallel_loop3A_404 : vector<32xbf16>
        %parallel_loop3A_409 = arith.addf %parallel_loop3A_405, %parallel_loop3A_406 : vector<32xbf16>
        %parallel_loop3A_410 = arith.addf %parallel_loop3A_407, %parallel_loop3A_408 : vector<32xbf16>
        %parallel_loop3A_411 = arith.addf %parallel_loop3A_409, %parallel_loop3A_410 : vector<32xbf16>
        %parallel_loop3A_412 = vector.bitcast %parallel_loop3A_411 : vector<32xbf16> to vector<16xi32>
        %parallel_loop3A_413 = arith.constant 16 : i32
        %parallel_loop3A_414 = vector.broadcast %parallel_loop3A_413 : i32 to vector<16xi32>
        %parallel_loop3A_415 = arith.shli %parallel_loop3A_412, %parallel_loop3A_414 : vector<16xi32>
        %parallel_loop3A_416 = vector.bitcast %parallel_loop3A_415 : vector<16xi32> to vector<16xf32>
        %parallel_loop3A_417 = arith.constant -65536 : i32
        %parallel_loop3A_418 = vector.broadcast %parallel_loop3A_417 : i32 to vector<16xi32>
        %parallel_loop3A_419 = arith.andi %parallel_loop3A_412, %parallel_loop3A_418 : vector<16xi32>
        %parallel_loop3A_420 = vector.bitcast %parallel_loop3A_419 : vector<16xi32> to vector<16xf32>
        %parallel_loop3A_421 = arith.index_cast %parallel_loop3A_216 : i32 to index
        %parallel_loop3A_422 = arith.constant 64 : index
        %parallel_loop3A_423 = tpu.vector_load %arg11[%parallel_loop3A_421, %parallel_loop3A_422] {strides = array<i32>} : memref<8x384xf32, #tpu.memory_space<vmem>>, vector<16xf32>,
        tpu.vector_store %arg11[%parallel_loop3A_421, %parallel_loop3A_422], %parallel_loop3A_416 {strides = array<i32>} : memref<8x384xf32, #tpu.memory_space<vmem>>, vector<16xf32>,
        %parallel_loop3A_424 = arith.index_cast %parallel_loop3A_216 : i32 to index
        %parallel_loop3A_425 = arith.constant 80 : index
        %parallel_loop3A_426 = tpu.vector_load %arg11[%parallel_loop3A_424, %parallel_loop3A_425] {strides = array<i32>} : memref<8x384xf32, #tpu.memory_space<vmem>>, vector<16xf32>,
        tpu.vector_store %arg11[%parallel_loop3A_424, %parallel_loop3A_425], %parallel_loop3A_420 {strides = array<i32>} : memref<8x384xf32, #tpu.memory_space<vmem>>, vector<16xf32>,
        %parallel_loop3A_427 = arith.constant 0 : i32
        %parallel_loop3A_428 = arith.addi %parallel_loop3A_427, %parallel_loop3A_216 : i32
        %parallel_loop3A_429 = arith.index_cast %parallel_loop3A_428 : i32 to index
        %parallel_loop3A_430 = arith.constant 48 : index
        %parallel_loop3A_431 = tpu.vector_load %arg9[%parallel_loop3A_429, %parallel_loop3A_430] {strides = array<i32>} : memref<64x192xi32, #tpu.memory_space<vmem>>, vector<16xi32>,
        %parallel_loop3A_432 = vector.bitcast %parallel_loop3A_431 : vector<16xi32> to vector<32xbf16>
        %parallel_loop3A_433 = arith.constant 8 : i32
        %parallel_loop3A_434 = arith.addi %parallel_loop3A_433, %parallel_loop3A_216 : i32
        %parallel_loop3A_435 = arith.index_cast %parallel_loop3A_434 : i32 to index
        %parallel_loop3A_436 = arith.constant 48 : index
        %parallel_loop3A_437 = tpu.vector_load %arg9[%parallel_loop3A_435, %parallel_loop3A_436] {strides = array<i32>} : memref<64x192xi32, #tpu.memory_space<vmem>>, vector<16xi32>,
        %parallel_loop3A_438 = vector.bitcast %parallel_loop3A_437 : vector<16xi32> to vector<32xbf16>
        %parallel_loop3A_439 = arith.constant 16 : i32
        %parallel_loop3A_440 = arith.addi %parallel_loop3A_439, %parallel_loop3A_216 : i32
        %parallel_loop3A_441 = arith.index_cast %parallel_loop3A_440 : i32 to index
        %parallel_loop3A_442 = arith.constant 48 : index
        %parallel_loop3A_443 = tpu.vector_load %arg9[%parallel_loop3A_441, %parallel_loop3A_442] {strides = array<i32>} : memref<64x192xi32, #tpu.memory_space<vmem>>, vector<16xi32>,
        %parallel_loop3A_444 = vector.bitcast %parallel_loop3A_443 : vector<16xi32> to vector<32xbf16>
        %parallel_loop3A_445 = arith.constant 24 : i32
        %parallel_loop3A_446 = arith.addi %parallel_loop3A_445, %parallel_loop3A_216 : i32
        %parallel_loop3A_447 = arith.index_cast %parallel_loop3A_446 : i32 to index
        %parallel_loop3A_448 = arith.constant 48 : index
        %parallel_loop3A_449 = tpu.vector_load %arg9[%parallel_loop3A_447, %parallel_loop3A_448] {strides = array<i32>} : memref<64x192xi32, #tpu.memory_space<vmem>>, vector<16xi32>,
        %parallel_loop3A_450 = vector.bitcast %parallel_loop3A_449 : vector<16xi32> to vector<32xbf16>
        %parallel_loop3A_451 = arith.constant 32 : i32
        %parallel_loop3A_452 = arith.addi %parallel_loop3A_451, %parallel_loop3A_216 : i32
        %parallel_loop3A_453 = arith.index_cast %parallel_loop3A_452 : i32 to index
        %parallel_loop3A_454 = arith.constant 48 : index
        %parallel_loop3A_455 = tpu.vector_load %arg9[%parallel_loop3A_453, %parallel_loop3A_454] {strides = array<i32>} : memref<64x192xi32, #tpu.memory_space<vmem>>, vector<16xi32>,
        %parallel_loop3A_456 = vector.bitcast %parallel_loop3A_455 : vector<16xi32> to vector<32xbf16>
        %parallel_loop3A_457 = arith.constant 40 : i32
        %parallel_loop3A_458 = arith.addi %parallel_loop3A_457, %parallel_loop3A_216 : i32
        %parallel_loop3A_459 = arith.index_cast %parallel_loop3A_458 : i32 to index
        %parallel_loop3A_460 = arith.constant 48 : index
        %parallel_loop3A_461 = tpu.vector_load %arg9[%parallel_loop3A_459, %parallel_loop3A_460] {strides = array<i32>} : memref<64x192xi32, #tpu.memory_space<vmem>>, vector<16xi32>,
        %parallel_loop3A_462 = vector.bitcast %parallel_loop3A_461 : vector<16xi32> to vector<32xbf16>
        %parallel_loop3A_463 = arith.constant 48 : i32
        %parallel_loop3A_464 = arith.addi %parallel_loop3A_463, %parallel_loop3A_216 : i32
        %parallel_loop3A_465 = arith.index_cast %parallel_loop3A_464 : i32 to index
        %parallel_loop3A_466 = arith.constant 48 : index
        %parallel_loop3A_467 = tpu.vector_load %arg9[%parallel_loop3A_465, %parallel_loop3A_466] {strides = array<i32>} : memref<64x192xi32, #tpu.memory_space<vmem>>, vector<16xi32>,
        %parallel_loop3A_468 = vector.bitcast %parallel_loop3A_467 : vector<16xi32> to vector<32xbf16>
        %parallel_loop3A_469 = arith.constant 56 : i32
        %parallel_loop3A_470 = arith.addi %parallel_loop3A_469, %parallel_loop3A_216 : i32
        %parallel_loop3A_471 = arith.index_cast %parallel_loop3A_470 : i32 to index
        %parallel_loop3A_472 = arith.constant 48 : index
        %parallel_loop3A_473 = tpu.vector_load %arg9[%parallel_loop3A_471, %parallel_loop3A_472] {strides = array<i32>} : memref<64x192xi32, #tpu.memory_space<vmem>>, vector<16xi32>,
        %parallel_loop3A_474 = vector.bitcast %parallel_loop3A_473 : vector<16xi32> to vector<32xbf16>
        %parallel_loop3A_475 = arith.addf %parallel_loop3A_432, %parallel_loop3A_438 : vector<32xbf16>
        %parallel_loop3A_476 = arith.addf %parallel_loop3A_444, %parallel_loop3A_450 : vector<32xbf16>
        %parallel_loop3A_477 = arith.addf %parallel_loop3A_456, %parallel_loop3A_462 : vector<32xbf16>
        %parallel_loop3A_478 = arith.addf %parallel_loop3A_468, %parallel_loop3A_474 : vector<32xbf16>
        %parallel_loop3A_479 = arith.addf %parallel_loop3A_475, %parallel_loop3A_476 : vector<32xbf16>
        %parallel_loop3A_480 = arith.addf %parallel_loop3A_477, %parallel_loop3A_478 : vector<32xbf16>
        %parallel_loop3A_481 = arith.addf %parallel_loop3A_479, %parallel_loop3A_480 : vector<32xbf16>
        %parallel_loop3A_482 = vector.bitcast %parallel_loop3A_481 : vector<32xbf16> to vector<16xi32>
        %parallel_loop3A_483 = arith.constant 16 : i32
        %parallel_loop3A_484 = vector.broadcast %parallel_loop3A_483 : i32 to vector<16xi32>
        %parallel_loop3A_485 = arith.shli %parallel_loop3A_482, %parallel_loop3A_484 : vector<16xi32>
        %parallel_loop3A_486 = vector.bitcast %parallel_loop3A_485 : vector<16xi32> to vector<16xf32>
        %parallel_loop3A_487 = arith.constant -65536 : i32
        %parallel_loop3A_488 = vector.broadcast %parallel_loop3A_487 : i32 to vector<16xi32>
        %parallel_loop3A_489 = arith.andi %parallel_loop3A_482, %parallel_loop3A_488 : vector<16xi32>
        %parallel_loop3A_490 = vector.bitcast %parallel_loop3A_489 : vector<16xi32> to vector<16xf32>
        %parallel_loop3A_491 = arith.index_cast %parallel_loop3A_216 : i32 to index
        %parallel_loop3A_492 = arith.constant 96 : index
        %parallel_loop3A_493 = tpu.vector_load %arg11[%parallel_loop3A_491, %parallel_loop3A_492] {strides = array<i32>} : memref<8x384xf32, #tpu.memory_space<vmem>>, vector<16xf32>,
        tpu.vector_store %arg11[%parallel_loop3A_491, %parallel_loop3A_492], %parallel_loop3A_486 {strides = array<i32>} : memref<8x384xf32, #tpu.memory_space<vmem>>, vector<16xf32>,
        %parallel_loop3A_494 = arith.index_cast %parallel_loop3A_216 : i32 to index
        %parallel_loop3A_495 = arith.constant 112 : index
        %parallel_loop3A_496 = tpu.vector_load %arg11[%parallel_loop3A_494, %parallel_loop3A_495] {strides = array<i32>} : memref<8x384xf32, #tpu.memory_space<vmem>>, vector<16xf32>,
        tpu.vector_store %arg11[%parallel_loop3A_494, %parallel_loop3A_495], %parallel_loop3A_490 {strides = array<i32>} : memref<8x384xf32, #tpu.memory_space<vmem>>, vector<16xf32>,
        %parallel_loop3A_497 = arith.constant 0 : i32
        %parallel_loop3A_498 = arith.addi %parallel_loop3A_497, %parallel_loop3A_216 : i32
        %parallel_loop3A_499 = arith.index_cast %parallel_loop3A_498 : i32 to index
        %parallel_loop3A_500 = arith.constant 64 : index
        %parallel_loop3A_501 = tpu.vector_load %arg9[%parallel_loop3A_499, %parallel_loop3A_500] {strides = array<i32>} : memref<64x192xi32, #tpu.memory_space<vmem>>, vector<16xi32>,
        %parallel_loop3A_502 = vector.bitcast %parallel_loop3A_501 : vector<16xi32> to vector<32xbf16>
        %parallel_loop3A_503 = arith.constant 8 : i32
        %parallel_loop3A_504 = arith.addi %parallel_loop3A_503, %parallel_loop3A_216 : i32
        %parallel_loop3A_505 = arith.index_cast %parallel_loop3A_504 : i32 to index
        %parallel_loop3A_506 = arith.constant 64 : index
        %parallel_loop3A_507 = tpu.vector_load %arg9[%parallel_loop3A_505, %parallel_loop3A_506] {strides = array<i32>} : memref<64x192xi32, #tpu.memory_space<vmem>>, vector<16xi32>,
        %parallel_loop3A_508 = vector.bitcast %parallel_loop3A_507 : vector<16xi32> to vector<32xbf16>
        %parallel_loop3A_509 = arith.constant 16 : i32
        %parallel_loop3A_510 = arith.addi %parallel_loop3A_509, %parallel_loop3A_216 : i32
        %parallel_loop3A_511 = arith.index_cast %parallel_loop3A_510 : i32 to index
        %parallel_loop3A_512 = arith.constant 64 : index
        %parallel_loop3A_513 = tpu.vector_load %arg9[%parallel_loop3A_511, %parallel_loop3A_512] {strides = array<i32>} : memref<64x192xi32, #tpu.memory_space<vmem>>, vector<16xi32>,
        %parallel_loop3A_514 = vector.bitcast %parallel_loop3A_513 : vector<16xi32> to vector<32xbf16>
        %parallel_loop3A_515 = arith.constant 24 : i32
        %parallel_loop3A_516 = arith.addi %parallel_loop3A_515, %parallel_loop3A_216 : i32
        %parallel_loop3A_517 = arith.index_cast %parallel_loop3A_516 : i32 to index
        %parallel_loop3A_518 = arith.constant 64 : index
        %parallel_loop3A_519 = tpu.vector_load %arg9[%parallel_loop3A_517, %parallel_loop3A_518] {strides = array<i32>} : memref<64x192xi32, #tpu.memory_space<vmem>>, vector<16xi32>,
        %parallel_loop3A_520 = vector.bitcast %parallel_loop3A_519 : vector<16xi32> to vector<32xbf16>
        %parallel_loop3A_521 = arith.constant 32 : i32
        %parallel_loop3A_522 = arith.addi %parallel_loop3A_521, %parallel_loop3A_216 : i32
        %parallel_loop3A_523 = arith.index_cast %parallel_loop3A_522 : i32 to index
        %parallel_loop3A_524 = arith.constant 64 : index
        %parallel_loop3A_525 = tpu.vector_load %arg9[%parallel_loop3A_523, %parallel_loop3A_524] {strides = array<i32>} : memref<64x192xi32, #tpu.memory_space<vmem>>, vector<16xi32>,
        %parallel_loop3A_526 = vector.bitcast %parallel_loop3A_525 : vector<16xi32> to vector<32xbf16>
        %parallel_loop3A_527 = arith.constant 40 : i32
        %parallel_loop3A_528 = arith.addi %parallel_loop3A_527, %parallel_loop3A_216 : i32
        %parallel_loop3A_529 = arith.index_cast %parallel_loop3A_528 : i32 to index
        %parallel_loop3A_530 = arith.constant 64 : index
        %parallel_loop3A_531 = tpu.vector_load %arg9[%parallel_loop3A_529, %parallel_loop3A_530] {strides = array<i32>} : memref<64x192xi32, #tpu.memory_space<vmem>>, vector<16xi32>,
        %parallel_loop3A_532 = vector.bitcast %parallel_loop3A_531 : vector<16xi32> to vector<32xbf16>
        %parallel_loop3A_533 = arith.constant 48 : i32
        %parallel_loop3A_534 = arith.addi %parallel_loop3A_533, %parallel_loop3A_216 : i32
        %parallel_loop3A_535 = arith.index_cast %parallel_loop3A_534 : i32 to index
        %parallel_loop3A_536 = arith.constant 64 : index
        %parallel_loop3A_537 = tpu.vector_load %arg9[%parallel_loop3A_535, %parallel_loop3A_536] {strides = array<i32>} : memref<64x192xi32, #tpu.memory_space<vmem>>, vector<16xi32>,
        %parallel_loop3A_538 = vector.bitcast %parallel_loop3A_537 : vector<16xi32> to vector<32xbf16>
        %parallel_loop3A_539 = arith.constant 56 : i32
        %parallel_loop3A_540 = arith.addi %parallel_loop3A_539, %parallel_loop3A_216 : i32
        %parallel_loop3A_541 = arith.index_cast %parallel_loop3A_540 : i32 to index
        %parallel_loop3A_542 = arith.constant 64 : index
        %parallel_loop3A_543 = tpu.vector_load %arg9[%parallel_loop3A_541, %parallel_loop3A_542] {strides = array<i32>} : memref<64x192xi32, #tpu.memory_space<vmem>>, vector<16xi32>,
        %parallel_loop3A_544 = vector.bitcast %parallel_loop3A_543 : vector<16xi32> to vector<32xbf16>
        %parallel_loop3A_545 = arith.addf %parallel_loop3A_502, %parallel_loop3A_508 : vector<32xbf16>
        %parallel_loop3A_546 = arith.addf %parallel_loop3A_514, %parallel_loop3A_520 : vector<32xbf16>
        %parallel_loop3A_547 = arith.addf %parallel_loop3A_526, %parallel_loop3A_532 : vector<32xbf16>
        %parallel_loop3A_548 = arith.addf %parallel_loop3A_538, %parallel_loop3A_544 : vector<32xbf16>
        %parallel_loop3A_549 = arith.addf %parallel_loop3A_545, %parallel_loop3A_546 : vector<32xbf16>
        %parallel_loop3A_550 = arith.addf %parallel_loop3A_547, %parallel_loop3A_548 : vector<32xbf16>
        %parallel_loop3A_551 = arith.addf %parallel_loop3A_549, %parallel_loop3A_550 : vector<32xbf16>
        %parallel_loop3A_552 = vector.bitcast %parallel_loop3A_551 : vector<32xbf16> to vector<16xi32>
        %parallel_loop3A_553 = arith.constant 16 : i32
        %parallel_loop3A_554 = vector.broadcast %parallel_loop3A_553 : i32 to vector<16xi32>
        %parallel_loop3A_555 = arith.shli %parallel_loop3A_552, %parallel_loop3A_554 : vector<16xi32>
        %parallel_loop3A_556 = vector.bitcast %parallel_loop3A_555 : vector<16xi32> to vector<16xf32>
        %parallel_loop3A_557 = arith.constant -65536 : i32
        %parallel_loop3A_558 = vector.broadcast %parallel_loop3A_557 : i32 to vector<16xi32>
        %parallel_loop3A_559 = arith.andi %parallel_loop3A_552, %parallel_loop3A_558 : vector<16xi32>
        %parallel_loop3A_560 = vector.bitcast %parallel_loop3A_559 : vector<16xi32> to vector<16xf32>
        %parallel_loop3A_561 = arith.index_cast %parallel_loop3A_216 : i32 to index
        %parallel_loop3A_562 = arith.constant 128 : index
        %parallel_loop3A_563 = tpu.vector_load %arg11[%parallel_loop3A_561, %parallel_loop3A_562] {strides = array<i32>} : memref<8x384xf32, #tpu.memory_space<vmem>>, vector<16xf32>,
        tpu.vector_store %arg11[%parallel_loop3A_561, %parallel_loop3A_562], %parallel_loop3A_556 {strides = array<i32>} : memref<8x384xf32, #tpu.memory_space<vmem>>, vector<16xf32>,
        %parallel_loop3A_564 = arith.index_cast %parallel_loop3A_216 : i32 to index
        %parallel_loop3A_565 = arith.constant 144 : index
        %parallel_loop3A_566 = tpu.vector_load %arg11[%parallel_loop3A_564, %parallel_loop3A_565] {strides = array<i32>} : memref<8x384xf32, #tpu.memory_space<vmem>>, vector<16xf32>,
        tpu.vector_store %arg11[%parallel_loop3A_564, %parallel_loop3A_565], %parallel_loop3A_560 {strides = array<i32>} : memref<8x384xf32, #tpu.memory_space<vmem>>, vector<16xf32>,
        %parallel_loop3A_567 = arith.constant 0 : i32
        %parallel_loop3A_568 = arith.addi %parallel_loop3A_567, %parallel_loop3A_216 : i32
        %parallel_loop3A_569 = arith.index_cast %parallel_loop3A_568 : i32 to index
        %parallel_loop3A_570 = arith.constant 80 : index
        %parallel_loop3A_571 = tpu.vector_load %arg9[%parallel_loop3A_569, %parallel_loop3A_570] {strides = array<i32>} : memref<64x192xi32, #tpu.memory_space<vmem>>, vector<16xi32>,
        %parallel_loop3A_572 = vector.bitcast %parallel_loop3A_571 : vector<16xi32> to vector<32xbf16>
        %parallel_loop3A_573 = arith.constant 8 : i32
        %parallel_loop3A_574 = arith.addi %parallel_loop3A_573, %parallel_loop3A_216 : i32
        %parallel_loop3A_575 = arith.index_cast %parallel_loop3A_574 : i32 to index
        %parallel_loop3A_576 = arith.constant 80 : index
        %parallel_loop3A_577 = tpu.vector_load %arg9[%parallel_loop3A_575, %parallel_loop3A_576] {strides = array<i32>} : memref<64x192xi32, #tpu.memory_space<vmem>>, vector<16xi32>,
        %parallel_loop3A_578 = vector.bitcast %parallel_loop3A_577 : vector<16xi32> to vector<32xbf16>
        %parallel_loop3A_579 = arith.constant 16 : i32
        %parallel_loop3A_580 = arith.addi %parallel_loop3A_579, %parallel_loop3A_216 : i32
        %parallel_loop3A_581 = arith.index_cast %parallel_loop3A_580 : i32 to index
        %parallel_loop3A_582 = arith.constant 80 : index
        %parallel_loop3A_583 = tpu.vector_load %arg9[%parallel_loop3A_581, %parallel_loop3A_582] {strides = array<i32>} : memref<64x192xi32, #tpu.memory_space<vmem>>, vector<16xi32>,
        %parallel_loop3A_584 = vector.bitcast %parallel_loop3A_583 : vector<16xi32> to vector<32xbf16>
        %parallel_loop3A_585 = arith.constant 24 : i32
        %parallel_loop3A_586 = arith.addi %parallel_loop3A_585, %parallel_loop3A_216 : i32
        %parallel_loop3A_587 = arith.index_cast %parallel_loop3A_586 : i32 to index
        %parallel_loop3A_588 = arith.constant 80 : index
        %parallel_loop3A_589 = tpu.vector_load %arg9[%parallel_loop3A_587, %parallel_loop3A_588] {strides = array<i32>} : memref<64x192xi32, #tpu.memory_space<vmem>>, vector<16xi32>,
        %parallel_loop3A_590 = vector.bitcast %parallel_loop3A_589 : vector<16xi32> to vector<32xbf16>
        %parallel_loop3A_591 = arith.constant 32 : i32
        %parallel_loop3A_592 = arith.addi %parallel_loop3A_591, %parallel_loop3A_216 : i32
        %parallel_loop3A_593 = arith.index_cast %parallel_loop3A_592 : i32 to index
        %parallel_loop3A_594 = arith.constant 80 : index
        %parallel_loop3A_595 = tpu.vector_load %arg9[%parallel_loop3A_593, %parallel_loop3A_594] {strides = array<i32>} : memref<64x192xi32, #tpu.memory_space<vmem>>, vector<16xi32>,
        %parallel_loop3A_596 = vector.bitcast %parallel_loop3A_595 : vector<16xi32> to vector<32xbf16>
        %parallel_loop3A_597 = arith.constant 40 : i32
        %parallel_loop3A_598 = arith.addi %parallel_loop3A_597, %parallel_loop3A_216 : i32
        %parallel_loop3A_599 = arith.index_cast %parallel_loop3A_598 : i32 to index
        %parallel_loop3A_600 = arith.constant 80 : index
        %parallel_loop3A_601 = tpu.vector_load %arg9[%parallel_loop3A_599, %parallel_loop3A_600] {strides = array<i32>} : memref<64x192xi32, #tpu.memory_space<vmem>>, vector<16xi32>,
        %parallel_loop3A_602 = vector.bitcast %parallel_loop3A_601 : vector<16xi32> to vector<32xbf16>
        %parallel_loop3A_603 = arith.constant 48 : i32
        %parallel_loop3A_604 = arith.addi %parallel_loop3A_603, %parallel_loop3A_216 : i32
        %parallel_loop3A_605 = arith.index_cast %parallel_loop3A_604 : i32 to index
        %parallel_loop3A_606 = arith.constant 80 : index
        %parallel_loop3A_607 = tpu.vector_load %arg9[%parallel_loop3A_605, %parallel_loop3A_606] {strides = array<i32>} : memref<64x192xi32, #tpu.memory_space<vmem>>, vector<16xi32>,
        %parallel_loop3A_608 = vector.bitcast %parallel_loop3A_607 : vector<16xi32> to vector<32xbf16>
        %parallel_loop3A_609 = arith.constant 56 : i32
        %parallel_loop3A_610 = arith.addi %parallel_loop3A_609, %parallel_loop3A_216 : i32
        %parallel_loop3A_611 = arith.index_cast %parallel_loop3A_610 : i32 to index
        %parallel_loop3A_612 = arith.constant 80 : index
        %parallel_loop3A_613 = tpu.vector_load %arg9[%parallel_loop3A_611, %parallel_loop3A_612] {strides = array<i32>} : memref<64x192xi32, #tpu.memory_space<vmem>>, vector<16xi32>,
        %parallel_loop3A_614 = vector.bitcast %parallel_loop3A_613 : vector<16xi32> to vector<32xbf16>
        %parallel_loop3A_615 = arith.addf %parallel_loop3A_572, %parallel_loop3A_578 : vector<32xbf16>
        %parallel_loop3A_616 = arith.addf %parallel_loop3A_584, %parallel_loop3A_590 : vector<32xbf16>
        %parallel_loop3A_617 = arith.addf %parallel_loop3A_596, %parallel_loop3A_602 : vector<32xbf16>
        %parallel_loop3A_618 = arith.addf %parallel_loop3A_608, %parallel_loop3A_614 : vector<32xbf16>
        %parallel_loop3A_619 = arith.addf %parallel_loop3A_615, %parallel_loop3A_616 : vector<32xbf16>
        %parallel_loop3A_620 = arith.addf %parallel_loop3A_617, %parallel_loop3A_618 : vector<32xbf16>
        %parallel_loop3A_621 = arith.addf %parallel_loop3A_619, %parallel_loop3A_620 : vector<32xbf16>
        %parallel_loop3A_622 = vector.bitcast %parallel_loop3A_621 : vector<32xbf16> to vector<16xi32>
        %parallel_loop3A_623 = arith.constant 16 : i32
        %parallel_loop3A_624 = vector.broadcast %parallel_loop3A_623 : i32 to vector<16xi32>
        %parallel_loop3A_625 = arith.shli %parallel_loop3A_622, %parallel_loop3A_624 : vector<16xi32>
        %parallel_loop3A_626 = vector.bitcast %parallel_loop3A_625 : vector<16xi32> to vector<16xf32>
        %parallel_loop3A_627 = arith.constant -65536 : i32
        %parallel_loop3A_628 = vector.broadcast %parallel_loop3A_627 : i32 to vector<16xi32>
        %parallel_loop3A_629 = arith.andi %parallel_loop3A_622, %parallel_loop3A_628 : vector<16xi32>
        %parallel_loop3A_630 = vector.bitcast %parallel_loop3A_629 : vector<16xi32> to vector<16xf32>
        %parallel_loop3A_631 = arith.index_cast %parallel_loop3A_216 : i32 to index
        %parallel_loop3A_632 = arith.constant 160 : index
        %parallel_loop3A_633 = tpu.vector_load %arg11[%parallel_loop3A_631, %parallel_loop3A_632] {strides = array<i32>} : memref<8x384xf32, #tpu.memory_space<vmem>>, vector<16xf32>,
        tpu.vector_store %arg11[%parallel_loop3A_631, %parallel_loop3A_632], %parallel_loop3A_626 {strides = array<i32>} : memref<8x384xf32, #tpu.memory_space<vmem>>, vector<16xf32>,
        %parallel_loop3A_634 = arith.index_cast %parallel_loop3A_216 : i32 to index
        %parallel_loop3A_635 = arith.constant 176 : index
        %parallel_loop3A_636 = tpu.vector_load %arg11[%parallel_loop3A_634, %parallel_loop3A_635] {strides = array<i32>} : memref<8x384xf32, #tpu.memory_space<vmem>>, vector<16xf32>,
        tpu.vector_store %arg11[%parallel_loop3A_634, %parallel_loop3A_635], %parallel_loop3A_630 {strides = array<i32>} : memref<8x384xf32, #tpu.memory_space<vmem>>, vector<16xf32>,
        %parallel_loop3A_637 = arith.constant 0 : i32
        %parallel_loop3A_638 = arith.addi %parallel_loop3A_637, %parallel_loop3A_216 : i32
        %parallel_loop3A_639 = arith.index_cast %parallel_loop3A_638 : i32 to index
        %parallel_loop3A_640 = arith.constant 96 : index
        %parallel_loop3A_641 = tpu.vector_load %arg9[%parallel_loop3A_639, %parallel_loop3A_640] {strides = array<i32>} : memref<64x192xi32, #tpu.memory_space<vmem>>, vector<16xi32>,
        %parallel_loop3A_642 = vector.bitcast %parallel_loop3A_641 : vector<16xi32> to vector<32xbf16>
        %parallel_loop3A_643 = arith.constant 8 : i32
        %parallel_loop3A_644 = arith.addi %parallel_loop3A_643, %parallel_loop3A_216 : i32
        %parallel_loop3A_645 = arith.index_cast %parallel_loop3A_644 : i32 to index
        %parallel_loop3A_646 = arith.constant 96 : index
        %parallel_loop3A_647 = tpu.vector_load %arg9[%parallel_loop3A_645, %parallel_loop3A_646] {strides = array<i32>} : memref<64x192xi32, #tpu.memory_space<vmem>>, vector<16xi32>,
        %parallel_loop3A_648 = vector.bitcast %parallel_loop3A_647 : vector<16xi32> to vector<32xbf16>
        %parallel_loop3A_649 = arith.constant 16 : i32
        %parallel_loop3A_650 = arith.addi %parallel_loop3A_649, %parallel_loop3A_216 : i32
        %parallel_loop3A_651 = arith.index_cast %parallel_loop3A_650 : i32 to index
        %parallel_loop3A_652 = arith.constant 96 : index
        %parallel_loop3A_653 = tpu.vector_load %arg9[%parallel_loop3A_651, %parallel_loop3A_652] {strides = array<i32>} : memref<64x192xi32, #tpu.memory_space<vmem>>, vector<16xi32>,
        %parallel_loop3A_654 = vector.bitcast %parallel_loop3A_653 : vector<16xi32> to vector<32xbf16>
        %parallel_loop3A_655 = arith.constant 24 : i32
        %parallel_loop3A_656 = arith.addi %parallel_loop3A_655, %parallel_loop3A_216 : i32
        %parallel_loop3A_657 = arith.index_cast %parallel_loop3A_656 : i32 to index
        %parallel_loop3A_658 = arith.constant 96 : index
        %parallel_loop3A_659 = tpu.vector_load %arg9[%parallel_loop3A_657, %parallel_loop3A_658] {strides = array<i32>} : memref<64x192xi32, #tpu.memory_space<vmem>>, vector<16xi32>,
        %parallel_loop3A_660 = vector.bitcast %parallel_loop3A_659 : vector<16xi32> to vector<32xbf16>
        %parallel_loop3A_661 = arith.constant 32 : i32
        %parallel_loop3A_662 = arith.addi %parallel_loop3A_661, %parallel_loop3A_216 : i32
        %parallel_loop3A_663 = arith.index_cast %parallel_loop3A_662 : i32 to index
        %parallel_loop3A_664 = arith.constant 96 : index
        %parallel_loop3A_665 = tpu.vector_load %arg9[%parallel_loop3A_663, %parallel_loop3A_664] {strides = array<i32>} : memref<64x192xi32, #tpu.memory_space<vmem>>, vector<16xi32>,
        %parallel_loop3A_666 = vector.bitcast %parallel_loop3A_665 : vector<16xi32> to vector<32xbf16>
        %parallel_loop3A_667 = arith.constant 40 : i32
        %parallel_loop3A_668 = arith.addi %parallel_loop3A_667, %parallel_loop3A_216 : i32
        %parallel_loop3A_669 = arith.index_cast %parallel_loop3A_668 : i32 to index
        %parallel_loop3A_670 = arith.constant 96 : index
        %parallel_loop3A_671 = tpu.vector_load %arg9[%parallel_loop3A_669, %parallel_loop3A_670] {strides = array<i32>} : memref<64x192xi32, #tpu.memory_space<vmem>>, vector<16xi32>,
        %parallel_loop3A_672 = vector.bitcast %parallel_loop3A_671 : vector<16xi32> to vector<32xbf16>
        %parallel_loop3A_673 = arith.constant 48 : i32
        %parallel_loop3A_674 = arith.addi %parallel_loop3A_673, %parallel_loop3A_216 : i32
        %parallel_loop3A_675 = arith.index_cast %parallel_loop3A_674 : i32 to index
        %parallel_loop3A_676 = arith.constant 96 : index
        %parallel_loop3A_677 = tpu.vector_load %arg9[%parallel_loop3A_675, %parallel_loop3A_676] {strides = array<i32>} : memref<64x192xi32, #tpu.memory_space<vmem>>, vector<16xi32>,
        %parallel_loop3A_678 = vector.bitcast %parallel_loop3A_677 : vector<16xi32> to vector<32xbf16>
        %parallel_loop3A_679 = arith.constant 56 : i32
        %parallel_loop3A_680 = arith.addi %parallel_loop3A_679, %parallel_loop3A_216 : i32
        %parallel_loop3A_681 = arith.index_cast %parallel_loop3A_680 : i32 to index
        %parallel_loop3A_682 = arith.constant 96 : index
        %parallel_loop3A_683 = tpu.vector_load %arg9[%parallel_loop3A_681, %parallel_loop3A_682] {strides = array<i32>} : memref<64x192xi32, #tpu.memory_space<vmem>>, vector<16xi32>,
        %parallel_loop3A_684 = vector.bitcast %parallel_loop3A_683 : vector<16xi32> to vector<32xbf16>
        %parallel_loop3A_685 = arith.addf %parallel_loop3A_642, %parallel_loop3A_648 : vector<32xbf16>
        %parallel_loop3A_686 = arith.addf %parallel_loop3A_654, %parallel_loop3A_660 : vector<32xbf16>
        %parallel_loop3A_687 = arith.addf %parallel_loop3A_666, %parallel_loop3A_672 : vector<32xbf16>
        %parallel_loop3A_688 = arith.addf %parallel_loop3A_678, %parallel_loop3A_684 : vector<32xbf16>
        %parallel_loop3A_689 = arith.addf %parallel_loop3A_685, %parallel_loop3A_686 : vector<32xbf16>
        %parallel_loop3A_690 = arith.addf %parallel_loop3A_687, %parallel_loop3A_688 : vector<32xbf16>
        %parallel_loop3A_691 = arith.addf %parallel_loop3A_689, %parallel_loop3A_690 : vector<32xbf16>
        %parallel_loop3A_692 = vector.bitcast %parallel_loop3A_691 : vector<32xbf16> to vector<16xi32>
        %parallel_loop3A_693 = arith.constant 16 : i32
        %parallel_loop3A_694 = vector.broadcast %parallel_loop3A_693 : i32 to vector<16xi32>
        %parallel_loop3A_695 = arith.shli %parallel_loop3A_692, %parallel_loop3A_694 : vector<16xi32>
        %parallel_loop3A_696 = vector.bitcast %parallel_loop3A_695 : vector<16xi32> to vector<16xf32>
        %parallel_loop3A_697 = arith.constant -65536 : i32
        %parallel_loop3A_698 = vector.broadcast %parallel_loop3A_697 : i32 to vector<16xi32>
        %parallel_loop3A_699 = arith.andi %parallel_loop3A_692, %parallel_loop3A_698 : vector<16xi32>
        %parallel_loop3A_700 = vector.bitcast %parallel_loop3A_699 : vector<16xi32> to vector<16xf32>
        %parallel_loop3A_701 = arith.index_cast %parallel_loop3A_216 : i32 to index
        %parallel_loop3A_702 = arith.constant 192 : index
        %parallel_loop3A_703 = tpu.vector_load %arg11[%parallel_loop3A_701, %parallel_loop3A_702] {strides = array<i32>} : memref<8x384xf32, #tpu.memory_space<vmem>>, vector<16xf32>,
        tpu.vector_store %arg11[%parallel_loop3A_701, %parallel_loop3A_702], %parallel_loop3A_696 {strides = array<i32>} : memref<8x384xf32, #tpu.memory_space<vmem>>, vector<16xf32>,
        %parallel_loop3A_704 = arith.index_cast %parallel_loop3A_216 : i32 to index
        %parallel_loop3A_705 = arith.constant 208 : index
        %parallel_loop3A_706 = tpu.vector_load %arg11[%parallel_loop3A_704, %parallel_loop3A_705] {strides = array<i32>} : memref<8x384xf32, #tpu.memory_space<vmem>>, vector<16xf32>,
        tpu.vector_store %arg11[%parallel_loop3A_704, %parallel_loop3A_705], %parallel_loop3A_700 {strides = array<i32>} : memref<8x384xf32, #tpu.memory_space<vmem>>, vector<16xf32>,
        %parallel_loop3A_707 = arith.constant 0 : i32
        %parallel_loop3A_708 = arith.addi %parallel_loop3A_707, %parallel_loop3A_216 : i32
        %parallel_loop3A_709 = arith.index_cast %parallel_loop3A_708 : i32 to index
        %parallel_loop3A_710 = arith.constant 112 : index
        %parallel_loop3A_711 = tpu.vector_load %arg9[%parallel_loop3A_709, %parallel_loop3A_710] {strides = array<i32>} : memref<64x192xi32, #tpu.memory_space<vmem>>, vector<16xi32>,
        %parallel_loop3A_712 = vector.bitcast %parallel_loop3A_711 : vector<16xi32> to vector<32xbf16>
        %parallel_loop3A_713 = arith.constant 8 : i32
        %parallel_loop3A_714 = arith.addi %parallel_loop3A_713, %parallel_loop3A_216 : i32
        %parallel_loop3A_715 = arith.index_cast %parallel_loop3A_714 : i32 to index
        %parallel_loop3A_716 = arith.constant 112 : index
        %parallel_loop3A_717 = tpu.vector_load %arg9[%parallel_loop3A_715, %parallel_loop3A_716] {strides = array<i32>} : memref<64x192xi32, #tpu.memory_space<vmem>>, vector<16xi32>,
        %parallel_loop3A_718 = vector.bitcast %parallel_loop3A_717 : vector<16xi32> to vector<32xbf16>
        %parallel_loop3A_719 = arith.constant 16 : i32
        %parallel_loop3A_720 = arith.addi %parallel_loop3A_719, %parallel_loop3A_216 : i32
        %parallel_loop3A_721 = arith.index_cast %parallel_loop3A_720 : i32 to index
        %parallel_loop3A_722 = arith.constant 112 : index
        %parallel_loop3A_723 = tpu.vector_load %arg9[%parallel_loop3A_721, %parallel_loop3A_722] {strides = array<i32>} : memref<64x192xi32, #tpu.memory_space<vmem>>, vector<16xi32>,
        %parallel_loop3A_724 = vector.bitcast %parallel_loop3A_723 : vector<16xi32> to vector<32xbf16>
        %parallel_loop3A_725 = arith.constant 24 : i32
        %parallel_loop3A_726 = arith.addi %parallel_loop3A_725, %parallel_loop3A_216 : i32
        %parallel_loop3A_727 = arith.index_cast %parallel_loop3A_726 : i32 to index
        %parallel_loop3A_728 = arith.constant 112 : index
        %parallel_loop3A_729 = tpu.vector_load %arg9[%parallel_loop3A_727, %parallel_loop3A_728] {strides = array<i32>} : memref<64x192xi32, #tpu.memory_space<vmem>>, vector<16xi32>,
        %parallel_loop3A_730 = vector.bitcast %parallel_loop3A_729 : vector<16xi32> to vector<32xbf16>
        %parallel_loop3A_731 = arith.constant 32 : i32
        %parallel_loop3A_732 = arith.addi %parallel_loop3A_731, %parallel_loop3A_216 : i32
        %parallel_loop3A_733 = arith.index_cast %parallel_loop3A_732 : i32 to index
        %parallel_loop3A_734 = arith.constant 112 : index
        %parallel_loop3A_735 = tpu.vector_load %arg9[%parallel_loop3A_733, %parallel_loop3A_734] {strides = array<i32>} : memref<64x192xi32, #tpu.memory_space<vmem>>, vector<16xi32>,
        %parallel_loop3A_736 = vector.bitcast %parallel_loop3A_735 : vector<16xi32> to vector<32xbf16>
        %parallel_loop3A_737 = arith.constant 40 : i32
        %parallel_loop3A_738 = arith.addi %parallel_loop3A_737, %parallel_loop3A_216 : i32
        %parallel_loop3A_739 = arith.index_cast %parallel_loop3A_738 : i32 to index
        %parallel_loop3A_740 = arith.constant 112 : index
        %parallel_loop3A_741 = tpu.vector_load %arg9[%parallel_loop3A_739, %parallel_loop3A_740] {strides = array<i32>} : memref<64x192xi32, #tpu.memory_space<vmem>>, vector<16xi32>,
        %parallel_loop3A_742 = vector.bitcast %parallel_loop3A_741 : vector<16xi32> to vector<32xbf16>
        %parallel_loop3A_743 = arith.constant 48 : i32
        %parallel_loop3A_744 = arith.addi %parallel_loop3A_743, %parallel_loop3A_216 : i32
        %parallel_loop3A_745 = arith.index_cast %parallel_loop3A_744 : i32 to index
        %parallel_loop3A_746 = arith.constant 112 : index
        %parallel_loop3A_747 = tpu.vector_load %arg9[%parallel_loop3A_745, %parallel_loop3A_746] {strides = array<i32>} : memref<64x192xi32, #tpu.memory_space<vmem>>, vector<16xi32>,
        %parallel_loop3A_748 = vector.bitcast %parallel_loop3A_747 : vector<16xi32> to vector<32xbf16>
        %parallel_loop3A_749 = arith.constant 56 : i32
        %parallel_loop3A_750 = arith.addi %parallel_loop3A_749, %parallel_loop3A_216 : i32
        %parallel_loop3A_751 = arith.index_cast %parallel_loop3A_750 : i32 to index
        %parallel_loop3A_752 = arith.constant 112 : index
        %parallel_loop3A_753 = tpu.vector_load %arg9[%parallel_loop3A_751, %parallel_loop3A_752] {strides = array<i32>} : memref<64x192xi32, #tpu.memory_space<vmem>>, vector<16xi32>,
        %parallel_loop3A_754 = vector.bitcast %parallel_loop3A_753 : vector<16xi32> to vector<32xbf16>
        %parallel_loop3A_755 = arith.addf %parallel_loop3A_712, %parallel_loop3A_718 : vector<32xbf16>
        %parallel_loop3A_756 = arith.addf %parallel_loop3A_724, %parallel_loop3A_730 : vector<32xbf16>
        %parallel_loop3A_757 = arith.addf %parallel_loop3A_736, %parallel_loop3A_742 : vector<32xbf16>
        %parallel_loop3A_758 = arith.addf %parallel_loop3A_748, %parallel_loop3A_754 : vector<32xbf16>
        %parallel_loop3A_759 = arith.addf %parallel_loop3A_755, %parallel_loop3A_756 : vector<32xbf16>
        %parallel_loop3A_760 = arith.addf %parallel_loop3A_757, %parallel_loop3A_758 : vector<32xbf16>
        %parallel_loop3A_761 = arith.addf %parallel_loop3A_759, %parallel_loop3A_760 : vector<32xbf16>
        %parallel_loop3A_762 = vector.bitcast %parallel_loop3A_761 : vector<32xbf16> to vector<16xi32>
        %parallel_loop3A_763 = arith.constant 16 : i32
        %parallel_loop3A_764 = vector.broadcast %parallel_loop3A_763 : i32 to vector<16xi32>
        %parallel_loop3A_765 = arith.shli %parallel_loop3A_762, %parallel_loop3A_764 : vector<16xi32>
        %parallel_loop3A_766 = vector.bitcast %parallel_loop3A_765 : vector<16xi32> to vector<16xf32>
        %parallel_loop3A_767 = arith.constant -65536 : i32
        %parallel_loop3A_768 = vector.broadcast %parallel_loop3A_767 : i32 to vector<16xi32>
        %parallel_loop3A_769 = arith.andi %parallel_loop3A_762, %parallel_loop3A_768 : vector<16xi32>
        %parallel_loop3A_770 = vector.bitcast %parallel_loop3A_769 : vector<16xi32> to vector<16xf32>
        %parallel_loop3A_771 = arith.index_cast %parallel_loop3A_216 : i32 to index
        %parallel_loop3A_772 = arith.constant 224 : index
        %parallel_loop3A_773 = tpu.vector_load %arg11[%parallel_loop3A_771, %parallel_loop3A_772] {strides = array<i32>} : memref<8x384xf32, #tpu.memory_space<vmem>>, vector<16xf32>,
        tpu.vector_store %arg11[%parallel_loop3A_771, %parallel_loop3A_772], %parallel_loop3A_766 {strides = array<i32>} : memref<8x384xf32, #tpu.memory_space<vmem>>, vector<16xf32>,
        %parallel_loop3A_774 = arith.index_cast %parallel_loop3A_216 : i32 to index
        %parallel_loop3A_775 = arith.constant 240 : index
        %parallel_loop3A_776 = tpu.vector_load %arg11[%parallel_loop3A_774, %parallel_loop3A_775] {strides = array<i32>} : memref<8x384xf32, #tpu.memory_space<vmem>>, vector<16xf32>,
        tpu.vector_store %arg11[%parallel_loop3A_774, %parallel_loop3A_775], %parallel_loop3A_770 {strides = array<i32>} : memref<8x384xf32, #tpu.memory_space<vmem>>, vector<16xf32>,
        %parallel_loop3A_777 = arith.constant 0 : i32
        %parallel_loop3A_778 = arith.addi %parallel_loop3A_777, %parallel_loop3A_216 : i32
        %parallel_loop3A_779 = arith.index_cast %parallel_loop3A_778 : i32 to index
        %parallel_loop3A_780 = arith.constant 128 : index
        %parallel_loop3A_781 = tpu.vector_load %arg9[%parallel_loop3A_779, %parallel_loop3A_780] {strides = array<i32>} : memref<64x192xi32, #tpu.memory_space<vmem>>, vector<16xi32>,
        %parallel_loop3A_782 = vector.bitcast %parallel_loop3A_781 : vector<16xi32> to vector<32xbf16>
        %parallel_loop3A_783 = arith.constant 8 : i32
        %parallel_loop3A_784 = arith.addi %parallel_loop3A_783, %parallel_loop3A_216 : i32
        %parallel_loop3A_785 = arith.index_cast %parallel_loop3A_784 : i32 to index
        %parallel_loop3A_786 = arith.constant 128 : index
        %parallel_loop3A_787 = tpu.vector_load %arg9[%parallel_loop3A_785, %parallel_loop3A_786] {strides = array<i32>} : memref<64x192xi32, #tpu.memory_space<vmem>>, vector<16xi32>,
        %parallel_loop3A_788 = vector.bitcast %parallel_loop3A_787 : vector<16xi32> to vector<32xbf16>
        %parallel_loop3A_789 = arith.constant 16 : i32
        %parallel_loop3A_790 = arith.addi %parallel_loop3A_789, %parallel_loop3A_216 : i32
        %parallel_loop3A_791 = arith.index_cast %parallel_loop3A_790 : i32 to index
        %parallel_loop3A_792 = arith.constant 128 : index
        %parallel_loop3A_793 = tpu.vector_load %arg9[%parallel_loop3A_791, %parallel_loop3A_792] {strides = array<i32>} : memref<64x192xi32, #tpu.memory_space<vmem>>, vector<16xi32>,
        %parallel_loop3A_794 = vector.bitcast %parallel_loop3A_793 : vector<16xi32> to vector<32xbf16>
        %parallel_loop3A_795 = arith.constant 24 : i32
        %parallel_loop3A_796 = arith.addi %parallel_loop3A_795, %parallel_loop3A_216 : i32
        %parallel_loop3A_797 = arith.index_cast %parallel_loop3A_796 : i32 to index
        %parallel_loop3A_798 = arith.constant 128 : index
        %parallel_loop3A_799 = tpu.vector_load %arg9[%parallel_loop3A_797, %parallel_loop3A_798] {strides = array<i32>} : memref<64x192xi32, #tpu.memory_space<vmem>>, vector<16xi32>,
        %parallel_loop3A_800 = vector.bitcast %parallel_loop3A_799 : vector<16xi32> to vector<32xbf16>
        %parallel_loop3A_801 = arith.constant 32 : i32
        %parallel_loop3A_802 = arith.addi %parallel_loop3A_801, %parallel_loop3A_216 : i32
        %parallel_loop3A_803 = arith.index_cast %parallel_loop3A_802 : i32 to index
        %parallel_loop3A_804 = arith.constant 128 : index
        %parallel_loop3A_805 = tpu.vector_load %arg9[%parallel_loop3A_803, %parallel_loop3A_804] {strides = array<i32>} : memref<64x192xi32, #tpu.memory_space<vmem>>, vector<16xi32>,
        %parallel_loop3A_806 = vector.bitcast %parallel_loop3A_805 : vector<16xi32> to vector<32xbf16>
        %parallel_loop3A_807 = arith.constant 40 : i32
        %parallel_loop3A_808 = arith.addi %parallel_loop3A_807, %parallel_loop3A_216 : i32
        %parallel_loop3A_809 = arith.index_cast %parallel_loop3A_808 : i32 to index
        %parallel_loop3A_810 = arith.constant 128 : index
        %parallel_loop3A_811 = tpu.vector_load %arg9[%parallel_loop3A_809, %parallel_loop3A_810] {strides = array<i32>} : memref<64x192xi32, #tpu.memory_space<vmem>>, vector<16xi32>,
        %parallel_loop3A_812 = vector.bitcast %parallel_loop3A_811 : vector<16xi32> to vector<32xbf16>
        %parallel_loop3A_813 = arith.constant 48 : i32
        %parallel_loop3A_814 = arith.addi %parallel_loop3A_813, %parallel_loop3A_216 : i32
        %parallel_loop3A_815 = arith.index_cast %parallel_loop3A_814 : i32 to index
        %parallel_loop3A_816 = arith.constant 128 : index
        %parallel_loop3A_817 = tpu.vector_load %arg9[%parallel_loop3A_815, %parallel_loop3A_816] {strides = array<i32>} : memref<64x192xi32, #tpu.memory_space<vmem>>, vector<16xi32>,
        %parallel_loop3A_818 = vector.bitcast %parallel_loop3A_817 : vector<16xi32> to vector<32xbf16>
        %parallel_loop3A_819 = arith.constant 56 : i32
        %parallel_loop3A_820 = arith.addi %parallel_loop3A_819, %parallel_loop3A_216 : i32
        %parallel_loop3A_821 = arith.index_cast %parallel_loop3A_820 : i32 to index
        %parallel_loop3A_822 = arith.constant 128 : index
        %parallel_loop3A_823 = tpu.vector_load %arg9[%parallel_loop3A_821, %parallel_loop3A_822] {strides = array<i32>} : memref<64x192xi32, #tpu.memory_space<vmem>>, vector<16xi32>,
        %parallel_loop3A_824 = vector.bitcast %parallel_loop3A_823 : vector<16xi32> to vector<32xbf16>
        %parallel_loop3A_825 = arith.addf %parallel_loop3A_782, %parallel_loop3A_788 : vector<32xbf16>
        %parallel_loop3A_826 = arith.addf %parallel_loop3A_794, %parallel_loop3A_800 : vector<32xbf16>
        %parallel_loop3A_827 = arith.addf %parallel_loop3A_806, %parallel_loop3A_812 : vector<32xbf16>
        %parallel_loop3A_828 = arith.addf %parallel_loop3A_818, %parallel_loop3A_824 : vector<32xbf16>
        %parallel_loop3A_829 = arith.addf %parallel_loop3A_825, %parallel_loop3A_826 : vector<32xbf16>
        %parallel_loop3A_830 = arith.addf %parallel_loop3A_827, %parallel_loop3A_828 : vector<32xbf16>
        %parallel_loop3A_831 = arith.addf %parallel_loop3A_829, %parallel_loop3A_830 : vector<32xbf16>
        %parallel_loop3A_832 = vector.bitcast %parallel_loop3A_831 : vector<32xbf16> to vector<16xi32>
        %parallel_loop3A_833 = arith.constant 16 : i32
        %parallel_loop3A_834 = vector.broadcast %parallel_loop3A_833 : i32 to vector<16xi32>
        %parallel_loop3A_835 = arith.shli %parallel_loop3A_832, %parallel_loop3A_834 : vector<16xi32>
        %parallel_loop3A_836 = vector.bitcast %parallel_loop3A_835 : vector<16xi32> to vector<16xf32>
        %parallel_loop3A_837 = arith.constant -65536 : i32
        %parallel_loop3A_838 = vector.broadcast %parallel_loop3A_837 : i32 to vector<16xi32>
        %parallel_loop3A_839 = arith.andi %parallel_loop3A_832, %parallel_loop3A_838 : vector<16xi32>
        %parallel_loop3A_840 = vector.bitcast %parallel_loop3A_839 : vector<16xi32> to vector<16xf32>
        %parallel_loop3A_841 = arith.index_cast %parallel_loop3A_216 : i32 to index
        %parallel_loop3A_842 = arith.constant 256 : index
        %parallel_loop3A_843 = tpu.vector_load %arg11[%parallel_loop3A_841, %parallel_loop3A_842] {strides = array<i32>} : memref<8x384xf32, #tpu.memory_space<vmem>>, vector<16xf32>,
        tpu.vector_store %arg11[%parallel_loop3A_841, %parallel_loop3A_842], %parallel_loop3A_836 {strides = array<i32>} : memref<8x384xf32, #tpu.memory_space<vmem>>, vector<16xf32>,
        %parallel_loop3A_844 = arith.index_cast %parallel_loop3A_216 : i32 to index
        %parallel_loop3A_845 = arith.constant 272 : index
        %parallel_loop3A_846 = tpu.vector_load %arg11[%parallel_loop3A_844, %parallel_loop3A_845] {strides = array<i32>} : memref<8x384xf32, #tpu.memory_space<vmem>>, vector<16xf32>,
        tpu.vector_store %arg11[%parallel_loop3A_844, %parallel_loop3A_845], %parallel_loop3A_840 {strides = array<i32>} : memref<8x384xf32, #tpu.memory_space<vmem>>, vector<16xf32>,
        %parallel_loop3A_847 = arith.constant 0 : i32
        %parallel_loop3A_848 = arith.addi %parallel_loop3A_847, %parallel_loop3A_216 : i32
        %parallel_loop3A_849 = arith.index_cast %parallel_loop3A_848 : i32 to index
        %parallel_loop3A_850 = arith.constant 144 : index
        %parallel_loop3A_851 = tpu.vector_load %arg9[%parallel_loop3A_849, %parallel_loop3A_850] {strides = array<i32>} : memref<64x192xi32, #tpu.memory_space<vmem>>, vector<16xi32>,
        %parallel_loop3A_852 = vector.bitcast %parallel_loop3A_851 : vector<16xi32> to vector<32xbf16>
        %parallel_loop3A_853 = arith.constant 8 : i32
        %parallel_loop3A_854 = arith.addi %parallel_loop3A_853, %parallel_loop3A_216 : i32
        %parallel_loop3A_855 = arith.index_cast %parallel_loop3A_854 : i32 to index
        %parallel_loop3A_856 = arith.constant 144 : index
        %parallel_loop3A_857 = tpu.vector_load %arg9[%parallel_loop3A_855, %parallel_loop3A_856] {strides = array<i32>} : memref<64x192xi32, #tpu.memory_space<vmem>>, vector<16xi32>,
        %parallel_loop3A_858 = vector.bitcast %parallel_loop3A_857 : vector<16xi32> to vector<32xbf16>
        %parallel_loop3A_859 = arith.constant 16 : i32
        %parallel_loop3A_860 = arith.addi %parallel_loop3A_859, %parallel_loop3A_216 : i32
        %parallel_loop3A_861 = arith.index_cast %parallel_loop3A_860 : i32 to index
        %parallel_loop3A_862 = arith.constant 144 : index
        %parallel_loop3A_863 = tpu.vector_load %arg9[%parallel_loop3A_861, %parallel_loop3A_862] {strides = array<i32>} : memref<64x192xi32, #tpu.memory_space<vmem>>, vector<16xi32>,
        %parallel_loop3A_864 = vector.bitcast %parallel_loop3A_863 : vector<16xi32> to vector<32xbf16>
        %parallel_loop3A_865 = arith.constant 24 : i32
        %parallel_loop3A_866 = arith.addi %parallel_loop3A_865, %parallel_loop3A_216 : i32
        %parallel_loop3A_867 = arith.index_cast %parallel_loop3A_866 : i32 to index
        %parallel_loop3A_868 = arith.constant 144 : index
        %parallel_loop3A_869 = tpu.vector_load %arg9[%parallel_loop3A_867, %parallel_loop3A_868] {strides = array<i32>} : memref<64x192xi32, #tpu.memory_space<vmem>>, vector<16xi32>,
        %parallel_loop3A_870 = vector.bitcast %parallel_loop3A_869 : vector<16xi32> to vector<32xbf16>
        %parallel_loop3A_871 = arith.constant 32 : i32
        %parallel_loop3A_872 = arith.addi %parallel_loop3A_871, %parallel_loop3A_216 : i32
        %parallel_loop3A_873 = arith.index_cast %parallel_loop3A_872 : i32 to index
        %parallel_loop3A_874 = arith.constant 144 : index
        %parallel_loop3A_875 = tpu.vector_load %arg9[%parallel_loop3A_873, %parallel_loop3A_874] {strides = array<i32>} : memref<64x192xi32, #tpu.memory_space<vmem>>, vector<16xi32>,
        %parallel_loop3A_876 = vector.bitcast %parallel_loop3A_875 : vector<16xi32> to vector<32xbf16>
        %parallel_loop3A_877 = arith.constant 40 : i32
        %parallel_loop3A_878 = arith.addi %parallel_loop3A_877, %parallel_loop3A_216 : i32
        %parallel_loop3A_879 = arith.index_cast %parallel_loop3A_878 : i32 to index
        %parallel_loop3A_880 = arith.constant 144 : index
        %parallel_loop3A_881 = tpu.vector_load %arg9[%parallel_loop3A_879, %parallel_loop3A_880] {strides = array<i32>} : memref<64x192xi32, #tpu.memory_space<vmem>>, vector<16xi32>,
        %parallel_loop3A_882 = vector.bitcast %parallel_loop3A_881 : vector<16xi32> to vector<32xbf16>
        %parallel_loop3A_883 = arith.constant 48 : i32
        %parallel_loop3A_884 = arith.addi %parallel_loop3A_883, %parallel_loop3A_216 : i32
        %parallel_loop3A_885 = arith.index_cast %parallel_loop3A_884 : i32 to index
        %parallel_loop3A_886 = arith.constant 144 : index
        %parallel_loop3A_887 = tpu.vector_load %arg9[%parallel_loop3A_885, %parallel_loop3A_886] {strides = array<i32>} : memref<64x192xi32, #tpu.memory_space<vmem>>, vector<16xi32>,
        %parallel_loop3A_888 = vector.bitcast %parallel_loop3A_887 : vector<16xi32> to vector<32xbf16>
        %parallel_loop3A_889 = arith.constant 56 : i32
        %parallel_loop3A_890 = arith.addi %parallel_loop3A_889, %parallel_loop3A_216 : i32
        %parallel_loop3A_891 = arith.index_cast %parallel_loop3A_890 : i32 to index
        %parallel_loop3A_892 = arith.constant 144 : index
        %parallel_loop3A_893 = tpu.vector_load %arg9[%parallel_loop3A_891, %parallel_loop3A_892] {strides = array<i32>} : memref<64x192xi32, #tpu.memory_space<vmem>>, vector<16xi32>,
        %parallel_loop3A_894 = vector.bitcast %parallel_loop3A_893 : vector<16xi32> to vector<32xbf16>
        %parallel_loop3A_895 = arith.addf %parallel_loop3A_852, %parallel_loop3A_858 : vector<32xbf16>
        %parallel_loop3A_896 = arith.addf %parallel_loop3A_864, %parallel_loop3A_870 : vector<32xbf16>
        %parallel_loop3A_897 = arith.addf %parallel_loop3A_876, %parallel_loop3A_882 : vector<32xbf16>
        %parallel_loop3A_898 = arith.addf %parallel_loop3A_888, %parallel_loop3A_894 : vector<32xbf16>
        %parallel_loop3A_899 = arith.addf %parallel_loop3A_895, %parallel_loop3A_896 : vector<32xbf16>
        %parallel_loop3A_900 = arith.addf %parallel_loop3A_897, %parallel_loop3A_898 : vector<32xbf16>
        %parallel_loop3A_901 = arith.addf %parallel_loop3A_899, %parallel_loop3A_900 : vector<32xbf16>
        %parallel_loop3A_902 = vector.bitcast %parallel_loop3A_901 : vector<32xbf16> to vector<16xi32>
        %parallel_loop3A_903 = arith.constant 16 : i32
        %parallel_loop3A_904 = vector.broadcast %parallel_loop3A_903 : i32 to vector<16xi32>
        %parallel_loop3A_905 = arith.shli %parallel_loop3A_902, %parallel_loop3A_904 : vector<16xi32>
        %parallel_loop3A_906 = vector.bitcast %parallel_loop3A_905 : vector<16xi32> to vector<16xf32>
        %parallel_loop3A_907 = arith.constant -65536 : i32
        %parallel_loop3A_908 = vector.broadcast %parallel_loop3A_907 : i32 to vector<16xi32>
        %parallel_loop3A_909 = arith.andi %parallel_loop3A_902, %parallel_loop3A_908 : vector<16xi32>
        %parallel_loop3A_910 = vector.bitcast %parallel_loop3A_909 : vector<16xi32> to vector<16xf32>
        %parallel_loop3A_911 = arith.index_cast %parallel_loop3A_216 : i32 to index
        %parallel_loop3A_912 = arith.constant 288 : index
        %parallel_loop3A_913 = tpu.vector_load %arg11[%parallel_loop3A_911, %parallel_loop3A_912] {strides = array<i32>} : memref<8x384xf32, #tpu.memory_space<vmem>>, vector<16xf32>,
        tpu.vector_store %arg11[%parallel_loop3A_911, %parallel_loop3A_912], %parallel_loop3A_906 {strides = array<i32>} : memref<8x384xf32, #tpu.memory_space<vmem>>, vector<16xf32>,
        %parallel_loop3A_914 = arith.index_cast %parallel_loop3A_216 : i32 to index
        %parallel_loop3A_915 = arith.constant 304 : index
        %parallel_loop3A_916 = tpu.vector_load %arg11[%parallel_loop3A_914, %parallel_loop3A_915] {strides = array<i32>} : memref<8x384xf32, #tpu.memory_space<vmem>>, vector<16xf32>,
        tpu.vector_store %arg11[%parallel_loop3A_914, %parallel_loop3A_915], %parallel_loop3A_910 {strides = array<i32>} : memref<8x384xf32, #tpu.memory_space<vmem>>, vector<16xf32>,
        %parallel_loop3A_917 = arith.constant 0 : i32
        %parallel_loop3A_918 = arith.addi %parallel_loop3A_917, %parallel_loop3A_216 : i32
        %parallel_loop3A_919 = arith.index_cast %parallel_loop3A_918 : i32 to index
        %parallel_loop3A_920 = arith.constant 160 : index
        %parallel_loop3A_921 = tpu.vector_load %arg9[%parallel_loop3A_919, %parallel_loop3A_920] {strides = array<i32>} : memref<64x192xi32, #tpu.memory_space<vmem>>, vector<16xi32>,
        %parallel_loop3A_922 = vector.bitcast %parallel_loop3A_921 : vector<16xi32> to vector<32xbf16>
        %parallel_loop3A_923 = arith.constant 8 : i32
        %parallel_loop3A_924 = arith.addi %parallel_loop3A_923, %parallel_loop3A_216 : i32
        %parallel_loop3A_925 = arith.index_cast %parallel_loop3A_924 : i32 to index
        %parallel_loop3A_926 = arith.constant 160 : index
        %parallel_loop3A_927 = tpu.vector_load %arg9[%parallel_loop3A_925, %parallel_loop3A_926] {strides = array<i32>} : memref<64x192xi32, #tpu.memory_space<vmem>>, vector<16xi32>,
        %parallel_loop3A_928 = vector.bitcast %parallel_loop3A_927 : vector<16xi32> to vector<32xbf16>
        %parallel_loop3A_929 = arith.constant 16 : i32
        %parallel_loop3A_930 = arith.addi %parallel_loop3A_929, %parallel_loop3A_216 : i32
        %parallel_loop3A_931 = arith.index_cast %parallel_loop3A_930 : i32 to index
        %parallel_loop3A_932 = arith.constant 160 : index
        %parallel_loop3A_933 = tpu.vector_load %arg9[%parallel_loop3A_931, %parallel_loop3A_932] {strides = array<i32>} : memref<64x192xi32, #tpu.memory_space<vmem>>, vector<16xi32>,
        %parallel_loop3A_934 = vector.bitcast %parallel_loop3A_933 : vector<16xi32> to vector<32xbf16>
        %parallel_loop3A_935 = arith.constant 24 : i32
        %parallel_loop3A_936 = arith.addi %parallel_loop3A_935, %parallel_loop3A_216 : i32
        %parallel_loop3A_937 = arith.index_cast %parallel_loop3A_936 : i32 to index
        %parallel_loop3A_938 = arith.constant 160 : index
        %parallel_loop3A_939 = tpu.vector_load %arg9[%parallel_loop3A_937, %parallel_loop3A_938] {strides = array<i32>} : memref<64x192xi32, #tpu.memory_space<vmem>>, vector<16xi32>,
        %parallel_loop3A_940 = vector.bitcast %parallel_loop3A_939 : vector<16xi32> to vector<32xbf16>
        %parallel_loop3A_941 = arith.constant 32 : i32
        %parallel_loop3A_942 = arith.addi %parallel_loop3A_941, %parallel_loop3A_216 : i32
        %parallel_loop3A_943 = arith.index_cast %parallel_loop3A_942 : i32 to index
        %parallel_loop3A_944 = arith.constant 160 : index
        %parallel_loop3A_945 = tpu.vector_load %arg9[%parallel_loop3A_943, %parallel_loop3A_944] {strides = array<i32>} : memref<64x192xi32, #tpu.memory_space<vmem>>, vector<16xi32>,
        %parallel_loop3A_946 = vector.bitcast %parallel_loop3A_945 : vector<16xi32> to vector<32xbf16>
        %parallel_loop3A_947 = arith.constant 40 : i32
        %parallel_loop3A_948 = arith.addi %parallel_loop3A_947, %parallel_loop3A_216 : i32
        %parallel_loop3A_949 = arith.index_cast %parallel_loop3A_948 : i32 to index
        %parallel_loop3A_950 = arith.constant 160 : index
        %parallel_loop3A_951 = tpu.vector_load %arg9[%parallel_loop3A_949, %parallel_loop3A_950] {strides = array<i32>} : memref<64x192xi32, #tpu.memory_space<vmem>>, vector<16xi32>,
        %parallel_loop3A_952 = vector.bitcast %parallel_loop3A_951 : vector<16xi32> to vector<32xbf16>
        %parallel_loop3A_953 = arith.constant 48 : i32
        %parallel_loop3A_954 = arith.addi %parallel_loop3A_953, %parallel_loop3A_216 : i32
        %parallel_loop3A_955 = arith.index_cast %parallel_loop3A_954 : i32 to index
        %parallel_loop3A_956 = arith.constant 160 : index
        %parallel_loop3A_957 = tpu.vector_load %arg9[%parallel_loop3A_955, %parallel_loop3A_956] {strides = array<i32>} : memref<64x192xi32, #tpu.memory_space<vmem>>, vector<16xi32>,
        %parallel_loop3A_958 = vector.bitcast %parallel_loop3A_957 : vector<16xi32> to vector<32xbf16>
        %parallel_loop3A_959 = arith.constant 56 : i32
        %parallel_loop3A_960 = arith.addi %parallel_loop3A_959, %parallel_loop3A_216 : i32
        %parallel_loop3A_961 = arith.index_cast %parallel_loop3A_960 : i32 to index
        %parallel_loop3A_962 = arith.constant 160 : index
        %parallel_loop3A_963 = tpu.vector_load %arg9[%parallel_loop3A_961, %parallel_loop3A_962] {strides = array<i32>} : memref<64x192xi32, #tpu.memory_space<vmem>>, vector<16xi32>,
        %parallel_loop3A_964 = vector.bitcast %parallel_loop3A_963 : vector<16xi32> to vector<32xbf16>
        %parallel_loop3A_965 = arith.addf %parallel_loop3A_922, %parallel_loop3A_928 : vector<32xbf16>
        %parallel_loop3A_966 = arith.addf %parallel_loop3A_934, %parallel_loop3A_940 : vector<32xbf16>
        %parallel_loop3A_967 = arith.addf %parallel_loop3A_946, %parallel_loop3A_952 : vector<32xbf16>
        %parallel_loop3A_968 = arith.addf %parallel_loop3A_958, %parallel_loop3A_964 : vector<32xbf16>
        %parallel_loop3A_969 = arith.addf %parallel_loop3A_965, %parallel_loop3A_966 : vector<32xbf16>
        %parallel_loop3A_970 = arith.addf %parallel_loop3A_967, %parallel_loop3A_968 : vector<32xbf16>
        %parallel_loop3A_971 = arith.addf %parallel_loop3A_969, %parallel_loop3A_970 : vector<32xbf16>
        %parallel_loop3A_972 = vector.bitcast %parallel_loop3A_971 : vector<32xbf16> to vector<16xi32>
        %parallel_loop3A_973 = arith.constant 16 : i32
        %parallel_loop3A_974 = vector.broadcast %parallel_loop3A_973 : i32 to vector<16xi32>
        %parallel_loop3A_975 = arith.shli %parallel_loop3A_972, %parallel_loop3A_974 : vector<16xi32>
        %parallel_loop3A_976 = vector.bitcast %parallel_loop3A_975 : vector<16xi32> to vector<16xf32>
        %parallel_loop3A_977 = arith.constant -65536 : i32
        %parallel_loop3A_978 = vector.broadcast %parallel_loop3A_977 : i32 to vector<16xi32>
        %parallel_loop3A_979 = arith.andi %parallel_loop3A_972, %parallel_loop3A_978 : vector<16xi32>
        %parallel_loop3A_980 = vector.bitcast %parallel_loop3A_979 : vector<16xi32> to vector<16xf32>
        %parallel_loop3A_981 = arith.index_cast %parallel_loop3A_216 : i32 to index
        %parallel_loop3A_982 = arith.constant 320 : index
        %parallel_loop3A_983 = tpu.vector_load %arg11[%parallel_loop3A_981, %parallel_loop3A_982] {strides = array<i32>} : memref<8x384xf32, #tpu.memory_space<vmem>>, vector<16xf32>,
        tpu.vector_store %arg11[%parallel_loop3A_981, %parallel_loop3A_982], %parallel_loop3A_976 {strides = array<i32>} : memref<8x384xf32, #tpu.memory_space<vmem>>, vector<16xf32>,
        %parallel_loop3A_984 = arith.index_cast %parallel_loop3A_216 : i32 to index
        %parallel_loop3A_985 = arith.constant 336 : index
        %parallel_loop3A_986 = tpu.vector_load %arg11[%parallel_loop3A_984, %parallel_loop3A_985] {strides = array<i32>} : memref<8x384xf32, #tpu.memory_space<vmem>>, vector<16xf32>,
        tpu.vector_store %arg11[%parallel_loop3A_984, %parallel_loop3A_985], %parallel_loop3A_980 {strides = array<i32>} : memref<8x384xf32, #tpu.memory_space<vmem>>, vector<16xf32>,
        %parallel_loop3A_987 = arith.constant 0 : i32
        %parallel_loop3A_988 = arith.addi %parallel_loop3A_987, %parallel_loop3A_216 : i32
        %parallel_loop3A_989 = arith.index_cast %parallel_loop3A_988 : i32 to index
        %parallel_loop3A_990 = arith.constant 176 : index
        %parallel_loop3A_991 = tpu.vector_load %arg9[%parallel_loop3A_989, %parallel_loop3A_990] {strides = array<i32>} : memref<64x192xi32, #tpu.memory_space<vmem>>, vector<16xi32>,
        %parallel_loop3A_992 = vector.bitcast %parallel_loop3A_991 : vector<16xi32> to vector<32xbf16>
        %parallel_loop3A_993 = arith.constant 8 : i32
        %parallel_loop3A_994 = arith.addi %parallel_loop3A_993, %parallel_loop3A_216 : i32
        %parallel_loop3A_995 = arith.index_cast %parallel_loop3A_994 : i32 to index
        %parallel_loop3A_996 = arith.constant 176 : index
        %parallel_loop3A_997 = tpu.vector_load %arg9[%parallel_loop3A_995, %parallel_loop3A_996] {strides = array<i32>} : memref<64x192xi32, #tpu.memory_space<vmem>>, vector<16xi32>,
        %parallel_loop3A_998 = vector.bitcast %parallel_loop3A_997 : vector<16xi32> to vector<32xbf16>
        %parallel_loop3A_999 = arith.constant 16 : i32
        %parallel_loop3A_1000 = arith.addi %parallel_loop3A_999, %parallel_loop3A_216 : i32
        %parallel_loop3A_1001 = arith.index_cast %parallel_loop3A_1000 : i32 to index
        %parallel_loop3A_1002 = arith.constant 176 : index
        %parallel_loop3A_1003 = tpu.vector_load %arg9[%parallel_loop3A_1001, %parallel_loop3A_1002] {strides = array<i32>} : memref<64x192xi32, #tpu.memory_space<vmem>>, vector<16xi32>,
        %parallel_loop3A_1004 = vector.bitcast %parallel_loop3A_1003 : vector<16xi32> to vector<32xbf16>
        %parallel_loop3A_1005 = arith.constant 24 : i32
        %parallel_loop3A_1006 = arith.addi %parallel_loop3A_1005, %parallel_loop3A_216 : i32
        %parallel_loop3A_1007 = arith.index_cast %parallel_loop3A_1006 : i32 to index
        %parallel_loop3A_1008 = arith.constant 176 : index
        %parallel_loop3A_1009 = tpu.vector_load %arg9[%parallel_loop3A_1007, %parallel_loop3A_1008] {strides = array<i32>} : memref<64x192xi32, #tpu.memory_space<vmem>>, vector<16xi32>,
        %parallel_loop3A_1010 = vector.bitcast %parallel_loop3A_1009 : vector<16xi32> to vector<32xbf16>
        %parallel_loop3A_1011 = arith.constant 32 : i32
        %parallel_loop3A_1012 = arith.addi %parallel_loop3A_1011, %parallel_loop3A_216 : i32
        %parallel_loop3A_1013 = arith.index_cast %parallel_loop3A_1012 : i32 to index
        %parallel_loop3A_1014 = arith.constant 176 : index
        %parallel_loop3A_1015 = tpu.vector_load %arg9[%parallel_loop3A_1013, %parallel_loop3A_1014] {strides = array<i32>} : memref<64x192xi32, #tpu.memory_space<vmem>>, vector<16xi32>,
        %parallel_loop3A_1016 = vector.bitcast %parallel_loop3A_1015 : vector<16xi32> to vector<32xbf16>
        %parallel_loop3A_1017 = arith.constant 40 : i32
        %parallel_loop3A_1018 = arith.addi %parallel_loop3A_1017, %parallel_loop3A_216 : i32
        %parallel_loop3A_1019 = arith.index_cast %parallel_loop3A_1018 : i32 to index
        %parallel_loop3A_1020 = arith.constant 176 : index
        %parallel_loop3A_1021 = tpu.vector_load %arg9[%parallel_loop3A_1019, %parallel_loop3A_1020] {strides = array<i32>} : memref<64x192xi32, #tpu.memory_space<vmem>>, vector<16xi32>,
        %parallel_loop3A_1022 = vector.bitcast %parallel_loop3A_1021 : vector<16xi32> to vector<32xbf16>
        %parallel_loop3A_1023 = arith.constant 48 : i32
        %parallel_loop3A_1024 = arith.addi %parallel_loop3A_1023, %parallel_loop3A_216 : i32
        %parallel_loop3A_1025 = arith.index_cast %parallel_loop3A_1024 : i32 to index
        %parallel_loop3A_1026 = arith.constant 176 : index
        %parallel_loop3A_1027 = tpu.vector_load %arg9[%parallel_loop3A_1025, %parallel_loop3A_1026] {strides = array<i32>} : memref<64x192xi32, #tpu.memory_space<vmem>>, vector<16xi32>,
        %parallel_loop3A_1028 = vector.bitcast %parallel_loop3A_1027 : vector<16xi32> to vector<32xbf16>
        %parallel_loop3A_1029 = arith.constant 56 : i32
        %parallel_loop3A_1030 = arith.addi %parallel_loop3A_1029, %parallel_loop3A_216 : i32
        %parallel_loop3A_1031 = arith.index_cast %parallel_loop3A_1030 : i32 to index
        %parallel_loop3A_1032 = arith.constant 176 : index
        %parallel_loop3A_1033 = tpu.vector_load %arg9[%parallel_loop3A_1031, %parallel_loop3A_1032] {strides = array<i32>} : memref<64x192xi32, #tpu.memory_space<vmem>>, vector<16xi32>,
        %parallel_loop3A_1034 = vector.bitcast %parallel_loop3A_1033 : vector<16xi32> to vector<32xbf16>
        %parallel_loop3A_1035 = arith.addf %parallel_loop3A_992, %parallel_loop3A_998 : vector<32xbf16>
        %parallel_loop3A_1036 = arith.addf %parallel_loop3A_1004, %parallel_loop3A_1010 : vector<32xbf16>
        %parallel_loop3A_1037 = arith.addf %parallel_loop3A_1016, %parallel_loop3A_1022 : vector<32xbf16>
        %parallel_loop3A_1038 = arith.addf %parallel_loop3A_1028, %parallel_loop3A_1034 : vector<32xbf16>
        %parallel_loop3A_1039 = arith.addf %parallel_loop3A_1035, %parallel_loop3A_1036 : vector<32xbf16>
        %parallel_loop3A_1040 = arith.addf %parallel_loop3A_1037, %parallel_loop3A_1038 : vector<32xbf16>
        %parallel_loop3A_1041 = arith.addf %parallel_loop3A_1039, %parallel_loop3A_1040 : vector<32xbf16>
        %parallel_loop3A_1042 = vector.bitcast %parallel_loop3A_1041 : vector<32xbf16> to vector<16xi32>
        %parallel_loop3A_1043 = arith.constant 16 : i32
        %parallel_loop3A_1044 = vector.broadcast %parallel_loop3A_1043 : i32 to vector<16xi32>
        %parallel_loop3A_1045 = arith.shli %parallel_loop3A_1042, %parallel_loop3A_1044 : vector<16xi32>
        %parallel_loop3A_1046 = vector.bitcast %parallel_loop3A_1045 : vector<16xi32> to vector<16xf32>
        %parallel_loop3A_1047 = arith.constant -65536 : i32
        %parallel_loop3A_1048 = vector.broadcast %parallel_loop3A_1047 : i32 to vector<16xi32>
        %parallel_loop3A_1049 = arith.andi %parallel_loop3A_1042, %parallel_loop3A_1048 : vector<16xi32>
        %parallel_loop3A_1050 = vector.bitcast %parallel_loop3A_1049 : vector<16xi32> to vector<16xf32>
        %parallel_loop3A_1051 = arith.index_cast %parallel_loop3A_216 : i32 to index
        %parallel_loop3A_1052 = arith.constant 352 : index
        %parallel_loop3A_1053 = tpu.vector_load %arg11[%parallel_loop3A_1051, %parallel_loop3A_1052] {strides = array<i32>} : memref<8x384xf32, #tpu.memory_space<vmem>>, vector<16xf32>,
        tpu.vector_store %arg11[%parallel_loop3A_1051, %parallel_loop3A_1052], %parallel_loop3A_1046 {strides = array<i32>} : memref<8x384xf32, #tpu.memory_space<vmem>>, vector<16xf32>,
        %parallel_loop3A_1054 = arith.index_cast %parallel_loop3A_216 : i32 to index
        %parallel_loop3A_1055 = arith.constant 368 : index
        %parallel_loop3A_1056 = tpu.vector_load %arg11[%parallel_loop3A_1054, %parallel_loop3A_1055] {strides = array<i32>} : memref<8x384xf32, #tpu.memory_space<vmem>>, vector<16xf32>,
        tpu.vector_store %arg11[%parallel_loop3A_1054, %parallel_loop3A_1055], %parallel_loop3A_1050 {strides = array<i32>} : memref<8x384xf32, #tpu.memory_space<vmem>>, vector<16xf32>,
      } {sc.loop_unroll_factor = 2 : i64, sc.parallel_access}
      "tpu.trace_stop"() : () -> ()
      %mul3A_182 = arith.constant 8 : i32
      %mul3A_183 = arith.muli %add3A_167, %mul3A_182 : i32
      %add3A_184 = arith.addi %mul3A_0, %mul3A_183 : i32
      %mul3A_185 = arith.constant 2 : i32
      %mul3A_186 = arith.muli %mul3A_2, %mul3A_185 : i32
      %dma_start3A_187 = tpu.memref_slice %arg4[%add3A_184, %mul3A_186] : memref<32768x768xf32, #tpu.memory_space<hbm>> -> memref<8x384xf32, #tpu.memory_space<hbm>>
      %dma_start3A_188 = tpu.memref_slice %arg4[%add3A_184, %mul3A_186] : memref<32768x768xf32, #tpu.memory_space<hbm>> -> memref<8x384xf32, #tpu.memory_space<hbm>>
      tpu.enqueue_dma source(%arg11 : memref<8x384xf32, #tpu.memory_space<vmem>>) target(%dma_start3A_188 : memref<8x384xf32, #tpu.memory_space<hbm>>) target_semaphore(%arg15 : memref<!tpu.dma_semaphore, #tpu.memory_space<semaphore_mem>>)
      %add3A_189 = arith.constant 1 : i32
      %add3A_190 = arith.addi %add3A_165, %add3A_189 : i32
      "tpu.trace_start"() <{level = 10 : i32, message = "issue"}> : () -> ()
      %add3A_191 = arith.constant 1 : i32
      %add3A_192 = arith.addi %add3A_190, %add3A_191 : i32
      %lt3A_193 = arith.constant 256 : i32
      %lt3A_194 = arith.cmpi slt, %add3A_192, %lt3A_193 : i32
      %convert_element_type3A_195 = arith.extui %lt3A_194 : i1 to i32
      %cond3A_196 = arith.constant 0 : i32
      %cond3A_197 = arith.cmpi ne, %convert_element_type3A_195, %cond3A_196 : i32
      scf.if %cond3A_197 {
        %add3A_216 = arith.constant 1 : i32
        %add3A_217 = arith.addi %add3A_190, %add3A_216 : i32
        %mul3A_218 = arith.constant 8 : i32
        %mul3A_219 = arith.muli %add3A_217, %mul3A_218 : i32
        %and3A_220 = arith.constant 127 : i32
        %and3A_221 = arith.andi %mul3A_219, %and3A_220 : i32
        %eq3A = arith.constant 0 : i32
        %eq3A_222 = arith.cmpi eq, %and3A_221, %eq3A : i32
        %convert_element_type3A_223 = arith.extui %eq3A_222 : i1 to i32
        %cond3A_224 = arith.constant 0 : i32
        %cond3A_225 = arith.cmpi ne, %convert_element_type3A_223, %cond3A_224 : i32
        scf.if %cond3A_225 {
          %add3A_378 = arith.addi %mul3A_0, %mul3A_219 : i32
          "tpu.region"() ({
            %run_scoped3A = tpu.sem_alloc : memref<!tpu.dma_semaphore, #tpu.memory_space<semaphore_mem>>
            %dma_start3A_379 = arith.constant 0 : i32
            %dma_start3A_380 = tpu.memref_slice %arg2[%add3A_378, %dma_start3A_379] : memref<32768x4xi32, #tpu.memory_space<hbm>> -> memref<128x4xi32, #tpu.memory_space<hbm>>
            %dma_start3A_381 = arith.constant 0 : i32
            %dma_start3A_382 = tpu.memref_slice %arg2[%add3A_378, %dma_start3A_381] : memref<32768x4xi32, #tpu.memory_space<hbm>> -> memref<128x4xi32, #tpu.memory_space<hbm>>
            tpu.enqueue_dma source(%dma_start3A_382 : memref<128x4xi32, #tpu.memory_space<hbm>>) target(%arg6 : memref<128x4xi32, #tpu.memory_space<vmem>>) target_semaphore(%run_scoped3A : memref<!tpu.dma_semaphore, #tpu.memory_space<semaphore_mem>>)
            %dma_wait3A_383 = arith.constant 0 : i32
            %dma_wait3A_384 = tpu.memref_slice %arg2[%add3A_378, %dma_wait3A_383] : memref<32768x4xi32, #tpu.memory_space<hbm>> -> memref<128x4xi32, #tpu.memory_space<hbm>>
            %dma_wait3A_385 = arith.constant 0 : i32
            %dma_wait3A_386 = tpu.memref_slice %arg2[%add3A_378, %dma_wait3A_385] : memref<32768x4xi32, #tpu.memory_space<hbm>> -> memref<128x4xi32, #tpu.memory_space<hbm>>
            tpu.wait_dma2 semaphore(%run_scoped3A : memref<!tpu.dma_semaphore, #tpu.memory_space<semaphore_mem>>) src(%dma_wait3A_386 : memref<128x4xi32, #tpu.memory_space<hbm>>) dst(%arg6 : memref<128x4xi32, #tpu.memory_space<vmem>>)
            tpu.yield
          }) : () -> ()
        } else {
        }
        %iota3A_226 = tpu.iota {dimensions = array<i32: 0>} : vector<16xi32>
        %lt3A_227 = arith.constant 8 : i32
        %lt3A_228 = vector.broadcast %lt3A_227 : i32 to vector<16xi32>
        %lt3A_229 = arith.cmpi slt, %iota3A_226, %lt3A_228 : vector<16xi32>
        %and3A_230 = arith.constant 127 : i32
        %and3A_231 = arith.andi %mul3A_219, %and3A_230 : i32
        %sub3A_232 = arith.constant 0 : i32
        %sub3A_233 = arith.subi %and3A_231, %sub3A_232 : i32
        %add3A_234 = vector.broadcast %sub3A_233 : i32 to vector<16xi32>
        %add3A_235 = arith.addi %add3A_234, %iota3A_226 : vector<16xi32>
        %broadcast_in_dim3A_236 = arith.constant 0 : i32
        %broadcast_in_dim3A_237 = vector.broadcast %broadcast_in_dim3A_236 : i32 to vector<16xi32>
        %gather3A_238 = tpu.vector_load_idx %arg6[%add3A_235, %broadcast_in_dim3A_237] : memref<128x4xi32, #tpu.memory_space<vmem>>[vector<16xi32>, vector<16xi32>], vector<16xi32>,
        %jit3A_239 = arith.constant 0 : i32
        %jit3A_240 = arith.constant 1023 : i32
        %max3A_241 = vector.broadcast %jit3A_239 : i32 to vector<16xi32>
        %max3A_242 = arith.maxsi %max3A_241, %gather3A_238 : vector<16xi32>
        %min3A_243 = vector.broadcast %jit3A_240 : i32 to vector<16xi32>
        %min3A_244 = arith.minsi %min3A_243, %max3A_242 : vector<16xi32>
        %broadcast_in_dim3A_245 = arith.constant 1 : i32
        %broadcast_in_dim3A_246 = vector.broadcast %broadcast_in_dim3A_245 : i32 to vector<16xi32>
        %gather3A_247 = tpu.vector_load_idx %arg6[%add3A_235, %broadcast_in_dim3A_246] : memref<128x4xi32, #tpu.memory_space<vmem>>[vector<16xi32>, vector<16xi32>], vector<16xi32>,
        %jit3A_248 = arith.constant 0 : i32
        %jit3A_249 = arith.constant 1023 : i32
        %max3A_250 = vector.broadcast %jit3A_248 : i32 to vector<16xi32>
        %max3A_251 = arith.maxsi %max3A_250, %gather3A_247 : vector<16xi32>
        %min3A_252 = vector.broadcast %jit3A_249 : i32 to vector<16xi32>
        %min3A_253 = arith.minsi %min3A_252, %max3A_251 : vector<16xi32>
        %broadcast_in_dim3A_254 = arith.constant 2 : i32
        %broadcast_in_dim3A_255 = vector.broadcast %broadcast_in_dim3A_254 : i32 to vector<16xi32>
        %gather3A_256 = tpu.vector_load_idx %arg6[%add3A_235, %broadcast_in_dim3A_255] : memref<128x4xi32, #tpu.memory_space<vmem>>[vector<16xi32>, vector<16xi32>], vector<16xi32>,
        %jit3A_257 = arith.constant 0 : i32
        %jit3A_258 = arith.constant 1023 : i32
        %max3A_259 = vector.broadcast %jit3A_257 : i32 to vector<16xi32>
        %max3A_260 = arith.maxsi %max3A_259, %gather3A_256 : vector<16xi32>
        %min3A_261 = vector.broadcast %jit3A_258 : i32 to vector<16xi32>
        %min3A_262 = arith.minsi %min3A_261, %max3A_260 : vector<16xi32>
        %broadcast_in_dim3A_263 = arith.constant 3 : i32
        %broadcast_in_dim3A_264 = vector.broadcast %broadcast_in_dim3A_263 : i32 to vector<16xi32>
        %gather3A_265 = tpu.vector_load_idx %arg6[%add3A_235, %broadcast_in_dim3A_264] : memref<128x4xi32, #tpu.memory_space<vmem>>[vector<16xi32>, vector<16xi32>], vector<16xi32>,
        %jit3A_266 = arith.constant 0 : i32
        %jit3A_267 = arith.constant 1023 : i32
        %max3A_268 = vector.broadcast %jit3A_266 : i32 to vector<16xi32>
        %max3A_269 = arith.maxsi %max3A_268, %gather3A_265 : vector<16xi32>
        %min3A_270 = vector.broadcast %jit3A_267 : i32 to vector<16xi32>
        %min3A_271 = arith.minsi %min3A_270, %max3A_269 : vector<16xi32>
        %sub3A_272 = arith.subi %min3A_262, %min3A_244 : vector<16xi32>
        %jit3A_273 = arith.constant 0 : i32
        %jit3A_274 = arith.constant 1023 : i32
        %max3A_275 = vector.broadcast %jit3A_273 : i32 to vector<16xi32>
        %max3A_276 = arith.maxsi %max3A_275, %sub3A_272 : vector<16xi32>
        %min3A_277 = vector.broadcast %jit3A_274 : i32 to vector<16xi32>
        %min3A_278 = arith.minsi %min3A_277, %max3A_276 : vector<16xi32>
        %sub3A_279 = arith.subi %min3A_271, %min3A_253 : vector<16xi32>
        %jit3A_280 = arith.constant 0 : i32
        %jit3A_281 = arith.constant 1023 : i32
        %max3A_282 = vector.broadcast %jit3A_280 : i32 to vector<16xi32>
        %max3A_283 = arith.maxsi %max3A_282, %sub3A_279 : vector<16xi32>
        %min3A_284 = vector.broadcast %jit3A_281 : i32 to vector<16xi32>
        %min3A_285 = arith.minsi %min3A_284, %max3A_283 : vector<16xi32>
        %add3A_286 = arith.addi %min3A_244, %min3A_262 : vector<16xi32>
        %shift_right_arithmetic3A_287 = arith.constant 1 : i32
        %shift_right_arithmetic3A_288 = vector.broadcast %shift_right_arithmetic3A_287 : i32 to vector<16xi32>
        %shift_right_arithmetic3A_289 = arith.shrsi %add3A_286, %shift_right_arithmetic3A_288 : vector<16xi32>
        %jit3A_290 = arith.constant 0 : i32
        %jit3A_291 = arith.constant 1023 : i32
        %max3A_292 = vector.broadcast %jit3A_290 : i32 to vector<16xi32>
        %max3A_293 = arith.maxsi %max3A_292, %shift_right_arithmetic3A_289 : vector<16xi32>
        %min3A_294 = vector.broadcast %jit3A_291 : i32 to vector<16xi32>
        %min3A_295 = arith.minsi %min3A_294, %max3A_293 : vector<16xi32>
        %add3A_296 = arith.addi %min3A_253, %min3A_271 : vector<16xi32>
        %shift_right_arithmetic3A_297 = arith.constant 1 : i32
        %shift_right_arithmetic3A_298 = vector.broadcast %shift_right_arithmetic3A_297 : i32 to vector<16xi32>
        %shift_right_arithmetic3A_299 = arith.shrsi %add3A_296, %shift_right_arithmetic3A_298 : vector<16xi32>
        %jit3A_300 = arith.constant 0 : i32
        %jit3A_301 = arith.constant 1023 : i32
        %max3A_302 = vector.broadcast %jit3A_300 : i32 to vector<16xi32>
        %max3A_303 = arith.maxsi %max3A_302, %shift_right_arithmetic3A_299 : vector<16xi32>
        %min3A_304 = vector.broadcast %jit3A_301 : i32 to vector<16xi32>
        %min3A_305 = arith.minsi %min3A_304, %max3A_303 : vector<16xi32>
        %add3A_306 = arith.constant 1024 : i32
        %add3A_307 = vector.broadcast %add3A_306 : i32 to vector<16xi32>
        %add3A_308 = arith.addi %min3A_253, %add3A_307 : vector<16xi32>
        %add3A_309 = arith.constant 2048 : i32
        %add3A_310 = vector.broadcast %add3A_309 : i32 to vector<16xi32>
        %add3A_311 = arith.addi %min3A_262, %add3A_310 : vector<16xi32>
        %add3A_312 = arith.constant 3072 : i32
        %add3A_313 = vector.broadcast %add3A_312 : i32 to vector<16xi32>
        %add3A_314 = arith.addi %min3A_271, %add3A_313 : vector<16xi32>
        %add3A_315 = arith.constant 4096 : i32
        %add3A_316 = vector.broadcast %add3A_315 : i32 to vector<16xi32>
        %add3A_317 = arith.addi %min3A_278, %add3A_316 : vector<16xi32>
        %add3A_318 = arith.constant 5120 : i32
        %add3A_319 = vector.broadcast %add3A_318 : i32 to vector<16xi32>
        %add3A_320 = arith.addi %min3A_285, %add3A_319 : vector<16xi32>
        %add3A_321 = arith.constant 6144 : i32
        %add3A_322 = vector.broadcast %add3A_321 : i32 to vector<16xi32>
        %add3A_323 = arith.addi %min3A_295, %add3A_322 : vector<16xi32>
        %add3A_324 = arith.constant 7168 : i32
        %add3A_325 = vector.broadcast %add3A_324 : i32 to vector<16xi32>
        %add3A_326 = arith.addi %min3A_305, %add3A_325 : vector<16xi32>
        %and3A_327 = arith.constant 7 : i32
        %and3A_328 = vector.broadcast %and3A_327 : i32 to vector<16xi32>
        %and3A_329 = arith.andi %iota3A_226, %and3A_328 : vector<16xi32>
        %add3A_330 = arith.constant 0 : i32
        %add3A_331 = vector.broadcast %add3A_330 : i32 to vector<16xi32>
        %add3A_332 = arith.addi %add3A_331, %and3A_329 : vector<16xi32>
        tpu.vector_store_idx %arg7[%add3A_332], %min3A_244 masked %lt3A_229 : memref<64xi32, #tpu.memory_space<vmem>>[vector<16xi32>], vector<16xi32>, vector<16xi1>
        %and3A_333 = arith.constant 7 : i32
        %and3A_334 = vector.broadcast %and3A_333 : i32 to vector<16xi32>
        %and3A_335 = arith.andi %iota3A_226, %and3A_334 : vector<16xi32>
        %add3A_336 = arith.constant 8 : i32
        %add3A_337 = vector.broadcast %add3A_336 : i32 to vector<16xi32>
        %add3A_338 = arith.addi %add3A_337, %and3A_335 : vector<16xi32>
        tpu.vector_store_idx %arg7[%add3A_338], %add3A_308 masked %lt3A_229 : memref<64xi32, #tpu.memory_space<vmem>>[vector<16xi32>], vector<16xi32>, vector<16xi1>
        %and3A_339 = arith.constant 7 : i32
        %and3A_340 = vector.broadcast %and3A_339 : i32 to vector<16xi32>
        %and3A_341 = arith.andi %iota3A_226, %and3A_340 : vector<16xi32>
        %add3A_342 = arith.constant 16 : i32
        %add3A_343 = vector.broadcast %add3A_342 : i32 to vector<16xi32>
        %add3A_344 = arith.addi %add3A_343, %and3A_341 : vector<16xi32>
        tpu.vector_store_idx %arg7[%add3A_344], %add3A_311 masked %lt3A_229 : memref<64xi32, #tpu.memory_space<vmem>>[vector<16xi32>], vector<16xi32>, vector<16xi1>
        %and3A_345 = arith.constant 7 : i32
        %and3A_346 = vector.broadcast %and3A_345 : i32 to vector<16xi32>
        %and3A_347 = arith.andi %iota3A_226, %and3A_346 : vector<16xi32>
        %add3A_348 = arith.constant 24 : i32
        %add3A_349 = vector.broadcast %add3A_348 : i32 to vector<16xi32>
        %add3A_350 = arith.addi %add3A_349, %and3A_347 : vector<16xi32>
        tpu.vector_store_idx %arg7[%add3A_350], %add3A_314 masked %lt3A_229 : memref<64xi32, #tpu.memory_space<vmem>>[vector<16xi32>], vector<16xi32>, vector<16xi1>
        %and3A_351 = arith.constant 7 : i32
        %and3A_352 = vector.broadcast %and3A_351 : i32 to vector<16xi32>
        %and3A_353 = arith.andi %iota3A_226, %and3A_352 : vector<16xi32>
        %add3A_354 = arith.constant 32 : i32
        %add3A_355 = vector.broadcast %add3A_354 : i32 to vector<16xi32>
        %add3A_356 = arith.addi %add3A_355, %and3A_353 : vector<16xi32>
        tpu.vector_store_idx %arg7[%add3A_356], %add3A_317 masked %lt3A_229 : memref<64xi32, #tpu.memory_space<vmem>>[vector<16xi32>], vector<16xi32>, vector<16xi1>
        %and3A_357 = arith.constant 7 : i32
        %and3A_358 = vector.broadcast %and3A_357 : i32 to vector<16xi32>
        %and3A_359 = arith.andi %iota3A_226, %and3A_358 : vector<16xi32>
        %add3A_360 = arith.constant 40 : i32
        %add3A_361 = vector.broadcast %add3A_360 : i32 to vector<16xi32>
        %add3A_362 = arith.addi %add3A_361, %and3A_359 : vector<16xi32>
        tpu.vector_store_idx %arg7[%add3A_362], %add3A_320 masked %lt3A_229 : memref<64xi32, #tpu.memory_space<vmem>>[vector<16xi32>], vector<16xi32>, vector<16xi1>
        %and3A_363 = arith.constant 7 : i32
        %and3A_364 = vector.broadcast %and3A_363 : i32 to vector<16xi32>
        %and3A_365 = arith.andi %iota3A_226, %and3A_364 : vector<16xi32>
        %add3A_366 = arith.constant 48 : i32
        %add3A_367 = vector.broadcast %add3A_366 : i32 to vector<16xi32>
        %add3A_368 = arith.addi %add3A_367, %and3A_365 : vector<16xi32>
        tpu.vector_store_idx %arg7[%add3A_368], %add3A_323 masked %lt3A_229 : memref<64xi32, #tpu.memory_space<vmem>>[vector<16xi32>], vector<16xi32>, vector<16xi1>
        %and3A_369 = arith.constant 7 : i32
        %and3A_370 = vector.broadcast %and3A_369 : i32 to vector<16xi32>
        %and3A_371 = arith.andi %iota3A_226, %and3A_370 : vector<16xi32>
        %add3A_372 = arith.constant 56 : i32
        %add3A_373 = vector.broadcast %add3A_372 : i32 to vector<16xi32>
        %add3A_374 = arith.addi %add3A_373, %and3A_371 : vector<16xi32>
        tpu.vector_store_idx %arg7[%add3A_374], %add3A_326 masked %lt3A_229 : memref<64xi32, #tpu.memory_space<vmem>>[vector<16xi32>], vector<16xi32>, vector<16xi1>
        %dma_start3A_375 = arith.constant 0 : i32
        %dma_start3A_376 = arith.constant 0 : i32
        %dma_start3A_377 = tpu.memref_slice %arg5[%dma_start3A_375, %dma_start3A_376] : memref<8192x192xi32, #tpu.memory_space<vmem_shared>> -> memref<8192x192xi32, #tpu.memory_space<vmem_shared>>
        tpu.enqueue_indirect_dma source(%dma_start3A_377 : memref<8192x192xi32, #tpu.memory_space<vmem_shared>>) target(%arg9 : memref<64x192xi32, #tpu.memory_space<vmem>>) offsets(%arg7 : memref<64xi32, #tpu.memory_space<vmem>>) semaphore(%arg13 : memref<!tpu.dma_semaphore, #tpu.memory_space<semaphore_mem>>)
      } else {
      }
      "tpu.trace_stop"() : () -> ()
      "tpu.trace_start"() <{level = 10 : i32, message = "gwait"}> : () -> ()
      %dma_wait3A_198 = arith.constant 0 : i32
      %dma_wait3A_199 = arith.constant 0 : i32
      %dma_wait3A_200 = tpu.memref_slice %arg5[%dma_wait3A_198, %dma_wait3A_199] : memref<8192x192xi32, #tpu.memory_space<vmem_shared>> -> memref<8192x192xi32, #tpu.memory_space<vmem_shared>>
      tpu.wait_indirect_dma semaphore(%arg14 : memref<!tpu.dma_semaphore, #tpu.memory_space<semaphore_mem>>) src(%dma_wait3A_200 : memref<8192x192xi32, #tpu.memory_space<vmem_shared>>) dst(%arg10 : memref<64x192xi32, #tpu.memory_space<vmem>>)
      %ge3A_201 = arith.constant 2 : i32
      "tpu.trace_stop"() : () -> ()
      "tpu.trace_start"() <{level = 10 : i32, message = "owait"}> : () -> ()
      %ge3A_202 = arith.cmpi sge, %add3A_190, %ge3A_201 : i32
      %convert_element_type3A_203 = arith.extui %ge3A_202 : i1 to i32
      %cond3A_204 = arith.constant 0 : i32
      %cond3A_205 = arith.cmpi ne, %convert_element_type3A_203, %cond3A_204 : i32
      scf.if %cond3A_205 {
        %add3A_216 = arith.constant 0 : i32
        %add3A_217 = arith.addi %mul3A_0, %add3A_216 : i32
        %mul3A_218 = arith.constant 2 : i32
        %mul3A_219 = arith.muli %mul3A_2, %mul3A_218 : i32
        %dma_wait3A_220 = tpu.memref_slice %arg4[%add3A_217, %mul3A_219] : memref<32768x768xf32, #tpu.memory_space<hbm>> -> memref<8x384xf32, #tpu.memory_space<hbm>>
        %dma_wait3A_221 = tpu.memref_slice %arg4[%add3A_217, %mul3A_219] : memref<32768x768xf32, #tpu.memory_space<hbm>> -> memref<8x384xf32, #tpu.memory_space<hbm>>
        tpu.wait_dma2 semaphore(%arg16 : memref<!tpu.dma_semaphore, #tpu.memory_space<semaphore_mem>>) src(%arg12 : memref<8x384xf32, #tpu.memory_space<vmem>>) dst(%dma_wait3A_221 : memref<8x384xf32, #tpu.memory_space<hbm>>)
      } else {
      }
      %parallel_loop3A_206 = arith.constant 0 : i32
      %parallel_loop3A_207 = arith.constant 8 : i32
      %parallel_loop3A_208 = arith.constant 1 : i32
      "tpu.trace_stop"() : () -> ()
      "tpu.trace_start"() <{level = 10 : i32, message = "acc"}> : () -> ()
      scf.for %parallel_loop3A_216 = %parallel_loop3A_206 to %parallel_loop3A_207 step %parallel_loop3A_208  : i32 {
        %parallel_loop3A_217 = arith.constant 0 : i32
        %parallel_loop3A_218 = arith.addi %parallel_loop3A_217, %parallel_loop3A_216 : i32
        %parallel_loop3A_219 = arith.index_cast %parallel_loop3A_218 : i32 to index
        %parallel_loop3A_220 = arith.constant 0 : index
        %parallel_loop3A_221 = tpu.vector_load %arg10[%parallel_loop3A_219, %parallel_loop3A_220] {strides = array<i32>} : memref<64x192xi32, #tpu.memory_space<vmem>>, vector<16xi32>,
        %parallel_loop3A_222 = vector.bitcast %parallel_loop3A_221 : vector<16xi32> to vector<32xbf16>
        %parallel_loop3A_223 = arith.constant 8 : i32
        %parallel_loop3A_224 = arith.addi %parallel_loop3A_223, %parallel_loop3A_216 : i32
        %parallel_loop3A_225 = arith.index_cast %parallel_loop3A_224 : i32 to index
        %parallel_loop3A_226 = arith.constant 0 : index
        %parallel_loop3A_227 = tpu.vector_load %arg10[%parallel_loop3A_225, %parallel_loop3A_226] {strides = array<i32>} : memref<64x192xi32, #tpu.memory_space<vmem>>, vector<16xi32>,
        %parallel_loop3A_228 = vector.bitcast %parallel_loop3A_227 : vector<16xi32> to vector<32xbf16>
        %parallel_loop3A_229 = arith.constant 16 : i32
        %parallel_loop3A_230 = arith.addi %parallel_loop3A_229, %parallel_loop3A_216 : i32
        %parallel_loop3A_231 = arith.index_cast %parallel_loop3A_230 : i32 to index
        %parallel_loop3A_232 = arith.constant 0 : index
        %parallel_loop3A_233 = tpu.vector_load %arg10[%parallel_loop3A_231, %parallel_loop3A_232] {strides = array<i32>} : memref<64x192xi32, #tpu.memory_space<vmem>>, vector<16xi32>,
        %parallel_loop3A_234 = vector.bitcast %parallel_loop3A_233 : vector<16xi32> to vector<32xbf16>
        %parallel_loop3A_235 = arith.constant 24 : i32
        %parallel_loop3A_236 = arith.addi %parallel_loop3A_235, %parallel_loop3A_216 : i32
        %parallel_loop3A_237 = arith.index_cast %parallel_loop3A_236 : i32 to index
        %parallel_loop3A_238 = arith.constant 0 : index
        %parallel_loop3A_239 = tpu.vector_load %arg10[%parallel_loop3A_237, %parallel_loop3A_238] {strides = array<i32>} : memref<64x192xi32, #tpu.memory_space<vmem>>, vector<16xi32>,
        %parallel_loop3A_240 = vector.bitcast %parallel_loop3A_239 : vector<16xi32> to vector<32xbf16>
        %parallel_loop3A_241 = arith.constant 32 : i32
        %parallel_loop3A_242 = arith.addi %parallel_loop3A_241, %parallel_loop3A_216 : i32
        %parallel_loop3A_243 = arith.index_cast %parallel_loop3A_242 : i32 to index
        %parallel_loop3A_244 = arith.constant 0 : index
        %parallel_loop3A_245 = tpu.vector_load %arg10[%parallel_loop3A_243, %parallel_loop3A_244] {strides = array<i32>} : memref<64x192xi32, #tpu.memory_space<vmem>>, vector<16xi32>,
        %parallel_loop3A_246 = vector.bitcast %parallel_loop3A_245 : vector<16xi32> to vector<32xbf16>
        %parallel_loop3A_247 = arith.constant 40 : i32
        %parallel_loop3A_248 = arith.addi %parallel_loop3A_247, %parallel_loop3A_216 : i32
        %parallel_loop3A_249 = arith.index_cast %parallel_loop3A_248 : i32 to index
        %parallel_loop3A_250 = arith.constant 0 : index
        %parallel_loop3A_251 = tpu.vector_load %arg10[%parallel_loop3A_249, %parallel_loop3A_250] {strides = array<i32>} : memref<64x192xi32, #tpu.memory_space<vmem>>, vector<16xi32>,
        %parallel_loop3A_252 = vector.bitcast %parallel_loop3A_251 : vector<16xi32> to vector<32xbf16>
        %parallel_loop3A_253 = arith.constant 48 : i32
        %parallel_loop3A_254 = arith.addi %parallel_loop3A_253, %parallel_loop3A_216 : i32
        %parallel_loop3A_255 = arith.index_cast %parallel_loop3A_254 : i32 to index
        %parallel_loop3A_256 = arith.constant 0 : index
        %parallel_loop3A_257 = tpu.vector_load %arg10[%parallel_loop3A_255, %parallel_loop3A_256] {strides = array<i32>} : memref<64x192xi32, #tpu.memory_space<vmem>>, vector<16xi32>,
        %parallel_loop3A_258 = vector.bitcast %parallel_loop3A_257 : vector<16xi32> to vector<32xbf16>
        %parallel_loop3A_259 = arith.constant 56 : i32
        %parallel_loop3A_260 = arith.addi %parallel_loop3A_259, %parallel_loop3A_216 : i32
        %parallel_loop3A_261 = arith.index_cast %parallel_loop3A_260 : i32 to index
        %parallel_loop3A_262 = arith.constant 0 : index
        %parallel_loop3A_263 = tpu.vector_load %arg10[%parallel_loop3A_261, %parallel_loop3A_262] {strides = array<i32>} : memref<64x192xi32, #tpu.memory_space<vmem>>, vector<16xi32>,
        %parallel_loop3A_264 = vector.bitcast %parallel_loop3A_263 : vector<16xi32> to vector<32xbf16>
        %parallel_loop3A_265 = arith.addf %parallel_loop3A_222, %parallel_loop3A_228 : vector<32xbf16>
        %parallel_loop3A_266 = arith.addf %parallel_loop3A_234, %parallel_loop3A_240 : vector<32xbf16>
        %parallel_loop3A_267 = arith.addf %parallel_loop3A_246, %parallel_loop3A_252 : vector<32xbf16>
        %parallel_loop3A_268 = arith.addf %parallel_loop3A_258, %parallel_loop3A_264 : vector<32xbf16>
        %parallel_loop3A_269 = arith.addf %parallel_loop3A_265, %parallel_loop3A_266 : vector<32xbf16>
        %parallel_loop3A_270 = arith.addf %parallel_loop3A_267, %parallel_loop3A_268 : vector<32xbf16>
        %parallel_loop3A_271 = arith.addf %parallel_loop3A_269, %parallel_loop3A_270 : vector<32xbf16>
        %parallel_loop3A_272 = vector.bitcast %parallel_loop3A_271 : vector<32xbf16> to vector<16xi32>
        %parallel_loop3A_273 = arith.constant 16 : i32
        %parallel_loop3A_274 = vector.broadcast %parallel_loop3A_273 : i32 to vector<16xi32>
        %parallel_loop3A_275 = arith.shli %parallel_loop3A_272, %parallel_loop3A_274 : vector<16xi32>
        %parallel_loop3A_276 = vector.bitcast %parallel_loop3A_275 : vector<16xi32> to vector<16xf32>
        %parallel_loop3A_277 = arith.constant -65536 : i32
        %parallel_loop3A_278 = vector.broadcast %parallel_loop3A_277 : i32 to vector<16xi32>
        %parallel_loop3A_279 = arith.andi %parallel_loop3A_272, %parallel_loop3A_278 : vector<16xi32>
        %parallel_loop3A_280 = vector.bitcast %parallel_loop3A_279 : vector<16xi32> to vector<16xf32>
        %parallel_loop3A_281 = arith.index_cast %parallel_loop3A_216 : i32 to index
        %parallel_loop3A_282 = arith.constant 0 : index
        %parallel_loop3A_283 = tpu.vector_load %arg12[%parallel_loop3A_281, %parallel_loop3A_282] {strides = array<i32>} : memref<8x384xf32, #tpu.memory_space<vmem>>, vector<16xf32>,
        tpu.vector_store %arg12[%parallel_loop3A_281, %parallel_loop3A_282], %parallel_loop3A_276 {strides = array<i32>} : memref<8x384xf32, #tpu.memory_space<vmem>>, vector<16xf32>,
        %parallel_loop3A_284 = arith.index_cast %parallel_loop3A_216 : i32 to index
        %parallel_loop3A_285 = arith.constant 16 : index
        %parallel_loop3A_286 = tpu.vector_load %arg12[%parallel_loop3A_284, %parallel_loop3A_285] {strides = array<i32>} : memref<8x384xf32, #tpu.memory_space<vmem>>, vector<16xf32>,
        tpu.vector_store %arg12[%parallel_loop3A_284, %parallel_loop3A_285], %parallel_loop3A_280 {strides = array<i32>} : memref<8x384xf32, #tpu.memory_space<vmem>>, vector<16xf32>,
        %parallel_loop3A_287 = arith.constant 0 : i32
        %parallel_loop3A_288 = arith.addi %parallel_loop3A_287, %parallel_loop3A_216 : i32
        %parallel_loop3A_289 = arith.index_cast %parallel_loop3A_288 : i32 to index
        %parallel_loop3A_290 = arith.constant 16 : index
        %parallel_loop3A_291 = tpu.vector_load %arg10[%parallel_loop3A_289, %parallel_loop3A_290] {strides = array<i32>} : memref<64x192xi32, #tpu.memory_space<vmem>>, vector<16xi32>,
        %parallel_loop3A_292 = vector.bitcast %parallel_loop3A_291 : vector<16xi32> to vector<32xbf16>
        %parallel_loop3A_293 = arith.constant 8 : i32
        %parallel_loop3A_294 = arith.addi %parallel_loop3A_293, %parallel_loop3A_216 : i32
        %parallel_loop3A_295 = arith.index_cast %parallel_loop3A_294 : i32 to index
        %parallel_loop3A_296 = arith.constant 16 : index
        %parallel_loop3A_297 = tpu.vector_load %arg10[%parallel_loop3A_295, %parallel_loop3A_296] {strides = array<i32>} : memref<64x192xi32, #tpu.memory_space<vmem>>, vector<16xi32>,
        %parallel_loop3A_298 = vector.bitcast %parallel_loop3A_297 : vector<16xi32> to vector<32xbf16>
        %parallel_loop3A_299 = arith.constant 16 : i32
        %parallel_loop3A_300 = arith.addi %parallel_loop3A_299, %parallel_loop3A_216 : i32
        %parallel_loop3A_301 = arith.index_cast %parallel_loop3A_300 : i32 to index
        %parallel_loop3A_302 = arith.constant 16 : index
        %parallel_loop3A_303 = tpu.vector_load %arg10[%parallel_loop3A_301, %parallel_loop3A_302] {strides = array<i32>} : memref<64x192xi32, #tpu.memory_space<vmem>>, vector<16xi32>,
        %parallel_loop3A_304 = vector.bitcast %parallel_loop3A_303 : vector<16xi32> to vector<32xbf16>
        %parallel_loop3A_305 = arith.constant 24 : i32
        %parallel_loop3A_306 = arith.addi %parallel_loop3A_305, %parallel_loop3A_216 : i32
        %parallel_loop3A_307 = arith.index_cast %parallel_loop3A_306 : i32 to index
        %parallel_loop3A_308 = arith.constant 16 : index
        %parallel_loop3A_309 = tpu.vector_load %arg10[%parallel_loop3A_307, %parallel_loop3A_308] {strides = array<i32>} : memref<64x192xi32, #tpu.memory_space<vmem>>, vector<16xi32>,
        %parallel_loop3A_310 = vector.bitcast %parallel_loop3A_309 : vector<16xi32> to vector<32xbf16>
        %parallel_loop3A_311 = arith.constant 32 : i32
        %parallel_loop3A_312 = arith.addi %parallel_loop3A_311, %parallel_loop3A_216 : i32
        %parallel_loop3A_313 = arith.index_cast %parallel_loop3A_312 : i32 to index
        %parallel_loop3A_314 = arith.constant 16 : index
        %parallel_loop3A_315 = tpu.vector_load %arg10[%parallel_loop3A_313, %parallel_loop3A_314] {strides = array<i32>} : memref<64x192xi32, #tpu.memory_space<vmem>>, vector<16xi32>,
        %parallel_loop3A_316 = vector.bitcast %parallel_loop3A_315 : vector<16xi32> to vector<32xbf16>
        %parallel_loop3A_317 = arith.constant 40 : i32
        %parallel_loop3A_318 = arith.addi %parallel_loop3A_317, %parallel_loop3A_216 : i32
        %parallel_loop3A_319 = arith.index_cast %parallel_loop3A_318 : i32 to index
        %parallel_loop3A_320 = arith.constant 16 : index
        %parallel_loop3A_321 = tpu.vector_load %arg10[%parallel_loop3A_319, %parallel_loop3A_320] {strides = array<i32>} : memref<64x192xi32, #tpu.memory_space<vmem>>, vector<16xi32>,
        %parallel_loop3A_322 = vector.bitcast %parallel_loop3A_321 : vector<16xi32> to vector<32xbf16>
        %parallel_loop3A_323 = arith.constant 48 : i32
        %parallel_loop3A_324 = arith.addi %parallel_loop3A_323, %parallel_loop3A_216 : i32
        %parallel_loop3A_325 = arith.index_cast %parallel_loop3A_324 : i32 to index
        %parallel_loop3A_326 = arith.constant 16 : index
        %parallel_loop3A_327 = tpu.vector_load %arg10[%parallel_loop3A_325, %parallel_loop3A_326] {strides = array<i32>} : memref<64x192xi32, #tpu.memory_space<vmem>>, vector<16xi32>,
        %parallel_loop3A_328 = vector.bitcast %parallel_loop3A_327 : vector<16xi32> to vector<32xbf16>
        %parallel_loop3A_329 = arith.constant 56 : i32
        %parallel_loop3A_330 = arith.addi %parallel_loop3A_329, %parallel_loop3A_216 : i32
        %parallel_loop3A_331 = arith.index_cast %parallel_loop3A_330 : i32 to index
        %parallel_loop3A_332 = arith.constant 16 : index
        %parallel_loop3A_333 = tpu.vector_load %arg10[%parallel_loop3A_331, %parallel_loop3A_332] {strides = array<i32>} : memref<64x192xi32, #tpu.memory_space<vmem>>, vector<16xi32>,
        %parallel_loop3A_334 = vector.bitcast %parallel_loop3A_333 : vector<16xi32> to vector<32xbf16>
        %parallel_loop3A_335 = arith.addf %parallel_loop3A_292, %parallel_loop3A_298 : vector<32xbf16>
        %parallel_loop3A_336 = arith.addf %parallel_loop3A_304, %parallel_loop3A_310 : vector<32xbf16>
        %parallel_loop3A_337 = arith.addf %parallel_loop3A_316, %parallel_loop3A_322 : vector<32xbf16>
        %parallel_loop3A_338 = arith.addf %parallel_loop3A_328, %parallel_loop3A_334 : vector<32xbf16>
        %parallel_loop3A_339 = arith.addf %parallel_loop3A_335, %parallel_loop3A_336 : vector<32xbf16>
        %parallel_loop3A_340 = arith.addf %parallel_loop3A_337, %parallel_loop3A_338 : vector<32xbf16>
        %parallel_loop3A_341 = arith.addf %parallel_loop3A_339, %parallel_loop3A_340 : vector<32xbf16>
        %parallel_loop3A_342 = vector.bitcast %parallel_loop3A_341 : vector<32xbf16> to vector<16xi32>
        %parallel_loop3A_343 = arith.constant 16 : i32
        %parallel_loop3A_344 = vector.broadcast %parallel_loop3A_343 : i32 to vector<16xi32>
        %parallel_loop3A_345 = arith.shli %parallel_loop3A_342, %parallel_loop3A_344 : vector<16xi32>
        %parallel_loop3A_346 = vector.bitcast %parallel_loop3A_345 : vector<16xi32> to vector<16xf32>
        %parallel_loop3A_347 = arith.constant -65536 : i32
        %parallel_loop3A_348 = vector.broadcast %parallel_loop3A_347 : i32 to vector<16xi32>
        %parallel_loop3A_349 = arith.andi %parallel_loop3A_342, %parallel_loop3A_348 : vector<16xi32>
        %parallel_loop3A_350 = vector.bitcast %parallel_loop3A_349 : vector<16xi32> to vector<16xf32>
        %parallel_loop3A_351 = arith.index_cast %parallel_loop3A_216 : i32 to index
        %parallel_loop3A_352 = arith.constant 32 : index
        %parallel_loop3A_353 = tpu.vector_load %arg12[%parallel_loop3A_351, %parallel_loop3A_352] {strides = array<i32>} : memref<8x384xf32, #tpu.memory_space<vmem>>, vector<16xf32>,
        tpu.vector_store %arg12[%parallel_loop3A_351, %parallel_loop3A_352], %parallel_loop3A_346 {strides = array<i32>} : memref<8x384xf32, #tpu.memory_space<vmem>>, vector<16xf32>,
        %parallel_loop3A_354 = arith.index_cast %parallel_loop3A_216 : i32 to index
        %parallel_loop3A_355 = arith.constant 48 : index
        %parallel_loop3A_356 = tpu.vector_load %arg12[%parallel_loop3A_354, %parallel_loop3A_355] {strides = array<i32>} : memref<8x384xf32, #tpu.memory_space<vmem>>, vector<16xf32>,
        tpu.vector_store %arg12[%parallel_loop3A_354, %parallel_loop3A_355], %parallel_loop3A_350 {strides = array<i32>} : memref<8x384xf32, #tpu.memory_space<vmem>>, vector<16xf32>,
        %parallel_loop3A_357 = arith.constant 0 : i32
        %parallel_loop3A_358 = arith.addi %parallel_loop3A_357, %parallel_loop3A_216 : i32
        %parallel_loop3A_359 = arith.index_cast %parallel_loop3A_358 : i32 to index
        %parallel_loop3A_360 = arith.constant 32 : index
        %parallel_loop3A_361 = tpu.vector_load %arg10[%parallel_loop3A_359, %parallel_loop3A_360] {strides = array<i32>} : memref<64x192xi32, #tpu.memory_space<vmem>>, vector<16xi32>,
        %parallel_loop3A_362 = vector.bitcast %parallel_loop3A_361 : vector<16xi32> to vector<32xbf16>
        %parallel_loop3A_363 = arith.constant 8 : i32
        %parallel_loop3A_364 = arith.addi %parallel_loop3A_363, %parallel_loop3A_216 : i32
        %parallel_loop3A_365 = arith.index_cast %parallel_loop3A_364 : i32 to index
        %parallel_loop3A_366 = arith.constant 32 : index
        %parallel_loop3A_367 = tpu.vector_load %arg10[%parallel_loop3A_365, %parallel_loop3A_366] {strides = array<i32>} : memref<64x192xi32, #tpu.memory_space<vmem>>, vector<16xi32>,
        %parallel_loop3A_368 = vector.bitcast %parallel_loop3A_367 : vector<16xi32> to vector<32xbf16>
        %parallel_loop3A_369 = arith.constant 16 : i32
        %parallel_loop3A_370 = arith.addi %parallel_loop3A_369, %parallel_loop3A_216 : i32
        %parallel_loop3A_371 = arith.index_cast %parallel_loop3A_370 : i32 to index
        %parallel_loop3A_372 = arith.constant 32 : index
        %parallel_loop3A_373 = tpu.vector_load %arg10[%parallel_loop3A_371, %parallel_loop3A_372] {strides = array<i32>} : memref<64x192xi32, #tpu.memory_space<vmem>>, vector<16xi32>,
        %parallel_loop3A_374 = vector.bitcast %parallel_loop3A_373 : vector<16xi32> to vector<32xbf16>
        %parallel_loop3A_375 = arith.constant 24 : i32
        %parallel_loop3A_376 = arith.addi %parallel_loop3A_375, %parallel_loop3A_216 : i32
        %parallel_loop3A_377 = arith.index_cast %parallel_loop3A_376 : i32 to index
        %parallel_loop3A_378 = arith.constant 32 : index
        %parallel_loop3A_379 = tpu.vector_load %arg10[%parallel_loop3A_377, %parallel_loop3A_378] {strides = array<i32>} : memref<64x192xi32, #tpu.memory_space<vmem>>, vector<16xi32>,
        %parallel_loop3A_380 = vector.bitcast %parallel_loop3A_379 : vector<16xi32> to vector<32xbf16>
        %parallel_loop3A_381 = arith.constant 32 : i32
        %parallel_loop3A_382 = arith.addi %parallel_loop3A_381, %parallel_loop3A_216 : i32
        %parallel_loop3A_383 = arith.index_cast %parallel_loop3A_382 : i32 to index
        %parallel_loop3A_384 = arith.constant 32 : index
        %parallel_loop3A_385 = tpu.vector_load %arg10[%parallel_loop3A_383, %parallel_loop3A_384] {strides = array<i32>} : memref<64x192xi32, #tpu.memory_space<vmem>>, vector<16xi32>,
        %parallel_loop3A_386 = vector.bitcast %parallel_loop3A_385 : vector<16xi32> to vector<32xbf16>
        %parallel_loop3A_387 = arith.constant 40 : i32
        %parallel_loop3A_388 = arith.addi %parallel_loop3A_387, %parallel_loop3A_216 : i32
        %parallel_loop3A_389 = arith.index_cast %parallel_loop3A_388 : i32 to index
        %parallel_loop3A_390 = arith.constant 32 : index
        %parallel_loop3A_391 = tpu.vector_load %arg10[%parallel_loop3A_389, %parallel_loop3A_390] {strides = array<i32>} : memref<64x192xi32, #tpu.memory_space<vmem>>, vector<16xi32>,
        %parallel_loop3A_392 = vector.bitcast %parallel_loop3A_391 : vector<16xi32> to vector<32xbf16>
        %parallel_loop3A_393 = arith.constant 48 : i32
        %parallel_loop3A_394 = arith.addi %parallel_loop3A_393, %parallel_loop3A_216 : i32
        %parallel_loop3A_395 = arith.index_cast %parallel_loop3A_394 : i32 to index
        %parallel_loop3A_396 = arith.constant 32 : index
        %parallel_loop3A_397 = tpu.vector_load %arg10[%parallel_loop3A_395, %parallel_loop3A_396] {strides = array<i32>} : memref<64x192xi32, #tpu.memory_space<vmem>>, vector<16xi32>,
        %parallel_loop3A_398 = vector.bitcast %parallel_loop3A_397 : vector<16xi32> to vector<32xbf16>
        %parallel_loop3A_399 = arith.constant 56 : i32
        %parallel_loop3A_400 = arith.addi %parallel_loop3A_399, %parallel_loop3A_216 : i32
        %parallel_loop3A_401 = arith.index_cast %parallel_loop3A_400 : i32 to index
        %parallel_loop3A_402 = arith.constant 32 : index
        %parallel_loop3A_403 = tpu.vector_load %arg10[%parallel_loop3A_401, %parallel_loop3A_402] {strides = array<i32>} : memref<64x192xi32, #tpu.memory_space<vmem>>, vector<16xi32>,
        %parallel_loop3A_404 = vector.bitcast %parallel_loop3A_403 : vector<16xi32> to vector<32xbf16>
        %parallel_loop3A_405 = arith.addf %parallel_loop3A_362, %parallel_loop3A_368 : vector<32xbf16>
        %parallel_loop3A_406 = arith.addf %parallel_loop3A_374, %parallel_loop3A_380 : vector<32xbf16>
        %parallel_loop3A_407 = arith.addf %parallel_loop3A_386, %parallel_loop3A_392 : vector<32xbf16>
        %parallel_loop3A_408 = arith.addf %parallel_loop3A_398, %parallel_loop3A_404 : vector<32xbf16>
        %parallel_loop3A_409 = arith.addf %parallel_loop3A_405, %parallel_loop3A_406 : vector<32xbf16>
        %parallel_loop3A_410 = arith.addf %parallel_loop3A_407, %parallel_loop3A_408 : vector<32xbf16>
        %parallel_loop3A_411 = arith.addf %parallel_loop3A_409, %parallel_loop3A_410 : vector<32xbf16>
        %parallel_loop3A_412 = vector.bitcast %parallel_loop3A_411 : vector<32xbf16> to vector<16xi32>
        %parallel_loop3A_413 = arith.constant 16 : i32
        %parallel_loop3A_414 = vector.broadcast %parallel_loop3A_413 : i32 to vector<16xi32>
        %parallel_loop3A_415 = arith.shli %parallel_loop3A_412, %parallel_loop3A_414 : vector<16xi32>
        %parallel_loop3A_416 = vector.bitcast %parallel_loop3A_415 : vector<16xi32> to vector<16xf32>
        %parallel_loop3A_417 = arith.constant -65536 : i32
        %parallel_loop3A_418 = vector.broadcast %parallel_loop3A_417 : i32 to vector<16xi32>
        %parallel_loop3A_419 = arith.andi %parallel_loop3A_412, %parallel_loop3A_418 : vector<16xi32>
        %parallel_loop3A_420 = vector.bitcast %parallel_loop3A_419 : vector<16xi32> to vector<16xf32>
        %parallel_loop3A_421 = arith.index_cast %parallel_loop3A_216 : i32 to index
        %parallel_loop3A_422 = arith.constant 64 : index
        %parallel_loop3A_423 = tpu.vector_load %arg12[%parallel_loop3A_421, %parallel_loop3A_422] {strides = array<i32>} : memref<8x384xf32, #tpu.memory_space<vmem>>, vector<16xf32>,
        tpu.vector_store %arg12[%parallel_loop3A_421, %parallel_loop3A_422], %parallel_loop3A_416 {strides = array<i32>} : memref<8x384xf32, #tpu.memory_space<vmem>>, vector<16xf32>,
        %parallel_loop3A_424 = arith.index_cast %parallel_loop3A_216 : i32 to index
        %parallel_loop3A_425 = arith.constant 80 : index
        %parallel_loop3A_426 = tpu.vector_load %arg12[%parallel_loop3A_424, %parallel_loop3A_425] {strides = array<i32>} : memref<8x384xf32, #tpu.memory_space<vmem>>, vector<16xf32>,
        tpu.vector_store %arg12[%parallel_loop3A_424, %parallel_loop3A_425], %parallel_loop3A_420 {strides = array<i32>} : memref<8x384xf32, #tpu.memory_space<vmem>>, vector<16xf32>,
        %parallel_loop3A_427 = arith.constant 0 : i32
        %parallel_loop3A_428 = arith.addi %parallel_loop3A_427, %parallel_loop3A_216 : i32
        %parallel_loop3A_429 = arith.index_cast %parallel_loop3A_428 : i32 to index
        %parallel_loop3A_430 = arith.constant 48 : index
        %parallel_loop3A_431 = tpu.vector_load %arg10[%parallel_loop3A_429, %parallel_loop3A_430] {strides = array<i32>} : memref<64x192xi32, #tpu.memory_space<vmem>>, vector<16xi32>,
        %parallel_loop3A_432 = vector.bitcast %parallel_loop3A_431 : vector<16xi32> to vector<32xbf16>
        %parallel_loop3A_433 = arith.constant 8 : i32
        %parallel_loop3A_434 = arith.addi %parallel_loop3A_433, %parallel_loop3A_216 : i32
        %parallel_loop3A_435 = arith.index_cast %parallel_loop3A_434 : i32 to index
        %parallel_loop3A_436 = arith.constant 48 : index
        %parallel_loop3A_437 = tpu.vector_load %arg10[%parallel_loop3A_435, %parallel_loop3A_436] {strides = array<i32>} : memref<64x192xi32, #tpu.memory_space<vmem>>, vector<16xi32>,
        %parallel_loop3A_438 = vector.bitcast %parallel_loop3A_437 : vector<16xi32> to vector<32xbf16>
        %parallel_loop3A_439 = arith.constant 16 : i32
        %parallel_loop3A_440 = arith.addi %parallel_loop3A_439, %parallel_loop3A_216 : i32
        %parallel_loop3A_441 = arith.index_cast %parallel_loop3A_440 : i32 to index
        %parallel_loop3A_442 = arith.constant 48 : index
        %parallel_loop3A_443 = tpu.vector_load %arg10[%parallel_loop3A_441, %parallel_loop3A_442] {strides = array<i32>} : memref<64x192xi32, #tpu.memory_space<vmem>>, vector<16xi32>,
        %parallel_loop3A_444 = vector.bitcast %parallel_loop3A_443 : vector<16xi32> to vector<32xbf16>
        %parallel_loop3A_445 = arith.constant 24 : i32
        %parallel_loop3A_446 = arith.addi %parallel_loop3A_445, %parallel_loop3A_216 : i32
        %parallel_loop3A_447 = arith.index_cast %parallel_loop3A_446 : i32 to index
        %parallel_loop3A_448 = arith.constant 48 : index
        %parallel_loop3A_449 = tpu.vector_load %arg10[%parallel_loop3A_447, %parallel_loop3A_448] {strides = array<i32>} : memref<64x192xi32, #tpu.memory_space<vmem>>, vector<16xi32>,
        %parallel_loop3A_450 = vector.bitcast %parallel_loop3A_449 : vector<16xi32> to vector<32xbf16>
        %parallel_loop3A_451 = arith.constant 32 : i32
        %parallel_loop3A_452 = arith.addi %parallel_loop3A_451, %parallel_loop3A_216 : i32
        %parallel_loop3A_453 = arith.index_cast %parallel_loop3A_452 : i32 to index
        %parallel_loop3A_454 = arith.constant 48 : index
        %parallel_loop3A_455 = tpu.vector_load %arg10[%parallel_loop3A_453, %parallel_loop3A_454] {strides = array<i32>} : memref<64x192xi32, #tpu.memory_space<vmem>>, vector<16xi32>,
        %parallel_loop3A_456 = vector.bitcast %parallel_loop3A_455 : vector<16xi32> to vector<32xbf16>
        %parallel_loop3A_457 = arith.constant 40 : i32
        %parallel_loop3A_458 = arith.addi %parallel_loop3A_457, %parallel_loop3A_216 : i32
        %parallel_loop3A_459 = arith.index_cast %parallel_loop3A_458 : i32 to index
        %parallel_loop3A_460 = arith.constant 48 : index
        %parallel_loop3A_461 = tpu.vector_load %arg10[%parallel_loop3A_459, %parallel_loop3A_460] {strides = array<i32>} : memref<64x192xi32, #tpu.memory_space<vmem>>, vector<16xi32>,
        %parallel_loop3A_462 = vector.bitcast %parallel_loop3A_461 : vector<16xi32> to vector<32xbf16>
        %parallel_loop3A_463 = arith.constant 48 : i32
        %parallel_loop3A_464 = arith.addi %parallel_loop3A_463, %parallel_loop3A_216 : i32
        %parallel_loop3A_465 = arith.index_cast %parallel_loop3A_464 : i32 to index
        %parallel_loop3A_466 = arith.constant 48 : index
        %parallel_loop3A_467 = tpu.vector_load %arg10[%parallel_loop3A_465, %parallel_loop3A_466] {strides = array<i32>} : memref<64x192xi32, #tpu.memory_space<vmem>>, vector<16xi32>,
        %parallel_loop3A_468 = vector.bitcast %parallel_loop3A_467 : vector<16xi32> to vector<32xbf16>
        %parallel_loop3A_469 = arith.constant 56 : i32
        %parallel_loop3A_470 = arith.addi %parallel_loop3A_469, %parallel_loop3A_216 : i32
        %parallel_loop3A_471 = arith.index_cast %parallel_loop3A_470 : i32 to index
        %parallel_loop3A_472 = arith.constant 48 : index
        %parallel_loop3A_473 = tpu.vector_load %arg10[%parallel_loop3A_471, %parallel_loop3A_472] {strides = array<i32>} : memref<64x192xi32, #tpu.memory_space<vmem>>, vector<16xi32>,
        %parallel_loop3A_474 = vector.bitcast %parallel_loop3A_473 : vector<16xi32> to vector<32xbf16>
        %parallel_loop3A_475 = arith.addf %parallel_loop3A_432, %parallel_loop3A_438 : vector<32xbf16>
        %parallel_loop3A_476 = arith.addf %parallel_loop3A_444, %parallel_loop3A_450 : vector<32xbf16>
        %parallel_loop3A_477 = arith.addf %parallel_loop3A_456, %parallel_loop3A_462 : vector<32xbf16>
        %parallel_loop3A_478 = arith.addf %parallel_loop3A_468, %parallel_loop3A_474 : vector<32xbf16>
        %parallel_loop3A_479 = arith.addf %parallel_loop3A_475, %parallel_loop3A_476 : vector<32xbf16>
        %parallel_loop3A_480 = arith.addf %parallel_loop3A_477, %parallel_loop3A_478 : vector<32xbf16>
        %parallel_loop3A_481 = arith.addf %parallel_loop3A_479, %parallel_loop3A_480 : vector<32xbf16>
        %parallel_loop3A_482 = vector.bitcast %parallel_loop3A_481 : vector<32xbf16> to vector<16xi32>
        %parallel_loop3A_483 = arith.constant 16 : i32
        %parallel_loop3A_484 = vector.broadcast %parallel_loop3A_483 : i32 to vector<16xi32>
        %parallel_loop3A_485 = arith.shli %parallel_loop3A_482, %parallel_loop3A_484 : vector<16xi32>
        %parallel_loop3A_486 = vector.bitcast %parallel_loop3A_485 : vector<16xi32> to vector<16xf32>
        %parallel_loop3A_487 = arith.constant -65536 : i32
        %parallel_loop3A_488 = vector.broadcast %parallel_loop3A_487 : i32 to vector<16xi32>
        %parallel_loop3A_489 = arith.andi %parallel_loop3A_482, %parallel_loop3A_488 : vector<16xi32>
        %parallel_loop3A_490 = vector.bitcast %parallel_loop3A_489 : vector<16xi32> to vector<16xf32>
        %parallel_loop3A_491 = arith.index_cast %parallel_loop3A_216 : i32 to index
        %parallel_loop3A_492 = arith.constant 96 : index
        %parallel_loop3A_493 = tpu.vector_load %arg12[%parallel_loop3A_491, %parallel_loop3A_492] {strides = array<i32>} : memref<8x384xf32, #tpu.memory_space<vmem>>, vector<16xf32>,
        tpu.vector_store %arg12[%parallel_loop3A_491, %parallel_loop3A_492], %parallel_loop3A_486 {strides = array<i32>} : memref<8x384xf32, #tpu.memory_space<vmem>>, vector<16xf32>,
        %parallel_loop3A_494 = arith.index_cast %parallel_loop3A_216 : i32 to index
        %parallel_loop3A_495 = arith.constant 112 : index
        %parallel_loop3A_496 = tpu.vector_load %arg12[%parallel_loop3A_494, %parallel_loop3A_495] {strides = array<i32>} : memref<8x384xf32, #tpu.memory_space<vmem>>, vector<16xf32>,
        tpu.vector_store %arg12[%parallel_loop3A_494, %parallel_loop3A_495], %parallel_loop3A_490 {strides = array<i32>} : memref<8x384xf32, #tpu.memory_space<vmem>>, vector<16xf32>,
        %parallel_loop3A_497 = arith.constant 0 : i32
        %parallel_loop3A_498 = arith.addi %parallel_loop3A_497, %parallel_loop3A_216 : i32
        %parallel_loop3A_499 = arith.index_cast %parallel_loop3A_498 : i32 to index
        %parallel_loop3A_500 = arith.constant 64 : index
        %parallel_loop3A_501 = tpu.vector_load %arg10[%parallel_loop3A_499, %parallel_loop3A_500] {strides = array<i32>} : memref<64x192xi32, #tpu.memory_space<vmem>>, vector<16xi32>,
        %parallel_loop3A_502 = vector.bitcast %parallel_loop3A_501 : vector<16xi32> to vector<32xbf16>
        %parallel_loop3A_503 = arith.constant 8 : i32
        %parallel_loop3A_504 = arith.addi %parallel_loop3A_503, %parallel_loop3A_216 : i32
        %parallel_loop3A_505 = arith.index_cast %parallel_loop3A_504 : i32 to index
        %parallel_loop3A_506 = arith.constant 64 : index
        %parallel_loop3A_507 = tpu.vector_load %arg10[%parallel_loop3A_505, %parallel_loop3A_506] {strides = array<i32>} : memref<64x192xi32, #tpu.memory_space<vmem>>, vector<16xi32>,
        %parallel_loop3A_508 = vector.bitcast %parallel_loop3A_507 : vector<16xi32> to vector<32xbf16>
        %parallel_loop3A_509 = arith.constant 16 : i32
        %parallel_loop3A_510 = arith.addi %parallel_loop3A_509, %parallel_loop3A_216 : i32
        %parallel_loop3A_511 = arith.index_cast %parallel_loop3A_510 : i32 to index
        %parallel_loop3A_512 = arith.constant 64 : index
        %parallel_loop3A_513 = tpu.vector_load %arg10[%parallel_loop3A_511, %parallel_loop3A_512] {strides = array<i32>} : memref<64x192xi32, #tpu.memory_space<vmem>>, vector<16xi32>,
        %parallel_loop3A_514 = vector.bitcast %parallel_loop3A_513 : vector<16xi32> to vector<32xbf16>
        %parallel_loop3A_515 = arith.constant 24 : i32
        %parallel_loop3A_516 = arith.addi %parallel_loop3A_515, %parallel_loop3A_216 : i32
        %parallel_loop3A_517 = arith.index_cast %parallel_loop3A_516 : i32 to index
        %parallel_loop3A_518 = arith.constant 64 : index
        %parallel_loop3A_519 = tpu.vector_load %arg10[%parallel_loop3A_517, %parallel_loop3A_518] {strides = array<i32>} : memref<64x192xi32, #tpu.memory_space<vmem>>, vector<16xi32>,
        %parallel_loop3A_520 = vector.bitcast %parallel_loop3A_519 : vector<16xi32> to vector<32xbf16>
        %parallel_loop3A_521 = arith.constant 32 : i32
        %parallel_loop3A_522 = arith.addi %parallel_loop3A_521, %parallel_loop3A_216 : i32
        %parallel_loop3A_523 = arith.index_cast %parallel_loop3A_522 : i32 to index
        %parallel_loop3A_524 = arith.constant 64 : index
        %parallel_loop3A_525 = tpu.vector_load %arg10[%parallel_loop3A_523, %parallel_loop3A_524] {strides = array<i32>} : memref<64x192xi32, #tpu.memory_space<vmem>>, vector<16xi32>,
        %parallel_loop3A_526 = vector.bitcast %parallel_loop3A_525 : vector<16xi32> to vector<32xbf16>
        %parallel_loop3A_527 = arith.constant 40 : i32
        %parallel_loop3A_528 = arith.addi %parallel_loop3A_527, %parallel_loop3A_216 : i32
        %parallel_loop3A_529 = arith.index_cast %parallel_loop3A_528 : i32 to index
        %parallel_loop3A_530 = arith.constant 64 : index
        %parallel_loop3A_531 = tpu.vector_load %arg10[%parallel_loop3A_529, %parallel_loop3A_530] {strides = array<i32>} : memref<64x192xi32, #tpu.memory_space<vmem>>, vector<16xi32>,
        %parallel_loop3A_532 = vector.bitcast %parallel_loop3A_531 : vector<16xi32> to vector<32xbf16>
        %parallel_loop3A_533 = arith.constant 48 : i32
        %parallel_loop3A_534 = arith.addi %parallel_loop3A_533, %parallel_loop3A_216 : i32
        %parallel_loop3A_535 = arith.index_cast %parallel_loop3A_534 : i32 to index
        %parallel_loop3A_536 = arith.constant 64 : index
        %parallel_loop3A_537 = tpu.vector_load %arg10[%parallel_loop3A_535, %parallel_loop3A_536] {strides = array<i32>} : memref<64x192xi32, #tpu.memory_space<vmem>>, vector<16xi32>,
        %parallel_loop3A_538 = vector.bitcast %parallel_loop3A_537 : vector<16xi32> to vector<32xbf16>
        %parallel_loop3A_539 = arith.constant 56 : i32
        %parallel_loop3A_540 = arith.addi %parallel_loop3A_539, %parallel_loop3A_216 : i32
        %parallel_loop3A_541 = arith.index_cast %parallel_loop3A_540 : i32 to index
        %parallel_loop3A_542 = arith.constant 64 : index
        %parallel_loop3A_543 = tpu.vector_load %arg10[%parallel_loop3A_541, %parallel_loop3A_542] {strides = array<i32>} : memref<64x192xi32, #tpu.memory_space<vmem>>, vector<16xi32>,
        %parallel_loop3A_544 = vector.bitcast %parallel_loop3A_543 : vector<16xi32> to vector<32xbf16>
        %parallel_loop3A_545 = arith.addf %parallel_loop3A_502, %parallel_loop3A_508 : vector<32xbf16>
        %parallel_loop3A_546 = arith.addf %parallel_loop3A_514, %parallel_loop3A_520 : vector<32xbf16>
        %parallel_loop3A_547 = arith.addf %parallel_loop3A_526, %parallel_loop3A_532 : vector<32xbf16>
        %parallel_loop3A_548 = arith.addf %parallel_loop3A_538, %parallel_loop3A_544 : vector<32xbf16>
        %parallel_loop3A_549 = arith.addf %parallel_loop3A_545, %parallel_loop3A_546 : vector<32xbf16>
        %parallel_loop3A_550 = arith.addf %parallel_loop3A_547, %parallel_loop3A_548 : vector<32xbf16>
        %parallel_loop3A_551 = arith.addf %parallel_loop3A_549, %parallel_loop3A_550 : vector<32xbf16>
        %parallel_loop3A_552 = vector.bitcast %parallel_loop3A_551 : vector<32xbf16> to vector<16xi32>
        %parallel_loop3A_553 = arith.constant 16 : i32
        %parallel_loop3A_554 = vector.broadcast %parallel_loop3A_553 : i32 to vector<16xi32>
        %parallel_loop3A_555 = arith.shli %parallel_loop3A_552, %parallel_loop3A_554 : vector<16xi32>
        %parallel_loop3A_556 = vector.bitcast %parallel_loop3A_555 : vector<16xi32> to vector<16xf32>
        %parallel_loop3A_557 = arith.constant -65536 : i32
        %parallel_loop3A_558 = vector.broadcast %parallel_loop3A_557 : i32 to vector<16xi32>
        %parallel_loop3A_559 = arith.andi %parallel_loop3A_552, %parallel_loop3A_558 : vector<16xi32>
        %parallel_loop3A_560 = vector.bitcast %parallel_loop3A_559 : vector<16xi32> to vector<16xf32>
        %parallel_loop3A_561 = arith.index_cast %parallel_loop3A_216 : i32 to index
        %parallel_loop3A_562 = arith.constant 128 : index
        %parallel_loop3A_563 = tpu.vector_load %arg12[%parallel_loop3A_561, %parallel_loop3A_562] {strides = array<i32>} : memref<8x384xf32, #tpu.memory_space<vmem>>, vector<16xf32>,
        tpu.vector_store %arg12[%parallel_loop3A_561, %parallel_loop3A_562], %parallel_loop3A_556 {strides = array<i32>} : memref<8x384xf32, #tpu.memory_space<vmem>>, vector<16xf32>,
        %parallel_loop3A_564 = arith.index_cast %parallel_loop3A_216 : i32 to index
        %parallel_loop3A_565 = arith.constant 144 : index
        %parallel_loop3A_566 = tpu.vector_load %arg12[%parallel_loop3A_564, %parallel_loop3A_565] {strides = array<i32>} : memref<8x384xf32, #tpu.memory_space<vmem>>, vector<16xf32>,
        tpu.vector_store %arg12[%parallel_loop3A_564, %parallel_loop3A_565], %parallel_loop3A_560 {strides = array<i32>} : memref<8x384xf32, #tpu.memory_space<vmem>>, vector<16xf32>,
        %parallel_loop3A_567 = arith.constant 0 : i32
        %parallel_loop3A_568 = arith.addi %parallel_loop3A_567, %parallel_loop3A_216 : i32
        %parallel_loop3A_569 = arith.index_cast %parallel_loop3A_568 : i32 to index
        %parallel_loop3A_570 = arith.constant 80 : index
        %parallel_loop3A_571 = tpu.vector_load %arg10[%parallel_loop3A_569, %parallel_loop3A_570] {strides = array<i32>} : memref<64x192xi32, #tpu.memory_space<vmem>>, vector<16xi32>,
        %parallel_loop3A_572 = vector.bitcast %parallel_loop3A_571 : vector<16xi32> to vector<32xbf16>
        %parallel_loop3A_573 = arith.constant 8 : i32
        %parallel_loop3A_574 = arith.addi %parallel_loop3A_573, %parallel_loop3A_216 : i32
        %parallel_loop3A_575 = arith.index_cast %parallel_loop3A_574 : i32 to index
        %parallel_loop3A_576 = arith.constant 80 : index
        %parallel_loop3A_577 = tpu.vector_load %arg10[%parallel_loop3A_575, %parallel_loop3A_576] {strides = array<i32>} : memref<64x192xi32, #tpu.memory_space<vmem>>, vector<16xi32>,
        %parallel_loop3A_578 = vector.bitcast %parallel_loop3A_577 : vector<16xi32> to vector<32xbf16>
        %parallel_loop3A_579 = arith.constant 16 : i32
        %parallel_loop3A_580 = arith.addi %parallel_loop3A_579, %parallel_loop3A_216 : i32
        %parallel_loop3A_581 = arith.index_cast %parallel_loop3A_580 : i32 to index
        %parallel_loop3A_582 = arith.constant 80 : index
        %parallel_loop3A_583 = tpu.vector_load %arg10[%parallel_loop3A_581, %parallel_loop3A_582] {strides = array<i32>} : memref<64x192xi32, #tpu.memory_space<vmem>>, vector<16xi32>,
        %parallel_loop3A_584 = vector.bitcast %parallel_loop3A_583 : vector<16xi32> to vector<32xbf16>
        %parallel_loop3A_585 = arith.constant 24 : i32
        %parallel_loop3A_586 = arith.addi %parallel_loop3A_585, %parallel_loop3A_216 : i32
        %parallel_loop3A_587 = arith.index_cast %parallel_loop3A_586 : i32 to index
        %parallel_loop3A_588 = arith.constant 80 : index
        %parallel_loop3A_589 = tpu.vector_load %arg10[%parallel_loop3A_587, %parallel_loop3A_588] {strides = array<i32>} : memref<64x192xi32, #tpu.memory_space<vmem>>, vector<16xi32>,
        %parallel_loop3A_590 = vector.bitcast %parallel_loop3A_589 : vector<16xi32> to vector<32xbf16>
        %parallel_loop3A_591 = arith.constant 32 : i32
        %parallel_loop3A_592 = arith.addi %parallel_loop3A_591, %parallel_loop3A_216 : i32
        %parallel_loop3A_593 = arith.index_cast %parallel_loop3A_592 : i32 to index
        %parallel_loop3A_594 = arith.constant 80 : index
        %parallel_loop3A_595 = tpu.vector_load %arg10[%parallel_loop3A_593, %parallel_loop3A_594] {strides = array<i32>} : memref<64x192xi32, #tpu.memory_space<vmem>>, vector<16xi32>,
        %parallel_loop3A_596 = vector.bitcast %parallel_loop3A_595 : vector<16xi32> to vector<32xbf16>
        %parallel_loop3A_597 = arith.constant 40 : i32
        %parallel_loop3A_598 = arith.addi %parallel_loop3A_597, %parallel_loop3A_216 : i32
        %parallel_loop3A_599 = arith.index_cast %parallel_loop3A_598 : i32 to index
        %parallel_loop3A_600 = arith.constant 80 : index
        %parallel_loop3A_601 = tpu.vector_load %arg10[%parallel_loop3A_599, %parallel_loop3A_600] {strides = array<i32>} : memref<64x192xi32, #tpu.memory_space<vmem>>, vector<16xi32>,
        %parallel_loop3A_602 = vector.bitcast %parallel_loop3A_601 : vector<16xi32> to vector<32xbf16>
        %parallel_loop3A_603 = arith.constant 48 : i32
        %parallel_loop3A_604 = arith.addi %parallel_loop3A_603, %parallel_loop3A_216 : i32
        %parallel_loop3A_605 = arith.index_cast %parallel_loop3A_604 : i32 to index
        %parallel_loop3A_606 = arith.constant 80 : index
        %parallel_loop3A_607 = tpu.vector_load %arg10[%parallel_loop3A_605, %parallel_loop3A_606] {strides = array<i32>} : memref<64x192xi32, #tpu.memory_space<vmem>>, vector<16xi32>,
        %parallel_loop3A_608 = vector.bitcast %parallel_loop3A_607 : vector<16xi32> to vector<32xbf16>
        %parallel_loop3A_609 = arith.constant 56 : i32
        %parallel_loop3A_610 = arith.addi %parallel_loop3A_609, %parallel_loop3A_216 : i32
        %parallel_loop3A_611 = arith.index_cast %parallel_loop3A_610 : i32 to index
        %parallel_loop3A_612 = arith.constant 80 : index
        %parallel_loop3A_613 = tpu.vector_load %arg10[%parallel_loop3A_611, %parallel_loop3A_612] {strides = array<i32>} : memref<64x192xi32, #tpu.memory_space<vmem>>, vector<16xi32>,
        %parallel_loop3A_614 = vector.bitcast %parallel_loop3A_613 : vector<16xi32> to vector<32xbf16>
        %parallel_loop3A_615 = arith.addf %parallel_loop3A_572, %parallel_loop3A_578 : vector<32xbf16>
        %parallel_loop3A_616 = arith.addf %parallel_loop3A_584, %parallel_loop3A_590 : vector<32xbf16>
        %parallel_loop3A_617 = arith.addf %parallel_loop3A_596, %parallel_loop3A_602 : vector<32xbf16>
        %parallel_loop3A_618 = arith.addf %parallel_loop3A_608, %parallel_loop3A_614 : vector<32xbf16>
        %parallel_loop3A_619 = arith.addf %parallel_loop3A_615, %parallel_loop3A_616 : vector<32xbf16>
        %parallel_loop3A_620 = arith.addf %parallel_loop3A_617, %parallel_loop3A_618 : vector<32xbf16>
        %parallel_loop3A_621 = arith.addf %parallel_loop3A_619, %parallel_loop3A_620 : vector<32xbf16>
        %parallel_loop3A_622 = vector.bitcast %parallel_loop3A_621 : vector<32xbf16> to vector<16xi32>
        %parallel_loop3A_623 = arith.constant 16 : i32
        %parallel_loop3A_624 = vector.broadcast %parallel_loop3A_623 : i32 to vector<16xi32>
        %parallel_loop3A_625 = arith.shli %parallel_loop3A_622, %parallel_loop3A_624 : vector<16xi32>
        %parallel_loop3A_626 = vector.bitcast %parallel_loop3A_625 : vector<16xi32> to vector<16xf32>
        %parallel_loop3A_627 = arith.constant -65536 : i32
        %parallel_loop3A_628 = vector.broadcast %parallel_loop3A_627 : i32 to vector<16xi32>
        %parallel_loop3A_629 = arith.andi %parallel_loop3A_622, %parallel_loop3A_628 : vector<16xi32>
        %parallel_loop3A_630 = vector.bitcast %parallel_loop3A_629 : vector<16xi32> to vector<16xf32>
        %parallel_loop3A_631 = arith.index_cast %parallel_loop3A_216 : i32 to index
        %parallel_loop3A_632 = arith.constant 160 : index
        %parallel_loop3A_633 = tpu.vector_load %arg12[%parallel_loop3A_631, %parallel_loop3A_632] {strides = array<i32>} : memref<8x384xf32, #tpu.memory_space<vmem>>, vector<16xf32>,
        tpu.vector_store %arg12[%parallel_loop3A_631, %parallel_loop3A_632], %parallel_loop3A_626 {strides = array<i32>} : memref<8x384xf32, #tpu.memory_space<vmem>>, vector<16xf32>,
        %parallel_loop3A_634 = arith.index_cast %parallel_loop3A_216 : i32 to index
        %parallel_loop3A_635 = arith.constant 176 : index
        %parallel_loop3A_636 = tpu.vector_load %arg12[%parallel_loop3A_634, %parallel_loop3A_635] {strides = array<i32>} : memref<8x384xf32, #tpu.memory_space<vmem>>, vector<16xf32>,
        tpu.vector_store %arg12[%parallel_loop3A_634, %parallel_loop3A_635], %parallel_loop3A_630 {strides = array<i32>} : memref<8x384xf32, #tpu.memory_space<vmem>>, vector<16xf32>,
        %parallel_loop3A_637 = arith.constant 0 : i32
        %parallel_loop3A_638 = arith.addi %parallel_loop3A_637, %parallel_loop3A_216 : i32
        %parallel_loop3A_639 = arith.index_cast %parallel_loop3A_638 : i32 to index
        %parallel_loop3A_640 = arith.constant 96 : index
        %parallel_loop3A_641 = tpu.vector_load %arg10[%parallel_loop3A_639, %parallel_loop3A_640] {strides = array<i32>} : memref<64x192xi32, #tpu.memory_space<vmem>>, vector<16xi32>,
        %parallel_loop3A_642 = vector.bitcast %parallel_loop3A_641 : vector<16xi32> to vector<32xbf16>
        %parallel_loop3A_643 = arith.constant 8 : i32
        %parallel_loop3A_644 = arith.addi %parallel_loop3A_643, %parallel_loop3A_216 : i32
        %parallel_loop3A_645 = arith.index_cast %parallel_loop3A_644 : i32 to index
        %parallel_loop3A_646 = arith.constant 96 : index
        %parallel_loop3A_647 = tpu.vector_load %arg10[%parallel_loop3A_645, %parallel_loop3A_646] {strides = array<i32>} : memref<64x192xi32, #tpu.memory_space<vmem>>, vector<16xi32>,
        %parallel_loop3A_648 = vector.bitcast %parallel_loop3A_647 : vector<16xi32> to vector<32xbf16>
        %parallel_loop3A_649 = arith.constant 16 : i32
        %parallel_loop3A_650 = arith.addi %parallel_loop3A_649, %parallel_loop3A_216 : i32
        %parallel_loop3A_651 = arith.index_cast %parallel_loop3A_650 : i32 to index
        %parallel_loop3A_652 = arith.constant 96 : index
        %parallel_loop3A_653 = tpu.vector_load %arg10[%parallel_loop3A_651, %parallel_loop3A_652] {strides = array<i32>} : memref<64x192xi32, #tpu.memory_space<vmem>>, vector<16xi32>,
        %parallel_loop3A_654 = vector.bitcast %parallel_loop3A_653 : vector<16xi32> to vector<32xbf16>
        %parallel_loop3A_655 = arith.constant 24 : i32
        %parallel_loop3A_656 = arith.addi %parallel_loop3A_655, %parallel_loop3A_216 : i32
        %parallel_loop3A_657 = arith.index_cast %parallel_loop3A_656 : i32 to index
        %parallel_loop3A_658 = arith.constant 96 : index
        %parallel_loop3A_659 = tpu.vector_load %arg10[%parallel_loop3A_657, %parallel_loop3A_658] {strides = array<i32>} : memref<64x192xi32, #tpu.memory_space<vmem>>, vector<16xi32>,
        %parallel_loop3A_660 = vector.bitcast %parallel_loop3A_659 : vector<16xi32> to vector<32xbf16>
        %parallel_loop3A_661 = arith.constant 32 : i32
        %parallel_loop3A_662 = arith.addi %parallel_loop3A_661, %parallel_loop3A_216 : i32
        %parallel_loop3A_663 = arith.index_cast %parallel_loop3A_662 : i32 to index
        %parallel_loop3A_664 = arith.constant 96 : index
        %parallel_loop3A_665 = tpu.vector_load %arg10[%parallel_loop3A_663, %parallel_loop3A_664] {strides = array<i32>} : memref<64x192xi32, #tpu.memory_space<vmem>>, vector<16xi32>,
        %parallel_loop3A_666 = vector.bitcast %parallel_loop3A_665 : vector<16xi32> to vector<32xbf16>
        %parallel_loop3A_667 = arith.constant 40 : i32
        %parallel_loop3A_668 = arith.addi %parallel_loop3A_667, %parallel_loop3A_216 : i32
        %parallel_loop3A_669 = arith.index_cast %parallel_loop3A_668 : i32 to index
        %parallel_loop3A_670 = arith.constant 96 : index
        %parallel_loop3A_671 = tpu.vector_load %arg10[%parallel_loop3A_669, %parallel_loop3A_670] {strides = array<i32>} : memref<64x192xi32, #tpu.memory_space<vmem>>, vector<16xi32>,
        %parallel_loop3A_672 = vector.bitcast %parallel_loop3A_671 : vector<16xi32> to vector<32xbf16>
        %parallel_loop3A_673 = arith.constant 48 : i32
        %parallel_loop3A_674 = arith.addi %parallel_loop3A_673, %parallel_loop3A_216 : i32
        %parallel_loop3A_675 = arith.index_cast %parallel_loop3A_674 : i32 to index
        %parallel_loop3A_676 = arith.constant 96 : index
        %parallel_loop3A_677 = tpu.vector_load %arg10[%parallel_loop3A_675, %parallel_loop3A_676] {strides = array<i32>} : memref<64x192xi32, #tpu.memory_space<vmem>>, vector<16xi32>,
        %parallel_loop3A_678 = vector.bitcast %parallel_loop3A_677 : vector<16xi32> to vector<32xbf16>
        %parallel_loop3A_679 = arith.constant 56 : i32
        %parallel_loop3A_680 = arith.addi %parallel_loop3A_679, %parallel_loop3A_216 : i32
        %parallel_loop3A_681 = arith.index_cast %parallel_loop3A_680 : i32 to index
        %parallel_loop3A_682 = arith.constant 96 : index
        %parallel_loop3A_683 = tpu.vector_load %arg10[%parallel_loop3A_681, %parallel_loop3A_682] {strides = array<i32>} : memref<64x192xi32, #tpu.memory_space<vmem>>, vector<16xi32>,
        %parallel_loop3A_684 = vector.bitcast %parallel_loop3A_683 : vector<16xi32> to vector<32xbf16>
        %parallel_loop3A_685 = arith.addf %parallel_loop3A_642, %parallel_loop3A_648 : vector<32xbf16>
        %parallel_loop3A_686 = arith.addf %parallel_loop3A_654, %parallel_loop3A_660 : vector<32xbf16>
        %parallel_loop3A_687 = arith.addf %parallel_loop3A_666, %parallel_loop3A_672 : vector<32xbf16>
        %parallel_loop3A_688 = arith.addf %parallel_loop3A_678, %parallel_loop3A_684 : vector<32xbf16>
        %parallel_loop3A_689 = arith.addf %parallel_loop3A_685, %parallel_loop3A_686 : vector<32xbf16>
        %parallel_loop3A_690 = arith.addf %parallel_loop3A_687, %parallel_loop3A_688 : vector<32xbf16>
        %parallel_loop3A_691 = arith.addf %parallel_loop3A_689, %parallel_loop3A_690 : vector<32xbf16>
        %parallel_loop3A_692 = vector.bitcast %parallel_loop3A_691 : vector<32xbf16> to vector<16xi32>
        %parallel_loop3A_693 = arith.constant 16 : i32
        %parallel_loop3A_694 = vector.broadcast %parallel_loop3A_693 : i32 to vector<16xi32>
        %parallel_loop3A_695 = arith.shli %parallel_loop3A_692, %parallel_loop3A_694 : vector<16xi32>
        %parallel_loop3A_696 = vector.bitcast %parallel_loop3A_695 : vector<16xi32> to vector<16xf32>
        %parallel_loop3A_697 = arith.constant -65536 : i32
        %parallel_loop3A_698 = vector.broadcast %parallel_loop3A_697 : i32 to vector<16xi32>
        %parallel_loop3A_699 = arith.andi %parallel_loop3A_692, %parallel_loop3A_698 : vector<16xi32>
        %parallel_loop3A_700 = vector.bitcast %parallel_loop3A_699 : vector<16xi32> to vector<16xf32>
        %parallel_loop3A_701 = arith.index_cast %parallel_loop3A_216 : i32 to index
        %parallel_loop3A_702 = arith.constant 192 : index
        %parallel_loop3A_703 = tpu.vector_load %arg12[%parallel_loop3A_701, %parallel_loop3A_702] {strides = array<i32>} : memref<8x384xf32, #tpu.memory_space<vmem>>, vector<16xf32>,
        tpu.vector_store %arg12[%parallel_loop3A_701, %parallel_loop3A_702], %parallel_loop3A_696 {strides = array<i32>} : memref<8x384xf32, #tpu.memory_space<vmem>>, vector<16xf32>,
        %parallel_loop3A_704 = arith.index_cast %parallel_loop3A_216 : i32 to index
        %parallel_loop3A_705 = arith.constant 208 : index
        %parallel_loop3A_706 = tpu.vector_load %arg12[%parallel_loop3A_704, %parallel_loop3A_705] {strides = array<i32>} : memref<8x384xf32, #tpu.memory_space<vmem>>, vector<16xf32>,
        tpu.vector_store %arg12[%parallel_loop3A_704, %parallel_loop3A_705], %parallel_loop3A_700 {strides = array<i32>} : memref<8x384xf32, #tpu.memory_space<vmem>>, vector<16xf32>,
        %parallel_loop3A_707 = arith.constant 0 : i32
        %parallel_loop3A_708 = arith.addi %parallel_loop3A_707, %parallel_loop3A_216 : i32
        %parallel_loop3A_709 = arith.index_cast %parallel_loop3A_708 : i32 to index
        %parallel_loop3A_710 = arith.constant 112 : index
        %parallel_loop3A_711 = tpu.vector_load %arg10[%parallel_loop3A_709, %parallel_loop3A_710] {strides = array<i32>} : memref<64x192xi32, #tpu.memory_space<vmem>>, vector<16xi32>,
        %parallel_loop3A_712 = vector.bitcast %parallel_loop3A_711 : vector<16xi32> to vector<32xbf16>
        %parallel_loop3A_713 = arith.constant 8 : i32
        %parallel_loop3A_714 = arith.addi %parallel_loop3A_713, %parallel_loop3A_216 : i32
        %parallel_loop3A_715 = arith.index_cast %parallel_loop3A_714 : i32 to index
        %parallel_loop3A_716 = arith.constant 112 : index
        %parallel_loop3A_717 = tpu.vector_load %arg10[%parallel_loop3A_715, %parallel_loop3A_716] {strides = array<i32>} : memref<64x192xi32, #tpu.memory_space<vmem>>, vector<16xi32>,
        %parallel_loop3A_718 = vector.bitcast %parallel_loop3A_717 : vector<16xi32> to vector<32xbf16>
        %parallel_loop3A_719 = arith.constant 16 : i32
        %parallel_loop3A_720 = arith.addi %parallel_loop3A_719, %parallel_loop3A_216 : i32
        %parallel_loop3A_721 = arith.index_cast %parallel_loop3A_720 : i32 to index
        %parallel_loop3A_722 = arith.constant 112 : index
        %parallel_loop3A_723 = tpu.vector_load %arg10[%parallel_loop3A_721, %parallel_loop3A_722] {strides = array<i32>} : memref<64x192xi32, #tpu.memory_space<vmem>>, vector<16xi32>,
        %parallel_loop3A_724 = vector.bitcast %parallel_loop3A_723 : vector<16xi32> to vector<32xbf16>
        %parallel_loop3A_725 = arith.constant 24 : i32
        %parallel_loop3A_726 = arith.addi %parallel_loop3A_725, %parallel_loop3A_216 : i32
        %parallel_loop3A_727 = arith.index_cast %parallel_loop3A_726 : i32 to index
        %parallel_loop3A_728 = arith.constant 112 : index
        %parallel_loop3A_729 = tpu.vector_load %arg10[%parallel_loop3A_727, %parallel_loop3A_728] {strides = array<i32>} : memref<64x192xi32, #tpu.memory_space<vmem>>, vector<16xi32>,
        %parallel_loop3A_730 = vector.bitcast %parallel_loop3A_729 : vector<16xi32> to vector<32xbf16>
        %parallel_loop3A_731 = arith.constant 32 : i32
        %parallel_loop3A_732 = arith.addi %parallel_loop3A_731, %parallel_loop3A_216 : i32
        %parallel_loop3A_733 = arith.index_cast %parallel_loop3A_732 : i32 to index
        %parallel_loop3A_734 = arith.constant 112 : index
        %parallel_loop3A_735 = tpu.vector_load %arg10[%parallel_loop3A_733, %parallel_loop3A_734] {strides = array<i32>} : memref<64x192xi32, #tpu.memory_space<vmem>>, vector<16xi32>,
        %parallel_loop3A_736 = vector.bitcast %parallel_loop3A_735 : vector<16xi32> to vector<32xbf16>
        %parallel_loop3A_737 = arith.constant 40 : i32
        %parallel_loop3A_738 = arith.addi %parallel_loop3A_737, %parallel_loop3A_216 : i32
        %parallel_loop3A_739 = arith.index_cast %parallel_loop3A_738 : i32 to index
        %parallel_loop3A_740 = arith.constant 112 : index
        %parallel_loop3A_741 = tpu.vector_load %arg10[%parallel_loop3A_739, %parallel_loop3A_740] {strides = array<i32>} : memref<64x192xi32, #tpu.memory_space<vmem>>, vector<16xi32>,
        %parallel_loop3A_742 = vector.bitcast %parallel_loop3A_741 : vector<16xi32> to vector<32xbf16>
        %parallel_loop3A_743 = arith.constant 48 : i32
        %parallel_loop3A_744 = arith.addi %parallel_loop3A_743, %parallel_loop3A_216 : i32
        %parallel_loop3A_745 = arith.index_cast %parallel_loop3A_744 : i32 to index
        %parallel_loop3A_746 = arith.constant 112 : index
        %parallel_loop3A_747 = tpu.vector_load %arg10[%parallel_loop3A_745, %parallel_loop3A_746] {strides = array<i32>} : memref<64x192xi32, #tpu.memory_space<vmem>>, vector<16xi32>,
        %parallel_loop3A_748 = vector.bitcast %parallel_loop3A_747 : vector<16xi32> to vector<32xbf16>
        %parallel_loop3A_749 = arith.constant 56 : i32
        %parallel_loop3A_750 = arith.addi %parallel_loop3A_749, %parallel_loop3A_216 : i32
        %parallel_loop3A_751 = arith.index_cast %parallel_loop3A_750 : i32 to index
        %parallel_loop3A_752 = arith.constant 112 : index
        %parallel_loop3A_753 = tpu.vector_load %arg10[%parallel_loop3A_751, %parallel_loop3A_752] {strides = array<i32>} : memref<64x192xi32, #tpu.memory_space<vmem>>, vector<16xi32>,
        %parallel_loop3A_754 = vector.bitcast %parallel_loop3A_753 : vector<16xi32> to vector<32xbf16>
        %parallel_loop3A_755 = arith.addf %parallel_loop3A_712, %parallel_loop3A_718 : vector<32xbf16>
        %parallel_loop3A_756 = arith.addf %parallel_loop3A_724, %parallel_loop3A_730 : vector<32xbf16>
        %parallel_loop3A_757 = arith.addf %parallel_loop3A_736, %parallel_loop3A_742 : vector<32xbf16>
        %parallel_loop3A_758 = arith.addf %parallel_loop3A_748, %parallel_loop3A_754 : vector<32xbf16>
        %parallel_loop3A_759 = arith.addf %parallel_loop3A_755, %parallel_loop3A_756 : vector<32xbf16>
        %parallel_loop3A_760 = arith.addf %parallel_loop3A_757, %parallel_loop3A_758 : vector<32xbf16>
        %parallel_loop3A_761 = arith.addf %parallel_loop3A_759, %parallel_loop3A_760 : vector<32xbf16>
        %parallel_loop3A_762 = vector.bitcast %parallel_loop3A_761 : vector<32xbf16> to vector<16xi32>
        %parallel_loop3A_763 = arith.constant 16 : i32
        %parallel_loop3A_764 = vector.broadcast %parallel_loop3A_763 : i32 to vector<16xi32>
        %parallel_loop3A_765 = arith.shli %parallel_loop3A_762, %parallel_loop3A_764 : vector<16xi32>
        %parallel_loop3A_766 = vector.bitcast %parallel_loop3A_765 : vector<16xi32> to vector<16xf32>
        %parallel_loop3A_767 = arith.constant -65536 : i32
        %parallel_loop3A_768 = vector.broadcast %parallel_loop3A_767 : i32 to vector<16xi32>
        %parallel_loop3A_769 = arith.andi %parallel_loop3A_762, %parallel_loop3A_768 : vector<16xi32>
        %parallel_loop3A_770 = vector.bitcast %parallel_loop3A_769 : vector<16xi32> to vector<16xf32>
        %parallel_loop3A_771 = arith.index_cast %parallel_loop3A_216 : i32 to index
        %parallel_loop3A_772 = arith.constant 224 : index
        %parallel_loop3A_773 = tpu.vector_load %arg12[%parallel_loop3A_771, %parallel_loop3A_772] {strides = array<i32>} : memref<8x384xf32, #tpu.memory_space<vmem>>, vector<16xf32>,
        tpu.vector_store %arg12[%parallel_loop3A_771, %parallel_loop3A_772], %parallel_loop3A_766 {strides = array<i32>} : memref<8x384xf32, #tpu.memory_space<vmem>>, vector<16xf32>,
        %parallel_loop3A_774 = arith.index_cast %parallel_loop3A_216 : i32 to index
        %parallel_loop3A_775 = arith.constant 240 : index
        %parallel_loop3A_776 = tpu.vector_load %arg12[%parallel_loop3A_774, %parallel_loop3A_775] {strides = array<i32>} : memref<8x384xf32, #tpu.memory_space<vmem>>, vector<16xf32>,
        tpu.vector_store %arg12[%parallel_loop3A_774, %parallel_loop3A_775], %parallel_loop3A_770 {strides = array<i32>} : memref<8x384xf32, #tpu.memory_space<vmem>>, vector<16xf32>,
        %parallel_loop3A_777 = arith.constant 0 : i32
        %parallel_loop3A_778 = arith.addi %parallel_loop3A_777, %parallel_loop3A_216 : i32
        %parallel_loop3A_779 = arith.index_cast %parallel_loop3A_778 : i32 to index
        %parallel_loop3A_780 = arith.constant 128 : index
        %parallel_loop3A_781 = tpu.vector_load %arg10[%parallel_loop3A_779, %parallel_loop3A_780] {strides = array<i32>} : memref<64x192xi32, #tpu.memory_space<vmem>>, vector<16xi32>,
        %parallel_loop3A_782 = vector.bitcast %parallel_loop3A_781 : vector<16xi32> to vector<32xbf16>
        %parallel_loop3A_783 = arith.constant 8 : i32
        %parallel_loop3A_784 = arith.addi %parallel_loop3A_783, %parallel_loop3A_216 : i32
        %parallel_loop3A_785 = arith.index_cast %parallel_loop3A_784 : i32 to index
        %parallel_loop3A_786 = arith.constant 128 : index
        %parallel_loop3A_787 = tpu.vector_load %arg10[%parallel_loop3A_785, %parallel_loop3A_786] {strides = array<i32>} : memref<64x192xi32, #tpu.memory_space<vmem>>, vector<16xi32>,
        %parallel_loop3A_788 = vector.bitcast %parallel_loop3A_787 : vector<16xi32> to vector<32xbf16>
        %parallel_loop3A_789 = arith.constant 16 : i32
        %parallel_loop3A_790 = arith.addi %parallel_loop3A_789, %parallel_loop3A_216 : i32
        %parallel_loop3A_791 = arith.index_cast %parallel_loop3A_790 : i32 to index
        %parallel_loop3A_792 = arith.constant 128 : index
        %parallel_loop3A_793 = tpu.vector_load %arg10[%parallel_loop3A_791, %parallel_loop3A_792] {strides = array<i32>} : memref<64x192xi32, #tpu.memory_space<vmem>>, vector<16xi32>,
        %parallel_loop3A_794 = vector.bitcast %parallel_loop3A_793 : vector<16xi32> to vector<32xbf16>
        %parallel_loop3A_795 = arith.constant 24 : i32
        %parallel_loop3A_796 = arith.addi %parallel_loop3A_795, %parallel_loop3A_216 : i32
        %parallel_loop3A_797 = arith.index_cast %parallel_loop3A_796 : i32 to index
        %parallel_loop3A_798 = arith.constant 128 : index
        %parallel_loop3A_799 = tpu.vector_load %arg10[%parallel_loop3A_797, %parallel_loop3A_798] {strides = array<i32>} : memref<64x192xi32, #tpu.memory_space<vmem>>, vector<16xi32>,
        %parallel_loop3A_800 = vector.bitcast %parallel_loop3A_799 : vector<16xi32> to vector<32xbf16>
        %parallel_loop3A_801 = arith.constant 32 : i32
        %parallel_loop3A_802 = arith.addi %parallel_loop3A_801, %parallel_loop3A_216 : i32
        %parallel_loop3A_803 = arith.index_cast %parallel_loop3A_802 : i32 to index
        %parallel_loop3A_804 = arith.constant 128 : index
        %parallel_loop3A_805 = tpu.vector_load %arg10[%parallel_loop3A_803, %parallel_loop3A_804] {strides = array<i32>} : memref<64x192xi32, #tpu.memory_space<vmem>>, vector<16xi32>,
        %parallel_loop3A_806 = vector.bitcast %parallel_loop3A_805 : vector<16xi32> to vector<32xbf16>
        %parallel_loop3A_807 = arith.constant 40 : i32
        %parallel_loop3A_808 = arith.addi %parallel_loop3A_807, %parallel_loop3A_216 : i32
        %parallel_loop3A_809 = arith.index_cast %parallel_loop3A_808 : i32 to index
        %parallel_loop3A_810 = arith.constant 128 : index
        %parallel_loop3A_811 = tpu.vector_load %arg10[%parallel_loop3A_809, %parallel_loop3A_810] {strides = array<i32>} : memref<64x192xi32, #tpu.memory_space<vmem>>, vector<16xi32>,
        %parallel_loop3A_812 = vector.bitcast %parallel_loop3A_811 : vector<16xi32> to vector<32xbf16>
        %parallel_loop3A_813 = arith.constant 48 : i32
        %parallel_loop3A_814 = arith.addi %parallel_loop3A_813, %parallel_loop3A_216 : i32
        %parallel_loop3A_815 = arith.index_cast %parallel_loop3A_814 : i32 to index
        %parallel_loop3A_816 = arith.constant 128 : index
        %parallel_loop3A_817 = tpu.vector_load %arg10[%parallel_loop3A_815, %parallel_loop3A_816] {strides = array<i32>} : memref<64x192xi32, #tpu.memory_space<vmem>>, vector<16xi32>,
        %parallel_loop3A_818 = vector.bitcast %parallel_loop3A_817 : vector<16xi32> to vector<32xbf16>
        %parallel_loop3A_819 = arith.constant 56 : i32
        %parallel_loop3A_820 = arith.addi %parallel_loop3A_819, %parallel_loop3A_216 : i32
        %parallel_loop3A_821 = arith.index_cast %parallel_loop3A_820 : i32 to index
        %parallel_loop3A_822 = arith.constant 128 : index
        %parallel_loop3A_823 = tpu.vector_load %arg10[%parallel_loop3A_821, %parallel_loop3A_822] {strides = array<i32>} : memref<64x192xi32, #tpu.memory_space<vmem>>, vector<16xi32>,
        %parallel_loop3A_824 = vector.bitcast %parallel_loop3A_823 : vector<16xi32> to vector<32xbf16>
        %parallel_loop3A_825 = arith.addf %parallel_loop3A_782, %parallel_loop3A_788 : vector<32xbf16>
        %parallel_loop3A_826 = arith.addf %parallel_loop3A_794, %parallel_loop3A_800 : vector<32xbf16>
        %parallel_loop3A_827 = arith.addf %parallel_loop3A_806, %parallel_loop3A_812 : vector<32xbf16>
        %parallel_loop3A_828 = arith.addf %parallel_loop3A_818, %parallel_loop3A_824 : vector<32xbf16>
        %parallel_loop3A_829 = arith.addf %parallel_loop3A_825, %parallel_loop3A_826 : vector<32xbf16>
        %parallel_loop3A_830 = arith.addf %parallel_loop3A_827, %parallel_loop3A_828 : vector<32xbf16>
        %parallel_loop3A_831 = arith.addf %parallel_loop3A_829, %parallel_loop3A_830 : vector<32xbf16>
        %parallel_loop3A_832 = vector.bitcast %parallel_loop3A_831 : vector<32xbf16> to vector<16xi32>
        %parallel_loop3A_833 = arith.constant 16 : i32
        %parallel_loop3A_834 = vector.broadcast %parallel_loop3A_833 : i32 to vector<16xi32>
        %parallel_loop3A_835 = arith.shli %parallel_loop3A_832, %parallel_loop3A_834 : vector<16xi32>
        %parallel_loop3A_836 = vector.bitcast %parallel_loop3A_835 : vector<16xi32> to vector<16xf32>
        %parallel_loop3A_837 = arith.constant -65536 : i32
        %parallel_loop3A_838 = vector.broadcast %parallel_loop3A_837 : i32 to vector<16xi32>
        %parallel_loop3A_839 = arith.andi %parallel_loop3A_832, %parallel_loop3A_838 : vector<16xi32>
        %parallel_loop3A_840 = vector.bitcast %parallel_loop3A_839 : vector<16xi32> to vector<16xf32>
        %parallel_loop3A_841 = arith.index_cast %parallel_loop3A_216 : i32 to index
        %parallel_loop3A_842 = arith.constant 256 : index
        %parallel_loop3A_843 = tpu.vector_load %arg12[%parallel_loop3A_841, %parallel_loop3A_842] {strides = array<i32>} : memref<8x384xf32, #tpu.memory_space<vmem>>, vector<16xf32>,
        tpu.vector_store %arg12[%parallel_loop3A_841, %parallel_loop3A_842], %parallel_loop3A_836 {strides = array<i32>} : memref<8x384xf32, #tpu.memory_space<vmem>>, vector<16xf32>,
        %parallel_loop3A_844 = arith.index_cast %parallel_loop3A_216 : i32 to index
        %parallel_loop3A_845 = arith.constant 272 : index
        %parallel_loop3A_846 = tpu.vector_load %arg12[%parallel_loop3A_844, %parallel_loop3A_845] {strides = array<i32>} : memref<8x384xf32, #tpu.memory_space<vmem>>, vector<16xf32>,
        tpu.vector_store %arg12[%parallel_loop3A_844, %parallel_loop3A_845], %parallel_loop3A_840 {strides = array<i32>} : memref<8x384xf32, #tpu.memory_space<vmem>>, vector<16xf32>,
        %parallel_loop3A_847 = arith.constant 0 : i32
        %parallel_loop3A_848 = arith.addi %parallel_loop3A_847, %parallel_loop3A_216 : i32
        %parallel_loop3A_849 = arith.index_cast %parallel_loop3A_848 : i32 to index
        %parallel_loop3A_850 = arith.constant 144 : index
        %parallel_loop3A_851 = tpu.vector_load %arg10[%parallel_loop3A_849, %parallel_loop3A_850] {strides = array<i32>} : memref<64x192xi32, #tpu.memory_space<vmem>>, vector<16xi32>,
        %parallel_loop3A_852 = vector.bitcast %parallel_loop3A_851 : vector<16xi32> to vector<32xbf16>
        %parallel_loop3A_853 = arith.constant 8 : i32
        %parallel_loop3A_854 = arith.addi %parallel_loop3A_853, %parallel_loop3A_216 : i32
        %parallel_loop3A_855 = arith.index_cast %parallel_loop3A_854 : i32 to index
        %parallel_loop3A_856 = arith.constant 144 : index
        %parallel_loop3A_857 = tpu.vector_load %arg10[%parallel_loop3A_855, %parallel_loop3A_856] {strides = array<i32>} : memref<64x192xi32, #tpu.memory_space<vmem>>, vector<16xi32>,
        %parallel_loop3A_858 = vector.bitcast %parallel_loop3A_857 : vector<16xi32> to vector<32xbf16>
        %parallel_loop3A_859 = arith.constant 16 : i32
        %parallel_loop3A_860 = arith.addi %parallel_loop3A_859, %parallel_loop3A_216 : i32
        %parallel_loop3A_861 = arith.index_cast %parallel_loop3A_860 : i32 to index
        %parallel_loop3A_862 = arith.constant 144 : index
        %parallel_loop3A_863 = tpu.vector_load %arg10[%parallel_loop3A_861, %parallel_loop3A_862] {strides = array<i32>} : memref<64x192xi32, #tpu.memory_space<vmem>>, vector<16xi32>,
        %parallel_loop3A_864 = vector.bitcast %parallel_loop3A_863 : vector<16xi32> to vector<32xbf16>
        %parallel_loop3A_865 = arith.constant 24 : i32
        %parallel_loop3A_866 = arith.addi %parallel_loop3A_865, %parallel_loop3A_216 : i32
        %parallel_loop3A_867 = arith.index_cast %parallel_loop3A_866 : i32 to index
        %parallel_loop3A_868 = arith.constant 144 : index
        %parallel_loop3A_869 = tpu.vector_load %arg10[%parallel_loop3A_867, %parallel_loop3A_868] {strides = array<i32>} : memref<64x192xi32, #tpu.memory_space<vmem>>, vector<16xi32>,
        %parallel_loop3A_870 = vector.bitcast %parallel_loop3A_869 : vector<16xi32> to vector<32xbf16>
        %parallel_loop3A_871 = arith.constant 32 : i32
        %parallel_loop3A_872 = arith.addi %parallel_loop3A_871, %parallel_loop3A_216 : i32
        %parallel_loop3A_873 = arith.index_cast %parallel_loop3A_872 : i32 to index
        %parallel_loop3A_874 = arith.constant 144 : index
        %parallel_loop3A_875 = tpu.vector_load %arg10[%parallel_loop3A_873, %parallel_loop3A_874] {strides = array<i32>} : memref<64x192xi32, #tpu.memory_space<vmem>>, vector<16xi32>,
        %parallel_loop3A_876 = vector.bitcast %parallel_loop3A_875 : vector<16xi32> to vector<32xbf16>
        %parallel_loop3A_877 = arith.constant 40 : i32
        %parallel_loop3A_878 = arith.addi %parallel_loop3A_877, %parallel_loop3A_216 : i32
        %parallel_loop3A_879 = arith.index_cast %parallel_loop3A_878 : i32 to index
        %parallel_loop3A_880 = arith.constant 144 : index
        %parallel_loop3A_881 = tpu.vector_load %arg10[%parallel_loop3A_879, %parallel_loop3A_880] {strides = array<i32>} : memref<64x192xi32, #tpu.memory_space<vmem>>, vector<16xi32>,
        %parallel_loop3A_882 = vector.bitcast %parallel_loop3A_881 : vector<16xi32> to vector<32xbf16>
        %parallel_loop3A_883 = arith.constant 48 : i32
        %parallel_loop3A_884 = arith.addi %parallel_loop3A_883, %parallel_loop3A_216 : i32
        %parallel_loop3A_885 = arith.index_cast %parallel_loop3A_884 : i32 to index
        %parallel_loop3A_886 = arith.constant 144 : index
        %parallel_loop3A_887 = tpu.vector_load %arg10[%parallel_loop3A_885, %parallel_loop3A_886] {strides = array<i32>} : memref<64x192xi32, #tpu.memory_space<vmem>>, vector<16xi32>,
        %parallel_loop3A_888 = vector.bitcast %parallel_loop3A_887 : vector<16xi32> to vector<32xbf16>
        %parallel_loop3A_889 = arith.constant 56 : i32
        %parallel_loop3A_890 = arith.addi %parallel_loop3A_889, %parallel_loop3A_216 : i32
        %parallel_loop3A_891 = arith.index_cast %parallel_loop3A_890 : i32 to index
        %parallel_loop3A_892 = arith.constant 144 : index
        %parallel_loop3A_893 = tpu.vector_load %arg10[%parallel_loop3A_891, %parallel_loop3A_892] {strides = array<i32>} : memref<64x192xi32, #tpu.memory_space<vmem>>, vector<16xi32>,
        %parallel_loop3A_894 = vector.bitcast %parallel_loop3A_893 : vector<16xi32> to vector<32xbf16>
        %parallel_loop3A_895 = arith.addf %parallel_loop3A_852, %parallel_loop3A_858 : vector<32xbf16>
        %parallel_loop3A_896 = arith.addf %parallel_loop3A_864, %parallel_loop3A_870 : vector<32xbf16>
        %parallel_loop3A_897 = arith.addf %parallel_loop3A_876, %parallel_loop3A_882 : vector<32xbf16>
        %parallel_loop3A_898 = arith.addf %parallel_loop3A_888, %parallel_loop3A_894 : vector<32xbf16>
        %parallel_loop3A_899 = arith.addf %parallel_loop3A_895, %parallel_loop3A_896 : vector<32xbf16>
        %parallel_loop3A_900 = arith.addf %parallel_loop3A_897, %parallel_loop3A_898 : vector<32xbf16>
        %parallel_loop3A_901 = arith.addf %parallel_loop3A_899, %parallel_loop3A_900 : vector<32xbf16>
        %parallel_loop3A_902 = vector.bitcast %parallel_loop3A_901 : vector<32xbf16> to vector<16xi32>
        %parallel_loop3A_903 = arith.constant 16 : i32
        %parallel_loop3A_904 = vector.broadcast %parallel_loop3A_903 : i32 to vector<16xi32>
        %parallel_loop3A_905 = arith.shli %parallel_loop3A_902, %parallel_loop3A_904 : vector<16xi32>
        %parallel_loop3A_906 = vector.bitcast %parallel_loop3A_905 : vector<16xi32> to vector<16xf32>
        %parallel_loop3A_907 = arith.constant -65536 : i32
        %parallel_loop3A_908 = vector.broadcast %parallel_loop3A_907 : i32 to vector<16xi32>
        %parallel_loop3A_909 = arith.andi %parallel_loop3A_902, %parallel_loop3A_908 : vector<16xi32>
        %parallel_loop3A_910 = vector.bitcast %parallel_loop3A_909 : vector<16xi32> to vector<16xf32>
        %parallel_loop3A_911 = arith.index_cast %parallel_loop3A_216 : i32 to index
        %parallel_loop3A_912 = arith.constant 288 : index
        %parallel_loop3A_913 = tpu.vector_load %arg12[%parallel_loop3A_911, %parallel_loop3A_912] {strides = array<i32>} : memref<8x384xf32, #tpu.memory_space<vmem>>, vector<16xf32>,
        tpu.vector_store %arg12[%parallel_loop3A_911, %parallel_loop3A_912], %parallel_loop3A_906 {strides = array<i32>} : memref<8x384xf32, #tpu.memory_space<vmem>>, vector<16xf32>,
        %parallel_loop3A_914 = arith.index_cast %parallel_loop3A_216 : i32 to index
        %parallel_loop3A_915 = arith.constant 304 : index
        %parallel_loop3A_916 = tpu.vector_load %arg12[%parallel_loop3A_914, %parallel_loop3A_915] {strides = array<i32>} : memref<8x384xf32, #tpu.memory_space<vmem>>, vector<16xf32>,
        tpu.vector_store %arg12[%parallel_loop3A_914, %parallel_loop3A_915], %parallel_loop3A_910 {strides = array<i32>} : memref<8x384xf32, #tpu.memory_space<vmem>>, vector<16xf32>,
        %parallel_loop3A_917 = arith.constant 0 : i32
        %parallel_loop3A_918 = arith.addi %parallel_loop3A_917, %parallel_loop3A_216 : i32
        %parallel_loop3A_919 = arith.index_cast %parallel_loop3A_918 : i32 to index
        %parallel_loop3A_920 = arith.constant 160 : index
        %parallel_loop3A_921 = tpu.vector_load %arg10[%parallel_loop3A_919, %parallel_loop3A_920] {strides = array<i32>} : memref<64x192xi32, #tpu.memory_space<vmem>>, vector<16xi32>,
        %parallel_loop3A_922 = vector.bitcast %parallel_loop3A_921 : vector<16xi32> to vector<32xbf16>
        %parallel_loop3A_923 = arith.constant 8 : i32
        %parallel_loop3A_924 = arith.addi %parallel_loop3A_923, %parallel_loop3A_216 : i32
        %parallel_loop3A_925 = arith.index_cast %parallel_loop3A_924 : i32 to index
        %parallel_loop3A_926 = arith.constant 160 : index
        %parallel_loop3A_927 = tpu.vector_load %arg10[%parallel_loop3A_925, %parallel_loop3A_926] {strides = array<i32>} : memref<64x192xi32, #tpu.memory_space<vmem>>, vector<16xi32>,
        %parallel_loop3A_928 = vector.bitcast %parallel_loop3A_927 : vector<16xi32> to vector<32xbf16>
        %parallel_loop3A_929 = arith.constant 16 : i32
        %parallel_loop3A_930 = arith.addi %parallel_loop3A_929, %parallel_loop3A_216 : i32
        %parallel_loop3A_931 = arith.index_cast %parallel_loop3A_930 : i32 to index
        %parallel_loop3A_932 = arith.constant 160 : index
        %parallel_loop3A_933 = tpu.vector_load %arg10[%parallel_loop3A_931, %parallel_loop3A_932] {strides = array<i32>} : memref<64x192xi32, #tpu.memory_space<vmem>>, vector<16xi32>,
        %parallel_loop3A_934 = vector.bitcast %parallel_loop3A_933 : vector<16xi32> to vector<32xbf16>
        %parallel_loop3A_935 = arith.constant 24 : i32
        %parallel_loop3A_936 = arith.addi %parallel_loop3A_935, %parallel_loop3A_216 : i32
        %parallel_loop3A_937 = arith.index_cast %parallel_loop3A_936 : i32 to index
        %parallel_loop3A_938 = arith.constant 160 : index
        %parallel_loop3A_939 = tpu.vector_load %arg10[%parallel_loop3A_937, %parallel_loop3A_938] {strides = array<i32>} : memref<64x192xi32, #tpu.memory_space<vmem>>, vector<16xi32>,
        %parallel_loop3A_940 = vector.bitcast %parallel_loop3A_939 : vector<16xi32> to vector<32xbf16>
        %parallel_loop3A_941 = arith.constant 32 : i32
        %parallel_loop3A_942 = arith.addi %parallel_loop3A_941, %parallel_loop3A_216 : i32
        %parallel_loop3A_943 = arith.index_cast %parallel_loop3A_942 : i32 to index
        %parallel_loop3A_944 = arith.constant 160 : index
        %parallel_loop3A_945 = tpu.vector_load %arg10[%parallel_loop3A_943, %parallel_loop3A_944] {strides = array<i32>} : memref<64x192xi32, #tpu.memory_space<vmem>>, vector<16xi32>,
        %parallel_loop3A_946 = vector.bitcast %parallel_loop3A_945 : vector<16xi32> to vector<32xbf16>
        %parallel_loop3A_947 = arith.constant 40 : i32
        %parallel_loop3A_948 = arith.addi %parallel_loop3A_947, %parallel_loop3A_216 : i32
        %parallel_loop3A_949 = arith.index_cast %parallel_loop3A_948 : i32 to index
        %parallel_loop3A_950 = arith.constant 160 : index
        %parallel_loop3A_951 = tpu.vector_load %arg10[%parallel_loop3A_949, %parallel_loop3A_950] {strides = array<i32>} : memref<64x192xi32, #tpu.memory_space<vmem>>, vector<16xi32>,
        %parallel_loop3A_952 = vector.bitcast %parallel_loop3A_951 : vector<16xi32> to vector<32xbf16>
        %parallel_loop3A_953 = arith.constant 48 : i32
        %parallel_loop3A_954 = arith.addi %parallel_loop3A_953, %parallel_loop3A_216 : i32
        %parallel_loop3A_955 = arith.index_cast %parallel_loop3A_954 : i32 to index
        %parallel_loop3A_956 = arith.constant 160 : index
        %parallel_loop3A_957 = tpu.vector_load %arg10[%parallel_loop3A_955, %parallel_loop3A_956] {strides = array<i32>} : memref<64x192xi32, #tpu.memory_space<vmem>>, vector<16xi32>,
        %parallel_loop3A_958 = vector.bitcast %parallel_loop3A_957 : vector<16xi32> to vector<32xbf16>
        %parallel_loop3A_959 = arith.constant 56 : i32
        %parallel_loop3A_960 = arith.addi %parallel_loop3A_959, %parallel_loop3A_216 : i32
        %parallel_loop3A_961 = arith.index_cast %parallel_loop3A_960 : i32 to index
        %parallel_loop3A_962 = arith.constant 160 : index
        %parallel_loop3A_963 = tpu.vector_load %arg10[%parallel_loop3A_961, %parallel_loop3A_962] {strides = array<i32>} : memref<64x192xi32, #tpu.memory_space<vmem>>, vector<16xi32>,
        %parallel_loop3A_964 = vector.bitcast %parallel_loop3A_963 : vector<16xi32> to vector<32xbf16>
        %parallel_loop3A_965 = arith.addf %parallel_loop3A_922, %parallel_loop3A_928 : vector<32xbf16>
        %parallel_loop3A_966 = arith.addf %parallel_loop3A_934, %parallel_loop3A_940 : vector<32xbf16>
        %parallel_loop3A_967 = arith.addf %parallel_loop3A_946, %parallel_loop3A_952 : vector<32xbf16>
        %parallel_loop3A_968 = arith.addf %parallel_loop3A_958, %parallel_loop3A_964 : vector<32xbf16>
        %parallel_loop3A_969 = arith.addf %parallel_loop3A_965, %parallel_loop3A_966 : vector<32xbf16>
        %parallel_loop3A_970 = arith.addf %parallel_loop3A_967, %parallel_loop3A_968 : vector<32xbf16>
        %parallel_loop3A_971 = arith.addf %parallel_loop3A_969, %parallel_loop3A_970 : vector<32xbf16>
        %parallel_loop3A_972 = vector.bitcast %parallel_loop3A_971 : vector<32xbf16> to vector<16xi32>
        %parallel_loop3A_973 = arith.constant 16 : i32
        %parallel_loop3A_974 = vector.broadcast %parallel_loop3A_973 : i32 to vector<16xi32>
        %parallel_loop3A_975 = arith.shli %parallel_loop3A_972, %parallel_loop3A_974 : vector<16xi32>
        %parallel_loop3A_976 = vector.bitcast %parallel_loop3A_975 : vector<16xi32> to vector<16xf32>
        %parallel_loop3A_977 = arith.constant -65536 : i32
        %parallel_loop3A_978 = vector.broadcast %parallel_loop3A_977 : i32 to vector<16xi32>
        %parallel_loop3A_979 = arith.andi %parallel_loop3A_972, %parallel_loop3A_978 : vector<16xi32>
        %parallel_loop3A_980 = vector.bitcast %parallel_loop3A_979 : vector<16xi32> to vector<16xf32>
        %parallel_loop3A_981 = arith.index_cast %parallel_loop3A_216 : i32 to index
        %parallel_loop3A_982 = arith.constant 320 : index
        %parallel_loop3A_983 = tpu.vector_load %arg12[%parallel_loop3A_981, %parallel_loop3A_982] {strides = array<i32>} : memref<8x384xf32, #tpu.memory_space<vmem>>, vector<16xf32>,
        tpu.vector_store %arg12[%parallel_loop3A_981, %parallel_loop3A_982], %parallel_loop3A_976 {strides = array<i32>} : memref<8x384xf32, #tpu.memory_space<vmem>>, vector<16xf32>,
        %parallel_loop3A_984 = arith.index_cast %parallel_loop3A_216 : i32 to index
        %parallel_loop3A_985 = arith.constant 336 : index
        %parallel_loop3A_986 = tpu.vector_load %arg12[%parallel_loop3A_984, %parallel_loop3A_985] {strides = array<i32>} : memref<8x384xf32, #tpu.memory_space<vmem>>, vector<16xf32>,
        tpu.vector_store %arg12[%parallel_loop3A_984, %parallel_loop3A_985], %parallel_loop3A_980 {strides = array<i32>} : memref<8x384xf32, #tpu.memory_space<vmem>>, vector<16xf32>,
        %parallel_loop3A_987 = arith.constant 0 : i32
        %parallel_loop3A_988 = arith.addi %parallel_loop3A_987, %parallel_loop3A_216 : i32
        %parallel_loop3A_989 = arith.index_cast %parallel_loop3A_988 : i32 to index
        %parallel_loop3A_990 = arith.constant 176 : index
        %parallel_loop3A_991 = tpu.vector_load %arg10[%parallel_loop3A_989, %parallel_loop3A_990] {strides = array<i32>} : memref<64x192xi32, #tpu.memory_space<vmem>>, vector<16xi32>,
        %parallel_loop3A_992 = vector.bitcast %parallel_loop3A_991 : vector<16xi32> to vector<32xbf16>
        %parallel_loop3A_993 = arith.constant 8 : i32
        %parallel_loop3A_994 = arith.addi %parallel_loop3A_993, %parallel_loop3A_216 : i32
        %parallel_loop3A_995 = arith.index_cast %parallel_loop3A_994 : i32 to index
        %parallel_loop3A_996 = arith.constant 176 : index
        %parallel_loop3A_997 = tpu.vector_load %arg10[%parallel_loop3A_995, %parallel_loop3A_996] {strides = array<i32>} : memref<64x192xi32, #tpu.memory_space<vmem>>, vector<16xi32>,
        %parallel_loop3A_998 = vector.bitcast %parallel_loop3A_997 : vector<16xi32> to vector<32xbf16>
        %parallel_loop3A_999 = arith.constant 16 : i32
        %parallel_loop3A_1000 = arith.addi %parallel_loop3A_999, %parallel_loop3A_216 : i32
        %parallel_loop3A_1001 = arith.index_cast %parallel_loop3A_1000 : i32 to index
        %parallel_loop3A_1002 = arith.constant 176 : index
        %parallel_loop3A_1003 = tpu.vector_load %arg10[%parallel_loop3A_1001, %parallel_loop3A_1002] {strides = array<i32>} : memref<64x192xi32, #tpu.memory_space<vmem>>, vector<16xi32>,
        %parallel_loop3A_1004 = vector.bitcast %parallel_loop3A_1003 : vector<16xi32> to vector<32xbf16>
        %parallel_loop3A_1005 = arith.constant 24 : i32
        %parallel_loop3A_1006 = arith.addi %parallel_loop3A_1005, %parallel_loop3A_216 : i32
        %parallel_loop3A_1007 = arith.index_cast %parallel_loop3A_1006 : i32 to index
        %parallel_loop3A_1008 = arith.constant 176 : index
        %parallel_loop3A_1009 = tpu.vector_load %arg10[%parallel_loop3A_1007, %parallel_loop3A_1008] {strides = array<i32>} : memref<64x192xi32, #tpu.memory_space<vmem>>, vector<16xi32>,
        %parallel_loop3A_1010 = vector.bitcast %parallel_loop3A_1009 : vector<16xi32> to vector<32xbf16>
        %parallel_loop3A_1011 = arith.constant 32 : i32
        %parallel_loop3A_1012 = arith.addi %parallel_loop3A_1011, %parallel_loop3A_216 : i32
        %parallel_loop3A_1013 = arith.index_cast %parallel_loop3A_1012 : i32 to index
        %parallel_loop3A_1014 = arith.constant 176 : index
        %parallel_loop3A_1015 = tpu.vector_load %arg10[%parallel_loop3A_1013, %parallel_loop3A_1014] {strides = array<i32>} : memref<64x192xi32, #tpu.memory_space<vmem>>, vector<16xi32>,
        %parallel_loop3A_1016 = vector.bitcast %parallel_loop3A_1015 : vector<16xi32> to vector<32xbf16>
        %parallel_loop3A_1017 = arith.constant 40 : i32
        %parallel_loop3A_1018 = arith.addi %parallel_loop3A_1017, %parallel_loop3A_216 : i32
        %parallel_loop3A_1019 = arith.index_cast %parallel_loop3A_1018 : i32 to index
        %parallel_loop3A_1020 = arith.constant 176 : index
        %parallel_loop3A_1021 = tpu.vector_load %arg10[%parallel_loop3A_1019, %parallel_loop3A_1020] {strides = array<i32>} : memref<64x192xi32, #tpu.memory_space<vmem>>, vector<16xi32>,
        %parallel_loop3A_1022 = vector.bitcast %parallel_loop3A_1021 : vector<16xi32> to vector<32xbf16>
        %parallel_loop3A_1023 = arith.constant 48 : i32
        %parallel_loop3A_1024 = arith.addi %parallel_loop3A_1023, %parallel_loop3A_216 : i32
        %parallel_loop3A_1025 = arith.index_cast %parallel_loop3A_1024 : i32 to index
        %parallel_loop3A_1026 = arith.constant 176 : index
        %parallel_loop3A_1027 = tpu.vector_load %arg10[%parallel_loop3A_1025, %parallel_loop3A_1026] {strides = array<i32>} : memref<64x192xi32, #tpu.memory_space<vmem>>, vector<16xi32>,
        %parallel_loop3A_1028 = vector.bitcast %parallel_loop3A_1027 : vector<16xi32> to vector<32xbf16>
        %parallel_loop3A_1029 = arith.constant 56 : i32
        %parallel_loop3A_1030 = arith.addi %parallel_loop3A_1029, %parallel_loop3A_216 : i32
        %parallel_loop3A_1031 = arith.index_cast %parallel_loop3A_1030 : i32 to index
        %parallel_loop3A_1032 = arith.constant 176 : index
        %parallel_loop3A_1033 = tpu.vector_load %arg10[%parallel_loop3A_1031, %parallel_loop3A_1032] {strides = array<i32>} : memref<64x192xi32, #tpu.memory_space<vmem>>, vector<16xi32>,
        %parallel_loop3A_1034 = vector.bitcast %parallel_loop3A_1033 : vector<16xi32> to vector<32xbf16>
        %parallel_loop3A_1035 = arith.addf %parallel_loop3A_992, %parallel_loop3A_998 : vector<32xbf16>
        %parallel_loop3A_1036 = arith.addf %parallel_loop3A_1004, %parallel_loop3A_1010 : vector<32xbf16>
        %parallel_loop3A_1037 = arith.addf %parallel_loop3A_1016, %parallel_loop3A_1022 : vector<32xbf16>
        %parallel_loop3A_1038 = arith.addf %parallel_loop3A_1028, %parallel_loop3A_1034 : vector<32xbf16>
        %parallel_loop3A_1039 = arith.addf %parallel_loop3A_1035, %parallel_loop3A_1036 : vector<32xbf16>
        %parallel_loop3A_1040 = arith.addf %parallel_loop3A_1037, %parallel_loop3A_1038 : vector<32xbf16>
        %parallel_loop3A_1041 = arith.addf %parallel_loop3A_1039, %parallel_loop3A_1040 : vector<32xbf16>
        %parallel_loop3A_1042 = vector.bitcast %parallel_loop3A_1041 : vector<32xbf16> to vector<16xi32>
        %parallel_loop3A_1043 = arith.constant 16 : i32
        %parallel_loop3A_1044 = vector.broadcast %parallel_loop3A_1043 : i32 to vector<16xi32>
        %parallel_loop3A_1045 = arith.shli %parallel_loop3A_1042, %parallel_loop3A_1044 : vector<16xi32>
        %parallel_loop3A_1046 = vector.bitcast %parallel_loop3A_1045 : vector<16xi32> to vector<16xf32>
        %parallel_loop3A_1047 = arith.constant -65536 : i32
        %parallel_loop3A_1048 = vector.broadcast %parallel_loop3A_1047 : i32 to vector<16xi32>
        %parallel_loop3A_1049 = arith.andi %parallel_loop3A_1042, %parallel_loop3A_1048 : vector<16xi32>
        %parallel_loop3A_1050 = vector.bitcast %parallel_loop3A_1049 : vector<16xi32> to vector<16xf32>
        %parallel_loop3A_1051 = arith.index_cast %parallel_loop3A_216 : i32 to index
        %parallel_loop3A_1052 = arith.constant 352 : index
        %parallel_loop3A_1053 = tpu.vector_load %arg12[%parallel_loop3A_1051, %parallel_loop3A_1052] {strides = array<i32>} : memref<8x384xf32, #tpu.memory_space<vmem>>, vector<16xf32>,
        tpu.vector_store %arg12[%parallel_loop3A_1051, %parallel_loop3A_1052], %parallel_loop3A_1046 {strides = array<i32>} : memref<8x384xf32, #tpu.memory_space<vmem>>, vector<16xf32>,
        %parallel_loop3A_1054 = arith.index_cast %parallel_loop3A_216 : i32 to index
        %parallel_loop3A_1055 = arith.constant 368 : index
        %parallel_loop3A_1056 = tpu.vector_load %arg12[%parallel_loop3A_1054, %parallel_loop3A_1055] {strides = array<i32>} : memref<8x384xf32, #tpu.memory_space<vmem>>, vector<16xf32>,
        tpu.vector_store %arg12[%parallel_loop3A_1054, %parallel_loop3A_1055], %parallel_loop3A_1050 {strides = array<i32>} : memref<8x384xf32, #tpu.memory_space<vmem>>, vector<16xf32>,
      } {sc.loop_unroll_factor = 2 : i64, sc.parallel_access}
      "tpu.trace_stop"() : () -> ()
      %mul3A_209 = arith.constant 8 : i32
      %mul3A_210 = arith.muli %add3A_190, %mul3A_209 : i32
      %add3A_211 = arith.addi %mul3A_0, %mul3A_210 : i32
      %mul3A_212 = arith.constant 2 : i32
      %mul3A_213 = arith.muli %mul3A_2, %mul3A_212 : i32
      %dma_start3A_214 = tpu.memref_slice %arg4[%add3A_211, %mul3A_213] : memref<32768x768xf32, #tpu.memory_space<hbm>> -> memref<8x384xf32, #tpu.memory_space<hbm>>
      %dma_start3A_215 = tpu.memref_slice %arg4[%add3A_211, %mul3A_213] : memref<32768x768xf32, #tpu.memory_space<hbm>> -> memref<8x384xf32, #tpu.memory_space<hbm>>
      tpu.enqueue_dma source(%arg12 : memref<8x384xf32, #tpu.memory_space<vmem>>) target(%dma_start3A_215 : memref<8x384xf32, #tpu.memory_space<hbm>>) target_semaphore(%arg16 : memref<!tpu.dma_semaphore, #tpu.memory_space<semaphore_mem>>)
    }
    %scan3A_149 = arith.constant 128 : i32
    %add3A_150 = arith.constant 0 : i32
    %add3A_151 = arith.addi %mul3A_0, %add3A_150 : i32
    %mul3A_152 = arith.constant 2 : i32
    %mul3A_153 = arith.muli %mul3A_2, %mul3A_152 : i32
    %dma_wait3A = tpu.memref_slice %arg4[%add3A_151, %mul3A_153] : memref<32768x768xf32, #tpu.memory_space<hbm>> -> memref<8x384xf32, #tpu.memory_space<hbm>>
    %dma_wait3A_154 = tpu.memref_slice %arg4[%add3A_151, %mul3A_153] : memref<32768x768xf32, #tpu.memory_space<hbm>> -> memref<8x384xf32, #tpu.memory_space<hbm>>
    tpu.wait_dma2 semaphore(%arg15 : memref<!tpu.dma_semaphore, #tpu.memory_space<semaphore_mem>>) src(%arg11 : memref<8x384xf32, #tpu.memory_space<vmem>>) dst(%dma_wait3A_154 : memref<8x384xf32, #tpu.memory_space<hbm>>)
    %add3A_155 = arith.constant 0 : i32
    %add3A_156 = arith.addi %mul3A_0, %add3A_155 : i32
    %mul3A_157 = arith.constant 2 : i32
    %mul3A_158 = arith.muli %mul3A_2, %mul3A_157 : i32
    %dma_wait3A_159 = tpu.memref_slice %arg4[%add3A_156, %mul3A_158] : memref<32768x768xf32, #tpu.memory_space<hbm>> -> memref<8x384xf32, #tpu.memory_space<hbm>>
    %dma_wait3A_160 = tpu.memref_slice %arg4[%add3A_156, %mul3A_158] : memref<32768x768xf32, #tpu.memory_space<hbm>> -> memref<8x384xf32, #tpu.memory_space<hbm>>
    tpu.wait_dma2 semaphore(%arg16 : memref<!tpu.dma_semaphore, #tpu.memory_space<semaphore_mem>>) src(%arg12 : memref<8x384xf32, #tpu.memory_space<vmem>>) dst(%dma_wait3A_160 : memref<8x384xf32, #tpu.memory_space<hbm>>)
    return
  }
}

</mosaic_0001>

<sc_bundles>
// kernel: kernel.3.cloned.1.call-start
scs
__scs_entry_jumppad:
0x0: {  	(pc) =	sbr.rel $0x88, $3  }
0x1: {  	(tag) =	ssettag $0x0;
	lr =	simm.s32 $0x1  }
0x2: {  	[smem:$0x3F98] =	sst lr;
	_ =	strace $0xD0000000  }
0x3: {  	_ = 	snop  }
0x4: {  	_ = 	snop  }
0x5: {  	_ = 	snop  }
0x6: {  	_ = 	snop  }
0x7: {  	_ = 	snop  }
__scs_overlays_trampoline_lowered:
0x8: {  	[smem:$0x3FA7] =	sst s0  }
0x9: {  	[smem:$0x3FA8] =	sst s1  }
0xa: {  	[smem:$0x3FA9] =	sst s2  }
0xb: {  	[smem:$0x3FAA] =	sst s3  }
0xc: {  	[smem:$0x3FAB] =	sst s4  }
0xd: {  	[smem:$0x3FAC] =	sst s5  }
0xe: {  	[smem:$0x3FAD] =	sst s6  }
0xf: {  	[smem:$0x3FAE] =	sst s7  }
0x10: {  	[smem:$0x3FAF] =	sst s8  }
0x11: {  	[smem:$0x3FB0] =	sst s9;
	s0 =	simm.s32 @!p0 $0x0  }
0x12: {  	s1 =	sld [smem:$0x3F96];
	s0 =	simm.s32 @p0 $0x1  }
0x13: {  	[smem:$0x3FB1] =	sst s0;
	s0 =	simm.s32 @!p1 $0x0  }
0x14: {  	s2 =	sld [smem:$0x3F95];
	s0 =	simm.s32 @p1 $0x1  }
0x15: {  	[smem:$0x3FB2] =	sst s0;
	s0 =	simm.s32 @!p2 $0x0  }
0x16: {  	s3 =	sld [smem:$0x3FDB];
	s0 =	simm.s32 @p2 $0x1  }
0x17: {  	s4 =	simm.s32 $0x1BF5;
	[smem:$0x3FB4] =	sst s0  }
0x18: {  	s0 =	sld [smem:$0x3F97];
	_ =	swait.ge [sflag:s4], $0x0  }
0x19: {  	s7 =	sld [smem:$0x3F98]  }
0x1a: {  	s8 =	sadd.s32 $0xFFFFE003, lr  }
0x1b: {  	s9 =	sadd.s32 $0xFFFFFEF7, lr;
	s5 =	simm.s32 $0xFFFFFFFF;
	p2 =	slt.u32 s8, $0xFFFFF086  }
0x1c: {  	p1 =	slt.u32 s9, $0xF7A;
	s5 =	simm.s32 @!p2 $0x0  }
0x1d: {  	s5 =	simm.s32 @p1 $0x1;
	p0 =	seq.s32 s7, s2  }
0x1e: {  	s7 =	smul.u32 @!p0 $0xF7A, s2;
	p2 =	seq.s32 @!p0 s5, $0x0  }
0x1f: {  	s9 =	smul.u32 $0xF7A, s1;
	s8 =	simm.s32 @!p0 $0x1BF5;
	p2 =	por !p2, p0  }
0x20: {  	[sflag:s8] =	ssyncset.s32 @!p0 $0xFFFFF086;
	s6 =	sadd.s32 @!p0 s3, s7;
	s7 =	simm.s32 @!p0 $0x108  }
0x21: {  	s3 =	sadd.s32 s3, s9;
	s6 =	sadd.s32 @!p0 $0x88, s6;
	s7 =	simm.s32 @p2 $0x1082  }
0x22: {  	[simem:s7], [sflag:s8] =	dma.local @!p0 [hbm:s6], $0xF7A  }
0x23: {  	s9 =	sor.u32 $0xD0000000, s2;
	s6 =	simm.s32 $0x108;
	_ =	swait.ge @!p0 [sflag:s8], $0x0  }
0x24: {  	s3 =	sadd.s32 $0x88, s3;
	s6 =	simm.s32 @!p1 $0x1082;
	[sflag:s4] =	ssyncset.s32 $0xFFFFF086  }
0x25: {  	[simem:s6], [sflag:s4] =	dma.local [hbm:s3], $0xF7A  }
0x26: {  	[smem:$0x3F98] =	sst s1;
	(tag) =	ssettag s2;
	_ =	strace s9  }
0x27: {  	s1 =	sld [smem:$0x3FA8]  }
0x28: {  	s2 =	sld [smem:$0x3FA9]  }
0x29: {  	s4 =	sld [smem:$0x3FAB]  }
0x2a: {  	p0 =	seq.s32 s5, $0x0;
	s5 =	sld [smem:$0x3FAC]  }
0x2b: {  	s6 =	sld [smem:$0x3FAD]  }
0x2c: {  	s7 =	sld [smem:$0x3FAE]  }
0x2d: {  	s3 =	simm.s32 $0x108;
	s8 =	sld [smem:$0x3FAF]  }
0x2e: {  	s3 =	simm.s32 @!p0 $0x1082;
	s9 =	sld [smem:$0x3FB0]  }
0x2f: {  	lr =	sadd.s32 s0, s3;
	s0 =	sld [smem:$0x3FA7]  }
0x30: {  	s3 =	sld [smem:$0x3FAA]  }
0x31: {  	[smem:$0x3FB3] =	sst s10  }
0x32: {  	s10 =	sld [smem:$0x3FB1];
	_ =	sdelay $0x3  }
0x33: {  	p0 =	seq.s32 s10, $0x1;
	s10 =	sld [smem:$0x3FB3];
	_ =	sdelay $0x3  }
0x34: {  	[smem:$0x3FB3] =	sst s10  }
0x35: {  	s10 =	sld [smem:$0x3FB2];
	_ =	sdelay $0x3  }
0x36: {  	p1 =	seq.s32 s10, $0x1;
	s10 =	sld [smem:$0x3FB3];
	_ =	sdelay $0x3  }
0x37: {  	[smem:$0x3FB3] =	sst s10  }
0x38: {  	s10 =	sld [smem:$0x3FB4]  }
0x39: {  	_ = 	snop;
	(pc) =	sbr.ind lr, $3  }
0x3a: {  	_ = 	snop  }
0x3b: {  	_ = 	snop  }
0x3c: {  	p2 =	seq.s32 s10, $0x1;
	s10 =	sld [smem:$0x3FB3]  }
0x3d: {  	_ =	shalt  }
0x3e: {  	_ =	shalt  }
0x3f: {  	_ =	shalt  }
0x40: {  	_ =	shalt  }
0x41: {  	_ =	shalt  }
0x42: {  	_ =	shalt  }
0x43: {  	_ =	shalt  }
0x44: {  	_ =	shalt  }
0x45: {  	_ =	shalt  }
0x46: {  	_ =	shalt  }
0x47: {  	_ =	shalt  }
0x48: {  	_ =	shalt  }
0x49: {  	_ =	shalt  }
0x4a: {  	_ =	shalt  }
0x4b: {  	_ =	shalt  }
0x4c: {  	_ =	shalt  }
0x4d: {  	_ =	shalt  }
0x4e: {  	_ =	shalt  }
0x4f: {  	_ =	shalt  }
0x50: {  	_ =	shalt  }
0x51: {  	_ =	shalt  }
0x52: {  	_ =	shalt  }
0x53: {  	_ =	shalt  }
0x54: {  	_ =	shalt  }
0x55: {  	_ =	shalt  }
0x56: {  	_ =	shalt  }
0x57: {  	_ =	shalt  }
0x58: {  	_ =	shalt  }
0x59: {  	_ =	shalt  }
0x5a: {  	_ =	shalt  }
0x5b: {  	_ =	shalt  }
0x5c: {  	_ =	shalt  }
0x5d: {  	_ =	shalt  }
0x5e: {  	_ =	shalt  }
0x5f: {  	_ =	shalt  }
0x60: {  	_ =	shalt  }
0x61: {  	_ =	shalt  }
0x62: {  	_ =	shalt  }
0x63: {  	_ =	shalt  }
0x64: {  	_ =	shalt  }
0x65: {  	_ =	shalt  }
0x66: {  	_ =	shalt  }
0x67: {  	_ =	shalt  }
0x68: {  	_ =	shalt  }
0x69: {  	_ =	shalt  }
0x6a: {  	_ =	shalt  }
0x6b: {  	_ =	shalt  }
0x6c: {  	_ =	shalt  }
0x6d: {  	_ =	shalt  }
0x6e: {  	_ =	shalt  }
0x6f: {  	_ =	shalt  }
0x70: {  	_ =	shalt  }
0x71: {  	_ =	shalt  }
0x72: {  	_ =	shalt  }
0x73: {  	_ =	shalt  }
0x74: {  	_ =	shalt  }
0x75: {  	_ =	shalt  }
0x76: {  	_ =	shalt  }
0x77: {  	_ =	shalt  }
0x78: {  	_ =	shalt  }
0x79: {  	_ =	shalt  }
0x7a: {  	_ =	shalt  }
0x7b: {  	_ =	shalt  }
0x7c: {  	_ =	shalt  }
0x7d: {  	_ =	shalt  }
0x7e: {  	_ =	shalt  }
0x7f: {  	_ =	shalt  }
0x80: {  	_ =	shalt  }
0x81: {  	_ =	shalt  }
0x82: {  	_ =	shalt  }
0x83: {  	_ =	shalt  }
0x84: {  	_ =	shalt  }
0x85: {  	_ =	shalt  }
0x86: {  	_ =	shalt  }
0x87: {  	_ =	shalt  }
.Lfunc_end0:
.L_simem_size_0:
called_computation_lowered:
.L_overlay_start_0:
0x88: {  	s2 =	sld [smem:$0x3FD9]  }
0x89: {  	s3 =	sld [smem:$0x3FFE];
	_ =	sdelay $0x1  }
0x8a: {  	s1 =	srdreg.scid  }
0x8b: {  	s0 =	sand.u32 $0x1, s1  }
0x8c: {  	s17 =	sshll.u32 s0, $0xA;
	s2 =	sadd.s32 s3, s2  }
0x8d: {  	s2 =	sadd.s32 s2, s17  }
0x8e: {  	[smem:$0x3FBF] =	sst s2  }
0x8f: {  	_ = 	snop  }
0x90: {  	s2 =	sld [smem:$0x3FD0];
	(tm) =	ssettm $0x1  }
0x91: {  	s18 =	sld [smem:$0x3FFB];
	_ =	sdelay $0x3  }
0x92: {  	_ =	strace s18  }
0x93: {  	s3 =	sld [smem:$0x3FFC];
	_ =	sdelay $0x3  }
0x94: {  	_ =	strace s3  }
0x95: {  	s3 =	sld [smem:$0x3FFD];
	_ =	sdelay $0x3  }
0x96: {  	_ =	strace s3  }
0x97: {  	_ =	strace $0x8FFFFFFF  }
0x98: {  	s19 =	sld [smem:$0x3FDB];
	_ =	sdelay $0x1  }
0x99: {  	s4 =	simm.s32 $_scs_section_size  }
0x9a: {  	s5 =	simm.s32 $_size__tile_overlayer_lowered;
	s6 =	simm.s32 $_tile_overlayer_lowered  }
0x9b: {  	s22 =	simm.s32 $0x1BFF;
	s21 =	sshll.u32 s6, $0x1;
	s3 =	sadd.s32 s4, s19  }
0x9c: {  	s7 =	simm.s32 $0x0;
	s20 =	sshll.u32 s5, $0x1;
	s5 =	sadd.s32 s21, s3  }
0x9d: {  	[timem:s7], [sflag:s22] =	dma.local [hbm:s5], s20  }
0x9e: {  	_ =	swait.ge [sflag:s22], s20  }
0x9f: {  	s4 =	ssub.s32 $0x0, s20;
	[sflag:s22] =	ssyncset.done $0x0  }
0xa0: {  	[sflag:s22] =	ssyncadd.s32 s4;
	_ =	sdelay $0x1  }
0xa1: {  	s23 =	simm.s32 $0x1B8B  }
0xa2: {  	_ =	swait.ge [sflag:s23], $0x1  }
0xa3: {  	[sflag:s23] =	ssyncset.done $0x0  }
0xa4: {  	s25 =	simm.s32 $0x1B8E;
	s24 =	sld [smem:$0x3FFE];
	[sflag:s23] =	ssyncadd.s32 $0xFFFFFFFF  }
0xa5: {  	s26 =	simm.s32 $execute0_lowered;
	[smem:$0x3FD2] =	sst s25  }
0xa6: {  	s5 =	sshll.u32 s26, $0x1;
	_ =	strace $0x80000046;
	[dreg:$0x1] =	wrdreg $0xFFFFFFFF  }
0xa7: {  	s28 =	simm.s32 $_size_execute0_lowered;
	s3 =	sadd.s32 s3, s5;
	[dreg:$0x0] =	wrdreg $0x0  }
0xa8: {  	s5 =	sshll.u32 s28, $0x1;
	[dreg:$0x2] =	wrdreg s3  }
0xa9: {  	[dreg:$0x3] =	wrdreg s5  }
0xaa: {  	[dreg:$0x4] =	wrdreg $0xC0  }
0xab: {  	_ =	task [dreg:s7], $0x5FFFF  }
0xac: {  	[dreg:$0x1] =	wrdreg $0xFFFFFFFF  }
0xad: {  	[dreg:$0x0] =	wrdreg $0x60  }
0xae: {  	[dreg:$0x2] =	wrdreg s2  }
0xaf: {  	[dreg:$0x3] =	wrdreg s24  }
0xb0: {  	[dreg:$0x4] =	wrdreg $0x0  }
0xb1: {  	[dreg:$0x5] =	wrdreg $0x9  }
0xb2: {  	_ =	task.clear_ibuf [dreg:s7], $0x6FFFF;
	_ =	strace $0x90000046  }
0xb3: {  	s29 =	simm.s32 $0x9;
	_ =	strace $0x80000050  }
0xb4: {  	_ =	swait.ge [sflag:s29], $0x1  }
0xb5: {  	[sflag:s29] =	ssyncadd.s32 $0xFFFFFFFF  }
0xb6: {  	_ =	strace $0x90000050  }
0xb7: {  	_ =	sfence  }
0xb8: {  	s30 =	sld [smem:$0x0];
	_ =	sdelay $0x2  }
0xb9: {  	s31 =	sshll.u32 s1, $0xD;
	s1 =	sshrl.u32 s1, $0x2  }
0xba: {  	s3 =	sand.u32 $0x4000, s31;
	s1 =	sadd.s32 s1, s30  }
0xbb: {  	s0 =	sor.u32 s3, s0;
	s1 =	sshll.u32 s1, $0x11  }
0xbc: {  	s0 =	sor.u32 s1, s0  }
0xbd: {  	s0 =	sadd.s32 $0x8F2B, s0  }
0xbe: {  	[sflag:s0] =	ssyncadd.remote.s32 $0x1  }
0xbf: {  	_ =	sfence.sel $0xFFFF  }
0xc0: {  	[dreg:$0x0] =	wrdreg $0xFFFFFFFF;
	(pc) =	sbr.abs _section_cstart, $3  }
0xc1: {  	[dreg:$0x1] =	wrdreg $0xFFFFFFFF  }
0xc2: {  	_ =	task.clear_ibuf [dreg:s7], $0x2FFFF;
	_ =	strace $0x9FFFFFFF  }
0xc3: {  	(tm) =	ssettm $0x7FFFFFFF  }
tec
execute0_lowered:
.L_overlay_start_1:
0x0: {  	(tag) =	ssettag $0x1  }
0x1: {  	s0 =	rddreg [dreg:$0x0]  }
0x2: {  	s1 =	srdreg.scid;
	s3 =	rddreg [dreg:$0x1]  }
0x3: {  	s9 =	stileid.u32;
	s2 =	rddreg [dreg:$0x2]  }
0x4: {  	s6 =	simm.s32 $0x0;
	s12 =	simm.s32 $0x2;
	s15 =	simm.s32 $0x5  }
0x5: {  	s16 =	simm.s32 $0x18000;
	s17 =	simm.s32 $0x18400;
	s18 =	simm.s32 $0x40  }
0x6: {  	s19 =	simm.s32 $0x18480;
	s20 =	simm.s32 $0x18440;
	s21 =	simm.s32 $0x1B480  }
0x7: {  	s22 =	simm.s32 $0x1;
	s28 =	simm.s32 $0x3;
	s29 =	simm.s32 $0x4  }
0x8: {  	s30 =	simm.s32 $0x0;
	s1 =	sand.u32 $0x1, s1;
	s4 =	smul.u32 $0x30000, s9  }
0x9: {  	[smem:$0x7FF] =	sst s6;
	s24 =	smul.u32 $0x60000, s9;
	s26 =	sshll.u32 s9, $0x6  }
0xa: {  	s5 =	smul.u32 $0xC0, s1;
	s23 =	ssub.s32 $0x2, s1;
	_ =	strace $0x80000047  }
0xb: {  	s31 =	sor.u32 $0x1C05, s26;
	s26 =	simm.s32 $0x1F080;
	s8 =	sshrl.u32 s23, $0x1  }
0xc: {  	s6 =	sshrl.u32 s24, $0x2;
	[dreg:$0x5] =	wrdreg s31;
	s24 =	simm.s32 $0x300  }
0xd: {  	v11 =	vlaneseq.u32;
	vm0 =	vcmask $0x3F20;
	s4 =	sor.u32 s5, s4;
	s25 =	ssub.s32 s23, s8;
	s5 =	sshll.u32 s9, $0xB  }
0xe: {  	v0 =	vmul.u32 $0x8, v11;
	v3 =	vand.u32 $0x7, v11;
	v11 =	vor.u32 $0x38, v11;
	s6 =	sadd.s32 s6, s2;
	s9 =	smul.u32 $0x180, s1;
	s4 =	sshrl.u32 s4, $0x3  }
0xf: {  	v5 =	vor.u32 $0x8, v3;
	v6 =	vor.u32 $0x10, v3;
	v7 =	vor.u32 $0x18, v3;
	s23 =	simm.s32 $0x180;
	s8 =	sadd.s32 s0, s5;
	s7 =	sadd.s32 s4, s3  }
0x10: {  	v8 =	vor.u32 $0x20, v3;
	v9 =	vor.u32 $0x28, v3;
	v10 =	vor.u32 $0x30, v3;
	s10 =	smax.u32 s25, $0x1;
	s11 =	sshrl.u32 s6, $0x3;
	s7 =	sadd.s32 $0xE00, s7  }
0x11: {  	v1 =	vor.u32 $0x1, v0;
	v2 =	vor.u32 $0x2, v0;
	v4 =	vor.u32 $0x3, v0;
	s25 =	simm.s32 $0x1E480;
	s4 =	sadd.s32 $0x60E00, s3;
	[dreg:$0x4] =	wrdreg s7  }
.LBB2_1:
0x12: {  	s0 =	rddreg [dreg:$0x4]  }
0x13: {  	s1 =	rddreg [dreg:$0x5];
	s3 =	simm.s32 $0x18;
	s6 =	simm.s32 $0x30  }
0x14: {  	[spmem:s11@s3], [sflag:s1] =	dma.strided [hbm:s0@s6], $0x3000, s12, $0xc   }
0x15: {  	_ =	swait.ge [sflag:s15], $0x3000  }
0x16: {  	[sflag:s15] =	ssyncset.done $0x0  }
0x17: {  	[sflag:s15] =	ssyncadd.s32 $0xFFFFD000  }
0x18: {  	s14 =	simm.s32 $0x0;
	[bflag:$0x0] =	sbarrier.arrive $0xFFFF  }
0x19: {  	[tilespmem:s16], [sflag:$0x5] =	stream.linear.gather [hbm4b:s8+s14], $0x400, $0x38;
	[tilespmem:$0x1FC80] =	vst v63  }
0x1a: {  	_ =	swait.ge [sflag:s15], $0x400  }
0x1b: {  	[sflag:s15] =	ssyncset.done $0x0  }
0x1c: {  	[sflag:s15] =	ssyncadd.s32 $0xFFFFFC00  }
0x1d: {  	v12 =	vld.idx.msk [tilespmem:v0+s16+$0x0], $0xffff  }
0x1e: {  	v13 =	vld.idx.msk [tilespmem:v1+s16+$0x0], $0xffff  }
0x1f: {  	v14 =	vld.idx.msk [tilespmem:v2+s16+$0x0], $0xffff  }
0x20: {  	v15 =	vld.idx.msk [tilespmem:v4+s16+$0x0], $0xffff;
	_ =	sdelay $0x2  }
0x21: {  	vm1 =	vgt.s32 v12, $0x0;
	vm2 =	vgt.s32 v13, $0x0  }
0x22: {  	v12 =	vnsel vm1, $0x0, v12;
	v13 =	vnsel vm2, $0x0, v13;
	vm1 =	vgt.s32 v14, $0x0  }
0x23: {  	v12 =	vmin.u32 v12, $0x3FF;
	v14 =	vnsel vm1, $0x0, v14;
	vm1 =	vgt.s32 v15, $0x0  }
0x24: {  	v13 =	vmin.u32 v13, $0x3FF;
	v14 =	vmin.u32 v14, $0x3FF;
	v15 =	vnsel vm1, $0x0, v15  }
0x25: {  	v17 =	vor.u32 $0x400, v13;
	[tilespmem:v3+s17+$0x0] =	vst.idx.msk $0xff, v12;
	v15 =	vmin.u32 v15, $0x3FF;
	v16 =	vsub.s32 v14, v12  }
0x26: {  	[tilespmem:v5+s17+$0x0] =	vst.idx.msk $0xff, v17;
	v60 =	vor.u32 $0x800, v14;
	vm1 =	vgt.s32 v16, $0x0;
	v18 =	vsub.s32 v15, v13  }
0x27: {  	[tilespmem:v6+s17+$0x0] =	vst.idx.msk $0xff, v60;
	v61 =	vor.u32 $0xC00, v15;
	v16 =	vnsel vm1, $0x0, v16;
	vm1 =	vgt.s32 v18, $0x0  }
0x28: {  	v12 =	vadd.s32 v12, v14;
	[tilespmem:v7+s17+$0x0] =	vst.idx.msk $0xff, v61;
	v18 =	vnsel vm1, $0x0, v18;
	v62 =	vor.u32 $0x1000, v16  }
0x29: {  	v12 =	vshrl.u32 v12, $0x1;
	v13 =	vadd.s32 v13, v15;
	v63 =	vor.u32 $0x1400, v18;
	[tilespmem:v8+s17+$0x0] =	vst.idx.msk $0xff, v62  }
0x2a: {  	v13 =	vshrl.u32 v13, $0x1;
	v12 =	vor.u32 $0x1800, v12;
	[tilespmem:v9+s17+$0x0] =	vst.idx.msk $0xff, v63  }
0x2b: {  	v13 =	vor.u32 $0x1C00, v13;
	[tilespmem:v10+s17+$0x0] =	vst.idx.msk $0xff, v12  }
0x2c: {  	s31 =	simm.s32 $0x0;
	[tilespmem:v11+s17+$0x0] =	vst.idx.msk $0xff, v13  }
0x2d: {  	[tilespmem:s19], [sflag:$0x1] =	stream.indirect.gather [spmem:s2], $0xC0, s17, s18, $0xb8;
	[tilespmem:$0x1FC80] =	vst v63  }
.LBB2_2:
0x2e: {  	s0 =	sshll.u32 s31, $0x4  }
0x2f: {  	s1 =	sor.u32 $0x8, s0  }
0x30: {  	s3 =	sand.u32 $0x78, s1  }
0x31: {  	s3 =	sadd.s32 $0xFFFFFFF8, s3  }
0x32: {  	v12 =	vmov s3  }
0x33: {  	v12 =	vshll.u32 v12, $0x3  }
0x34: {  	v12 =	vor.u32 v0, v12  }
0x35: {  	v13 =	vor.u32 $0x1, v12  }
0x36: {  	v14 =	vor.u32 $0x2, v12  }
0x37: {  	v15 =	vor.u32 $0x3, v12  }
0x38: {  	_ =	strace $0x80000048  }
0x39: {  	v12 =	vld.idx.msk [tilespmem:v12+s16+$0x0], $0xffff  }
0x3a: {  	v13 =	vld.idx.msk [tilespmem:v13+s16+$0x0], $0xffff  }
0x3b: {  	v14 =	vld.idx.msk [tilespmem:v14+s16+$0x0], $0xffff  }
0x3c: {  	v15 =	vld.idx.msk [tilespmem:v15+s16+$0x0], $0xffff;
	_ =	sdelay $0x2  }
0x3d: {  	vm1 =	vgt.s32 v12, $0x0;
	vm2 =	vgt.s32 v13, $0x0  }
0x3e: {  	v12 =	vnsel vm1, $0x0, v12;
	vm1 =	vgt.s32 v14, $0x0;
	v13 =	vnsel vm2, $0x0, v13  }
0x3f: {  	v12 =	vmin.u32 v12, $0x3FF;
	v14 =	vnsel vm1, $0x0, v14;
	vm1 =	vgt.s32 v15, $0x0  }
0x40: {  	v13 =	vmin.u32 v13, $0x3FF;
	v14 =	vmin.u32 v14, $0x3FF;
	v15 =	vnsel vm1, $0x0, v15  }
0x41: {  	[tilespmem:v3+s20+$0x0] =	vst.idx.msk vm0, v12;
	v15 =	vmin.u32 v15, $0x3FF;
	v16 =	vsub.s32 v14, v12;
	v17 =	vor.u32 $0x400, v13  }
0x42: {  	v60 =	vor.u32 $0x800, v14;
	vm1 =	vgt.s32 v16, $0x0;
	v18 =	vsub.s32 v15, v13;
	[tilespmem:v5+s20+$0x0] =	vst.idx.msk vm0, v17  }
0x43: {  	v61 =	vor.u32 $0xC00, v15;
	v16 =	vnsel vm1, $0x0, v16;
	vm1 =	vgt.s32 v18, $0x0;
	[tilespmem:v6+s20+$0x0] =	vst.idx.msk vm0, v60  }
0x44: {  	v12 =	vadd.s32 v12, v14;
	v18 =	vnsel vm1, $0x0, v18;
	v62 =	vor.u32 $0x1000, v16;
	[tilespmem:v7+s20+$0x0] =	vst.idx.msk vm0, v61  }
0x45: {  	v12 =	vshrl.u32 v12, $0x1;
	v13 =	vadd.s32 v13, v15;
	v63 =	vor.u32 $0x1400, v18;
	[tilespmem:v8+s20+$0x0] =	vst.idx.msk vm0, v62  }
0x46: {  	v13 =	vshrl.u32 v13, $0x1;
	v12 =	vor.u32 $0x1800, v12;
	[tilespmem:v9+s20+$0x0] =	vst.idx.msk vm0, v63  }
0x47: {  	v13 =	vor.u32 $0x1C00, v13;
	[tilespmem:v10+s20+$0x0] =	vst.idx.msk vm0, v12  }
0x48: {  	[tilespmem:v11+s20+$0x0] =	vst.idx.msk vm0, v13  }
0x49: {  	[tilespmem:s21], [sflag:$0x2] =	stream.indirect.gather [spmem:s2], $0xC0, s20, s18, $0x2000b8;
	[tilespmem:$0x1FC80] =	vst v63  }
0x4a: {  	_ =	strace $0x90000048  }
0x4b: {  	_ =	strace $0x80000049  }
0x4c: {  	_ =	swait.ge [sflag:s22], $0x3000  }
0x4d: {  	[sflag:s22] =	ssyncset.done $0x0  }
0x4e: {  	[sflag:s22] =	ssyncadd.s32 $0xFFFFD000  }
0x4f: {  	p0 =	seq.s32 s31, $0x0;
	_ =	strace $0x90000049  }
0x50: {  	s3 =	simm.s32 @!p0 $0x3;
	_ =	strace $0x8000004A  }
0x51: {  	_ =	swait.ge @!p0 [sflag:s3], $0xC00  }
0x52: {  	[sflag:s3] =	ssyncset.done @!p0 $0x0  }
0x53: {  	[sflag:s3] =	ssyncadd.s32 @!p0 $0xFFFFF400  }
0x54: {  	_ =	strace $0x9000004A  }
0x55: {  	s13 =	simm.s32 $0x0;
	_ =	strace $0x8000004B  }
.LBB2_3:
0x56: {  	s3 =	smul.u32 $0x300, s13;
	_ =	sdelay $0x1  }
0x57: {  	s14 =	sshra.s32 s3, $0x2  }
0x58: {  	v12 =	vld [tilespmem:s14+$0x18480]  }
0x59: {  	v13 =	vld [tilespmem:s14+$0x18A80]  }
0x5a: {  	v14 =	vld [tilespmem:s14+$0x19080]  }
0x5b: {  	v15 =	vld [tilespmem:s14+$0x19680]  }
0x5c: {  	v16 =	vld [tilespmem:s14+$0x19C80]  }
0x5d: {  	v17 =	vld [tilespmem:s14+$0x1A280]  }
0x5e: {  	v18 =	vld [tilespmem:s14+$0x1A880]  }
0x5f: {  	v19 =	vld [tilespmem:s14+$0x1AE80]  }
0x60: {  	v21 =	vld [tilespmem:s14+$0x18B40]  }
0x61: {  	v22 =	vld [tilespmem:s14+$0x19140]  }
0x62: {  	v28 =	vld [tilespmem:s14+$0x19740]  }
0x63: {  	s6 =	sor.u32 $0x1, s13;
	v31 =	vld [tilespmem:s14+$0x19D40];
	v12 =	vadd.bf16 v13, v12;
	v27 =	vadd.bf16 v15, v14  }
0x64: {  	s7 =	smul.u32 $0x300, s6;
	v32 =	vld [tilespmem:s14+$0x1A340];
	v29 =	vadd.bf16 v17, v16;
	v30 =	vadd.bf16 v19, v18  }
0x65: {  	v34 =	vld [tilespmem:s14+$0x1A940]  }
0x66: {  	s7 =	sshra.s32 s7, $0x2;
	v35 =	vld [tilespmem:s14+$0x1AF40];
	v12 =	vadd.bf16 v27, v12;
	v33 =	vadd.bf16 v30, v29  }
0x67: {  	v20 =	vld [tilespmem:s7+$0x18480]  }
0x68: {  	s3 =	smul.u32 $0x600, s13;
	v12 =	vadd.bf16 v33, v12;
	_ =	sdelay $0x1  }
0x69: {  	s3 =	sshra.s32 s3, $0x2;
	v13 =	vshll.u32 v12, $0x10  }
0x6a: {  	v14 =	vadd.bf16 v28, v22;
	v37 =	vadd.bf16 v32, v31;
	v12 =	vand.u32 $0xFFFF0000, v12;
	[tilespmem:s3+$0x1E480] =	vst v13  }
0x6b: {  	v15 =	vadd.bf16 v35, v34;
	v36 =	vadd.bf16 v21, v20;
	[tilespmem:s3+$0x1E490] =	vst v12  }
0x6c: {  	v38 =	vld [tilespmem:s14+$0x18490]  }
0x6d: {  	v13 =	vadd.bf16 v14, v36;
	v12 =	vadd.bf16 v15, v37;
	v39 =	vld [tilespmem:s14+$0x18A90]  }
0x6e: {  	v40 =	vld [tilespmem:s14+$0x19090]  }
0x6f: {  	s6 =	smul.u32 $0x600, s6;
	v41 =	vld [tilespmem:s14+$0x19690];
	v12 =	vadd.bf16 v12, v13  }
0x70: {  	v42 =	vld [tilespmem:s14+$0x19C90]  }
0x71: {  	s6 =	sshra.s32 s6, $0x2;
	v43 =	vld [tilespmem:s14+$0x1A290];
	v44 =	vshll.u32 v12, $0x10  }
0x72: {  	v45 =	vld [tilespmem:s14+$0x1A890];
	v12 =	vand.u32 $0xFFFF0000, v12;
	[tilespmem:s6+$0x1E480] =	vst v44  }
0x73: {  	v46 =	vld [tilespmem:s14+$0x1AE90];
	[tilespmem:s6+$0x1E490] =	vst v12  }
0x74: {  	v12 =	vld [tilespmem:s7+$0x18490]  }
0x75: {  	v47 =	vld [tilespmem:s14+$0x18B50]  }
0x76: {  	v48 =	vld [tilespmem:s14+$0x19150]  }
0x77: {  	v16 =	vadd.bf16 v39, v38;
	v14 =	vadd.bf16 v41, v40;
	v49 =	vld [tilespmem:s14+$0x19750]  }
0x78: {  	v13 =	vadd.bf16 v43, v42;
	v50 =	vadd.bf16 v46, v45;
	v51 =	vld [tilespmem:s14+$0x19D50]  }
0x79: {  	v52 =	vld [tilespmem:s14+$0x1A350]  }
0x7a: {  	v53 =	vld [tilespmem:s14+$0x1A950];
	v14 =	vadd.bf16 v14, v16;
	v13 =	vadd.bf16 v50, v13  }
0x7b: {  	v54 =	vld [tilespmem:s14+$0x1AF50]  }
0x7c: {  	v13 =	vadd.bf16 v13, v14;
	_ =	sdelay $0x1  }
0x7d: {  	v14 =	vshll.u32 v13, $0x10  }
0x7e: {  	v12 =	vadd.bf16 v47, v12;
	v55 =	vadd.bf16 v49, v48;
	v13 =	vand.u32 $0xFFFF0000, v13;
	[tilespmem:s3+$0x1E4A0] =	vst v14  }
0x7f: {  	v56 =	vadd.bf16 v52, v51;
	v57 =	vadd.bf16 v54, v53;
	[tilespmem:s3+$0x1E4B0] =	vst v13  }
0x80: {  	v58 =	vld [tilespmem:s14+$0x184A0]  }
0x81: {  	v12 =	vadd.bf16 v55, v12;
	v13 =	vadd.bf16 v57, v56;
	v59 =	vld [tilespmem:s14+$0x18AA0]  }
0x82: {  	v60 =	vld [tilespmem:s14+$0x190A0]  }
0x83: {  	v61 =	vld [tilespmem:s14+$0x196A0];
	v12 =	vadd.bf16 v13, v12  }
0x84: {  	v62 =	vld [tilespmem:s14+$0x19CA0]  }
0x85: {  	v63 =	vld [tilespmem:s14+$0x1A2A0];
	v24 =	vshll.u32 v12, $0x10  }
0x86: {  	v25 =	vld [tilespmem:s14+$0x1A8A0];
	v12 =	vand.u32 $0xFFFF0000, v12;
	[tilespmem:s6+$0x1E4A0] =	vst v24  }
0x87: {  	v26 =	vld [tilespmem:s14+$0x1AEA0];
	[tilespmem:s6+$0x1E4B0] =	vst v12  }
0x88: {  	v12 =	vld [tilespmem:s7+$0x184A0]  }
0x89: {  	v27 =	vld [tilespmem:s14+$0x18B60]  }
0x8a: {  	v28 =	vld [tilespmem:s14+$0x19160]  }
0x8b: {  	v16 =	vadd.bf16 v59, v58;
	v14 =	vadd.bf16 v61, v60;
	v29 =	vld [tilespmem:s14+$0x19760]  }
0x8c: {  	v13 =	vadd.bf16 v63, v62;
	v30 =	vadd.bf16 v26, v25;
	v31 =	vld [tilespmem:s14+$0x19D60]  }
0x8d: {  	v32 =	vld [tilespmem:s14+$0x1A360]  }
0x8e: {  	v33 =	vld [tilespmem:s14+$0x1A960];
	v14 =	vadd.bf16 v14, v16;
	v13 =	vadd.bf16 v30, v13  }
0x8f: {  	v34 =	vld [tilespmem:s14+$0x1AF60]  }
0x90: {  	v13 =	vadd.bf16 v13, v14;
	_ =	sdelay $0x1  }
0x91: {  	v14 =	vshll.u32 v13, $0x10  }
0x92: {  	v12 =	vadd.bf16 v27, v12;
	v35 =	vadd.bf16 v29, v28;
	v13 =	vand.u32 $0xFFFF0000, v13;
	[tilespmem:s3+$0x1E4C0] =	vst v14  }
0x93: {  	v36 =	vadd.bf16 v32, v31;
	v37 =	vadd.bf16 v34, v33;
	[tilespmem:s3+$0x1E4D0] =	vst v13  }
0x94: {  	v38 =	vld [tilespmem:s14+$0x184B0]  }
0x95: {  	v12 =	vadd.bf16 v35, v12;
	v13 =	vadd.bf16 v37, v36;
	v39 =	vld [tilespmem:s14+$0x18AB0]  }
0x96: {  	v40 =	vld [tilespmem:s14+$0x190B0]  }
0x97: {  	v41 =	vld [tilespmem:s14+$0x196B0];
	v12 =	vadd.bf16 v13, v12  }
0x98: {  	v42 =	vld [tilespmem:s14+$0x19CB0]  }
0x99: {  	v43 =	vld [tilespmem:s14+$0x1A2B0];
	v44 =	vshll.u32 v12, $0x10  }
0x9a: {  	v45 =	vld [tilespmem:s14+$0x1A8B0];
	v12 =	vand.u32 $0xFFFF0000, v12;
	[tilespmem:s6+$0x1E4C0] =	vst v44  }
0x9b: {  	v46 =	vld [tilespmem:s14+$0x1AEB0];
	[tilespmem:s6+$0x1E4D0] =	vst v12  }
0x9c: {  	v12 =	vld [tilespmem:s7+$0x184B0]  }
0x9d: {  	v47 =	vld [tilespmem:s14+$0x18B70]  }
0x9e: {  	v48 =	vld [tilespmem:s14+$0x19170]  }
0x9f: {  	v16 =	vadd.bf16 v39, v38;
	v14 =	vadd.bf16 v41, v40;
	v49 =	vld [tilespmem:s14+$0x19770]  }
0xa0: {  	v13 =	vadd.bf16 v43, v42;
	v50 =	vadd.bf16 v46, v45;
	v51 =	vld [tilespmem:s14+$0x19D70]  }
0xa1: {  	v52 =	vld [tilespmem:s14+$0x1A370]  }
0xa2: {  	v53 =	vld [tilespmem:s14+$0x1A970];
	v14 =	vadd.bf16 v14, v16;
	v13 =	vadd.bf16 v50, v13  }
0xa3: {  	v54 =	vld [tilespmem:s14+$0x1AF70]  }
0xa4: {  	v13 =	vadd.bf16 v13, v14;
	_ =	sdelay $0x1  }
0xa5: {  	v14 =	vshll.u32 v13, $0x10  }
0xa6: {  	v12 =	vadd.bf16 v47, v12;
	v55 =	vadd.bf16 v49, v48;
	v13 =	vand.u32 $0xFFFF0000, v13;
	[tilespmem:s3+$0x1E4E0] =	vst v14  }
0xa7: {  	v56 =	vadd.bf16 v52, v51;
	v57 =	vadd.bf16 v54, v53;
	[tilespmem:s3+$0x1E4F0] =	vst v13  }
0xa8: {  	v58 =	vld [tilespmem:s14+$0x184C0]  }
0xa9: {  	v12 =	vadd.bf16 v55, v12;
	v13 =	vadd.bf16 v57, v56;
	v59 =	vld [tilespmem:s14+$0x18AC0]  }
0xaa: {  	v60 =	vld [tilespmem:s14+$0x190C0]  }
0xab: {  	v61 =	vld [tilespmem:s14+$0x196C0];
	v12 =	vadd.bf16 v13, v12  }
0xac: {  	v62 =	vld [tilespmem:s14+$0x19CC0]  }
0xad: {  	v63 =	vld [tilespmem:s14+$0x1A2C0];
	v24 =	vshll.u32 v12, $0x10  }
0xae: {  	v25 =	vld [tilespmem:s14+$0x1A8C0];
	v12 =	vand.u32 $0xFFFF0000, v12;
	[tilespmem:s6+$0x1E4E0] =	vst v24  }
0xaf: {  	v26 =	vld [tilespmem:s14+$0x1AEC0];
	[tilespmem:s6+$0x1E4F0] =	vst v12  }
0xb0: {  	v12 =	vld [tilespmem:s7+$0x184C0]  }
0xb1: {  	v27 =	vld [tilespmem:s14+$0x18B80]  }
0xb2: {  	v28 =	vld [tilespmem:s14+$0x19180]  }
0xb3: {  	v16 =	vadd.bf16 v59, v58;
	v14 =	vadd.bf16 v61, v60;
	v29 =	vld [tilespmem:s14+$0x19780]  }
0xb4: {  	v13 =	vadd.bf16 v63, v62;
	v30 =	vadd.bf16 v26, v25;
	v31 =	vld [tilespmem:s14+$0x19D80]  }
0xb5: {  	v32 =	vld [tilespmem:s14+$0x1A380]  }
0xb6: {  	v33 =	vld [tilespmem:s14+$0x1A980];
	v14 =	vadd.bf16 v14, v16;
	v13 =	vadd.bf16 v30, v13  }
0xb7: {  	v34 =	vld [tilespmem:s14+$0x1AF80]  }
0xb8: {  	v13 =	vadd.bf16 v13, v14;
	_ =	sdelay $0x1  }
0xb9: {  	v14 =	vshll.u32 v13, $0x10  }
0xba: {  	v12 =	vadd.bf16 v27, v12;
	v35 =	vadd.bf16 v29, v28;
	v13 =	vand.u32 $0xFFFF0000, v13;
	[tilespmem:s3+$0x1E500] =	vst v14  }
0xbb: {  	v36 =	vadd.bf16 v32, v31;
	v37 =	vadd.bf16 v34, v33;
	[tilespmem:s3+$0x1E510] =	vst v13  }
0xbc: {  	v38 =	vld [tilespmem:s14+$0x184D0]  }
0xbd: {  	v12 =	vadd.bf16 v35, v12;
	v13 =	vadd.bf16 v37, v36;
	v39 =	vld [tilespmem:s14+$0x18AD0]  }
0xbe: {  	v40 =	vld [tilespmem:s14+$0x190D0]  }
0xbf: {  	v41 =	vld [tilespmem:s14+$0x196D0];
	v12 =	vadd.bf16 v13, v12  }
0xc0: {  	v42 =	vld [tilespmem:s14+$0x19CD0]  }
0xc1: {  	v43 =	vld [tilespmem:s14+$0x1A2D0];
	v44 =	vshll.u32 v12, $0x10  }
0xc2: {  	v45 =	vld [tilespmem:s14+$0x1A8D0];
	v12 =	vand.u32 $0xFFFF0000, v12;
	[tilespmem:s6+$0x1E500] =	vst v44  }
0xc3: {  	v46 =	vld [tilespmem:s14+$0x1AED0];
	[tilespmem:s6+$0x1E510] =	vst v12  }
0xc4: {  	v12 =	vld [tilespmem:s7+$0x184D0]  }
0xc5: {  	v47 =	vld [tilespmem:s14+$0x18B90]  }
0xc6: {  	v48 =	vld [tilespmem:s14+$0x19190]  }
0xc7: {  	v16 =	vadd.bf16 v39, v38;
	v14 =	vadd.bf16 v41, v40;
	v49 =	vld [tilespmem:s14+$0x19790]  }
0xc8: {  	v13 =	vadd.bf16 v43, v42;
	v50 =	vadd.bf16 v46, v45;
	v51 =	vld [tilespmem:s14+$0x19D90]  }
0xc9: {  	v52 =	vld [tilespmem:s14+$0x1A390]  }
0xca: {  	v53 =	vld [tilespmem:s14+$0x1A990];
	v14 =	vadd.bf16 v14, v16;
	v13 =	vadd.bf16 v50, v13  }
0xcb: {  	v54 =	vld [tilespmem:s14+$0x1AF90]  }
0xcc: {  	v13 =	vadd.bf16 v13, v14;
	_ =	sdelay $0x1  }
0xcd: {  	v14 =	vshll.u32 v13, $0x10  }
0xce: {  	v12 =	vadd.bf16 v47, v12;
	v55 =	vadd.bf16 v49, v48;
	v13 =	vand.u32 $0xFFFF0000, v13;
	[tilespmem:s3+$0x1E520] =	vst v14  }
0xcf: {  	v56 =	vadd.bf16 v52, v51;
	v57 =	vadd.bf16 v54, v53;
	[tilespmem:s3+$0x1E530] =	vst v13  }
0xd0: {  	v58 =	vld [tilespmem:s14+$0x184E0]  }
0xd1: {  	v12 =	vadd.bf16 v55, v12;
	v13 =	vadd.bf16 v57, v56;
	v59 =	vld [tilespmem:s14+$0x18AE0]  }
0xd2: {  	v60 =	vld [tilespmem:s14+$0x190E0]  }
0xd3: {  	v61 =	vld [tilespmem:s14+$0x196E0];
	v12 =	vadd.bf16 v13, v12  }
0xd4: {  	v62 =	vld [tilespmem:s14+$0x19CE0]  }
0xd5: {  	v63 =	vld [tilespmem:s14+$0x1A2E0];
	v24 =	vshll.u32 v12, $0x10  }
0xd6: {  	v25 =	vld [tilespmem:s14+$0x1A8E0];
	v12 =	vand.u32 $0xFFFF0000, v12;
	[tilespmem:s6+$0x1E520] =	vst v24  }
0xd7: {  	v26 =	vld [tilespmem:s14+$0x1AEE0];
	[tilespmem:s6+$0x1E530] =	vst v12  }
0xd8: {  	v12 =	vld [tilespmem:s7+$0x184E0]  }
0xd9: {  	v27 =	vld [tilespmem:s14+$0x18BA0]  }
0xda: {  	v28 =	vld [tilespmem:s14+$0x191A0]  }
0xdb: {  	v16 =	vadd.bf16 v59, v58;
	v14 =	vadd.bf16 v61, v60;
	v29 =	vld [tilespmem:s14+$0x197A0]  }
0xdc: {  	v13 =	vadd.bf16 v63, v62;
	v30 =	vadd.bf16 v26, v25;
	v31 =	vld [tilespmem:s14+$0x19DA0]  }
0xdd: {  	v32 =	vld [tilespmem:s14+$0x1A3A0]  }
0xde: {  	v33 =	vld [tilespmem:s14+$0x1A9A0];
	v14 =	vadd.bf16 v14, v16;
	v13 =	vadd.bf16 v30, v13  }
0xdf: {  	v34 =	vld [tilespmem:s14+$0x1AFA0]  }
0xe0: {  	v13 =	vadd.bf16 v13, v14;
	_ =	sdelay $0x1  }
0xe1: {  	v14 =	vshll.u32 v13, $0x10  }
0xe2: {  	v12 =	vadd.bf16 v27, v12;
	v35 =	vadd.bf16 v29, v28;
	v13 =	vand.u32 $0xFFFF0000, v13;
	[tilespmem:s3+$0x1E540] =	vst v14  }
0xe3: {  	v36 =	vadd.bf16 v32, v31;
	v37 =	vadd.bf16 v34, v33;
	[tilespmem:s3+$0x1E550] =	vst v13  }
0xe4: {  	v38 =	vld [tilespmem:s14+$0x184F0]  }
0xe5: {  	v12 =	vadd.bf16 v35, v12;
	v13 =	vadd.bf16 v37, v36;
	v39 =	vld [tilespmem:s14+$0x18AF0]  }
0xe6: {  	v40 =	vld [tilespmem:s14+$0x190F0]  }
0xe7: {  	v41 =	vld [tilespmem:s14+$0x196F0];
	v12 =	vadd.bf16 v13, v12  }
0xe8: {  	v42 =	vld [tilespmem:s14+$0x19CF0]  }
0xe9: {  	v43 =	vld [tilespmem:s14+$0x1A2F0];
	v44 =	vshll.u32 v12, $0x10  }
0xea: {  	v45 =	vld [tilespmem:s14+$0x1A8F0];
	v12 =	vand.u32 $0xFFFF0000, v12;
	[tilespmem:s6+$0x1E540] =	vst v44  }
0xeb: {  	v46 =	vld [tilespmem:s14+$0x1AEF0];
	[tilespmem:s6+$0x1E550] =	vst v12  }
0xec: {  	v12 =	vld [tilespmem:s7+$0x184F0]  }
0xed: {  	v47 =	vld [tilespmem:s14+$0x18BB0]  }
0xee: {  	v48 =	vld [tilespmem:s14+$0x191B0]  }
0xef: {  	v16 =	vadd.bf16 v39, v38;
	v14 =	vadd.bf16 v41, v40;
	v49 =	vld [tilespmem:s14+$0x197B0]  }
0xf0: {  	v13 =	vadd.bf16 v43, v42;
	v50 =	vadd.bf16 v46, v45;
	v51 =	vld [tilespmem:s14+$0x19DB0]  }
0xf1: {  	v52 =	vld [tilespmem:s14+$0x1A3B0]  }
0xf2: {  	v53 =	vld [tilespmem:s14+$0x1A9B0];
	v14 =	vadd.bf16 v14, v16;
	v13 =	vadd.bf16 v50, v13  }
0xf3: {  	v54 =	vld [tilespmem:s14+$0x1AFB0]  }
0xf4: {  	v13 =	vadd.bf16 v13, v14;
	_ =	sdelay $0x1  }
0xf5: {  	v14 =	vshll.u32 v13, $0x10  }
0xf6: {  	v12 =	vadd.bf16 v47, v12;
	v55 =	vadd.bf16 v49, v48;
	v13 =	vand.u32 $0xFFFF0000, v13;
	[tilespmem:s3+$0x1E560] =	vst v14  }
0xf7: {  	v56 =	vadd.bf16 v52, v51;
	v57 =	vadd.bf16 v54, v53;
	[tilespmem:s3+$0x1E570] =	vst v13  }
0xf8: {  	v58 =	vld [tilespmem:s14+$0x18500]  }
0xf9: {  	v12 =	vadd.bf16 v55, v12;
	v13 =	vadd.bf16 v57, v56;
	v59 =	vld [tilespmem:s14+$0x18B00]  }
0xfa: {  	v60 =	vld [tilespmem:s14+$0x19100]  }
0xfb: {  	v61 =	vld [tilespmem:s14+$0x19700];
	v12 =	vadd.bf16 v13, v12  }
0xfc: {  	v62 =	vld [tilespmem:s14+$0x19D00]  }
0xfd: {  	v63 =	vld [tilespmem:s14+$0x1A300];
	v24 =	vshll.u32 v12, $0x10  }
0xfe: {  	v25 =	vld [tilespmem:s14+$0x1A900];
	v12 =	vand.u32 $0xFFFF0000, v12;
	[tilespmem:s6+$0x1E560] =	vst v24  }
0xff: {  	v26 =	vld [tilespmem:s14+$0x1AF00];
	[tilespmem:s6+$0x1E570] =	vst v12  }
0x100: {  	v12 =	vld [tilespmem:s7+$0x18500]  }
0x101: {  	v27 =	vld [tilespmem:s14+$0x18BC0]  }
0x102: {  	v28 =	vld [tilespmem:s14+$0x191C0]  }
0x103: {  	v16 =	vadd.bf16 v59, v58;
	v14 =	vadd.bf16 v61, v60;
	v29 =	vld [tilespmem:s14+$0x197C0]  }
0x104: {  	v13 =	vadd.bf16 v63, v62;
	v30 =	vadd.bf16 v26, v25;
	v31 =	vld [tilespmem:s14+$0x19DC0]  }
0x105: {  	v32 =	vld [tilespmem:s14+$0x1A3C0]  }
0x106: {  	v33 =	vld [tilespmem:s14+$0x1A9C0];
	v14 =	vadd.bf16 v14, v16;
	v13 =	vadd.bf16 v30, v13  }
0x107: {  	v34 =	vld [tilespmem:s14+$0x1AFC0]  }
0x108: {  	v13 =	vadd.bf16 v13, v14;
	_ =	sdelay $0x1  }
0x109: {  	v14 =	vshll.u32 v13, $0x10  }
0x10a: {  	v12 =	vadd.bf16 v27, v12;
	v35 =	vadd.bf16 v29, v28;
	v13 =	vand.u32 $0xFFFF0000, v13;
	[tilespmem:s3+$0x1E580] =	vst v14  }
0x10b: {  	v36 =	vadd.bf16 v32, v31;
	v37 =	vadd.bf16 v34, v33;
	[tilespmem:s3+$0x1E590] =	vst v13  }
0x10c: {  	v38 =	vld [tilespmem:s14+$0x18510]  }
0x10d: {  	v12 =	vadd.bf16 v35, v12;
	v13 =	vadd.bf16 v37, v36;
	v39 =	vld [tilespmem:s14+$0x18B10]  }
0x10e: {  	v40 =	vld [tilespmem:s14+$0x19110]  }
0x10f: {  	v41 =	vld [tilespmem:s14+$0x19710];
	v12 =	vadd.bf16 v13, v12  }
0x110: {  	v42 =	vld [tilespmem:s14+$0x19D10]  }
0x111: {  	v43 =	vld [tilespmem:s14+$0x1A310];
	v44 =	vshll.u32 v12, $0x10  }
0x112: {  	v45 =	vld [tilespmem:s14+$0x1A910];
	v12 =	vand.u32 $0xFFFF0000, v12;
	[tilespmem:s6+$0x1E580] =	vst v44  }
0x113: {  	v46 =	vld [tilespmem:s14+$0x1AF10];
	[tilespmem:s6+$0x1E590] =	vst v12  }
0x114: {  	v12 =	vld [tilespmem:s7+$0x18510]  }
0x115: {  	v47 =	vld [tilespmem:s14+$0x18BD0]  }
0x116: {  	v48 =	vld [tilespmem:s14+$0x191D0]  }
0x117: {  	v16 =	vadd.bf16 v39, v38;
	v14 =	vadd.bf16 v41, v40;
	v49 =	vld [tilespmem:s14+$0x197D0]  }
0x118: {  	v13 =	vadd.bf16 v43, v42;
	v50 =	vadd.bf16 v46, v45;
	v51 =	vld [tilespmem:s14+$0x19DD0]  }
0x119: {  	v52 =	vld [tilespmem:s14+$0x1A3D0]  }
0x11a: {  	v53 =	vld [tilespmem:s14+$0x1A9D0];
	v14 =	vadd.bf16 v14, v16;
	v13 =	vadd.bf16 v50, v13  }
0x11b: {  	v54 =	vld [tilespmem:s14+$0x1AFD0]  }
0x11c: {  	v13 =	vadd.bf16 v13, v14;
	_ =	sdelay $0x1  }
0x11d: {  	v14 =	vshll.u32 v13, $0x10  }
0x11e: {  	v12 =	vadd.bf16 v47, v12;
	v55 =	vadd.bf16 v49, v48;
	v13 =	vand.u32 $0xFFFF0000, v13;
	[tilespmem:s3+$0x1E5A0] =	vst v14  }
0x11f: {  	v56 =	vadd.bf16 v52, v51;
	v57 =	vadd.bf16 v54, v53;
	[tilespmem:s3+$0x1E5B0] =	vst v13  }
0x120: {  	v58 =	vld [tilespmem:s14+$0x18520]  }
0x121: {  	v12 =	vadd.bf16 v55, v12;
	v13 =	vadd.bf16 v57, v56;
	v59 =	vld [tilespmem:s14+$0x18B20]  }
0x122: {  	v60 =	vld [tilespmem:s14+$0x19120]  }
0x123: {  	v61 =	vld [tilespmem:s14+$0x19720];
	v12 =	vadd.bf16 v13, v12  }
0x124: {  	v62 =	vld [tilespmem:s14+$0x19D20]  }
0x125: {  	v63 =	vld [tilespmem:s14+$0x1A320];
	v30 =	vshll.u32 v12, $0x10  }
0x126: {  	v31 =	vld [tilespmem:s14+$0x1A920];
	v12 =	vand.u32 $0xFFFF0000, v12;
	[tilespmem:s6+$0x1E5A0] =	vst v30  }
0x127: {  	v32 =	vld [tilespmem:s14+$0x1AF20];
	[tilespmem:s6+$0x1E5B0] =	vst v12  }
0x128: {  	v12 =	vld [tilespmem:s7+$0x18520]  }
0x129: {  	v33 =	vld [tilespmem:s14+$0x18BE0]  }
0x12a: {  	v34 =	vld [tilespmem:s14+$0x191E0]  }
0x12b: {  	v23 =	vld [tilespmem:s14+$0x197E0];
	v16 =	vadd.bf16 v59, v58;
	v14 =	vadd.bf16 v61, v60  }
0x12c: {  	v24 =	vld [tilespmem:s14+$0x19DE0];
	v13 =	vadd.bf16 v63, v62;
	v35 =	vadd.bf16 v32, v31  }
0x12d: {  	v25 =	vld [tilespmem:s14+$0x1A3E0]  }
0x12e: {  	v26 =	vld [tilespmem:s14+$0x1A9E0];
	v14 =	vadd.bf16 v14, v16;
	v13 =	vadd.bf16 v35, v13  }
0x12f: {  	v27 =	vld [tilespmem:s14+$0x1AFE0]  }
0x130: {  	v13 =	vadd.bf16 v13, v14;
	_ =	sdelay $0x1  }
0x131: {  	v14 =	vshll.u32 v13, $0x10  }
0x132: {  	v12 =	vadd.bf16 v33, v12;
	v36 =	vadd.bf16 v23, v34;
	v13 =	vand.u32 $0xFFFF0000, v13;
	[tilespmem:s3+$0x1E5C0] =	vst v14  }
0x133: {  	v37 =	vadd.bf16 v25, v24;
	v38 =	vadd.bf16 v27, v26;
	[tilespmem:s3+$0x1E5D0] =	vst v13  }
0x134: {  	v13 =	vld [tilespmem:s14+$0x18530]  }
0x135: {  	v12 =	vadd.bf16 v36, v12;
	v39 =	vadd.bf16 v38, v37;
	v41 =	vld [tilespmem:s14+$0x18B30]  }
0x136: {  	v42 =	vld [tilespmem:s14+$0x19130]  }
0x137: {  	v43 =	vld [tilespmem:s14+$0x19730];
	v12 =	vadd.bf16 v39, v12  }
0x138: {  	v44 =	vld [tilespmem:s14+$0x19D30]  }
0x139: {  	v45 =	vld [tilespmem:s14+$0x1A330];
	v40 =	vshll.u32 v12, $0x10  }
0x13a: {  	v46 =	vld [tilespmem:s14+$0x1A930];
	v12 =	vand.u32 $0xFFFF0000, v12;
	[tilespmem:s6+$0x1E5C0] =	vst v40  }
0x13b: {  	v47 =	vld [tilespmem:s14+$0x1AF30];
	[tilespmem:s6+$0x1E5D0] =	vst v12  }
0x13c: {  	v12 =	vld [tilespmem:s7+$0x18530]  }
0x13d: {  	v48 =	vld [tilespmem:s14+$0x18BF0]  }
0x13e: {  	v49 =	vld [tilespmem:s14+$0x191F0]  }
0x13f: {  	v50 =	vld [tilespmem:s14+$0x197F0]  }
0x140: {  	v51 =	vld [tilespmem:s14+$0x19DF0]  }
0x141: {  	v52 =	vld [tilespmem:s14+$0x1A3F0]  }
0x142: {  	v53 =	vld [tilespmem:s14+$0x1A9F0]  }
0x143: {  	v13 =	vadd.bf16 v41, v13;
	v54 =	vadd.bf16 v43, v42;
	v55 =	vld [tilespmem:s14+$0x1AFF0]  }
0x144: {  	v56 =	vadd.bf16 v45, v44;
	v57 =	vadd.bf16 v47, v46;
	_ =	sdelay $0x1  }
0x145: {  	v13 =	vadd.bf16 v54, v13;
	v58 =	vadd.bf16 v57, v56  }
0x146: {  	v12 =	vadd.bf16 v48, v12;
	v59 =	vadd.bf16 v50, v49  }
0x147: {  	v60 =	vadd.bf16 v52, v51;
	v15 =	vadd.bf16 v55, v53  }
0x148: {  	v13 =	vadd.bf16 v58, v13  }
0x149: {  	v12 =	vadd.bf16 v59, v12;
	v61 =	vadd.bf16 v15, v60  }
0x14a: {  	p1 =	slt.u32 s13, $0x6  }
.Ltmp0:
0x14b: {  	v62 =	vshll.u32 v13, $0x10;
	v12 =	vadd.bf16 v61, v12;
	(pc) =	sbr.rel @p1 .LBB2_3-.Ltmp0, $4  }
0x14c: {  	v13 =	vand.u32 $0xFFFF0000, v13;
	[tilespmem:s3+$0x1E5E0] =	vst v62  }
0x14d: {  	[tilespmem:s3+$0x1E5F0] =	vst v13;
	v63 =	vshll.u32 v12, $0x10  }
0x14e: {  	s14 =	sadd.s32 $0x2, s13;
	v12 =	vand.u32 $0xFFFF0000, v12;
	[tilespmem:s6+$0x1E5E0] =	vst v63  }
0x14f: {  	s13 =	smov.u32 s14;
	[tilespmem:s6+$0x1E5F0] =	vst v12  }
0x150: {  	s3 =	sadd.s32 s5, s0  }
0x151: {  	s3 =	smul.u32 $0x300, s3  }
0x152: {  	p1 =	seq.s32 s31, $0x7F  }
.Ltmp1:
0x153: {  	s3 =	sor.u32 s9, s3;
	(pc) =	sbr.rel @p1 .LBB2_6-.Ltmp1, $4  }
0x154: {  	s3 =	sshrl.u32 s3, $0x3  }
0x155: {  	_ =	strace $0x9000004B;
	s3 =	sadd.s32 s4, s3  }
0x156: {  	[hbm4b:s3+s23] =	stream.strided.scatter [tilespmem:s25], [sflag:$0x3], $0xC00, s24, s23, $0x38;
	[tilespmem:$0x1FC80] =	vst v63  }
0x157: {  	_ =	strace $0x8000004C  }
0x158: {  	s0 =	sadd.s32 $0x10, s0  }
0x159: {  	s3 =	sand.u32 $0x70, s0  }
0x15a: {  	p1 =	sne.s32 s3, $0x0;
	v12 =	vmov s3  }
0x15b: {  	s0 =	sadd.s32 @!p1 s0, s8;
	s3 =	simm.s32 @!p1 $0x0;
	s6 =	simm.s32 @!p1 $0x18000;
	v12 =	vshll.u32 v12, $0x3  }
0x15c: {  	[tilespmem:s6], [sflag:$0x5] =	stream.linear.gather @!p1 [hbm4b:s0+s3], $0x400, $0x200038;
	v12 =	vor.u32 v0, v12;
	[tilespmem:$0x1FC80] =	vst v63  }
0x15d: {  	s0 =	simm.s32 @!p1 $0x5;
	v13 =	vor.u32 $0x1, v12  }
0x15e: {  	_ =	swait.ge @!p1 [sflag:s0], $0x400;
	v14 =	vor.u32 $0x2, v12  }
0x15f: {  	v15 =	vor.u32 $0x3, v12;
	[sflag:s0] =	ssyncset.done @!p1 $0x0  }
0x160: {  	[sflag:s0] =	ssyncadd.s32 @!p1 $0xFFFFFC00  }
0x161: {  	v12 =	vld.idx.msk [tilespmem:v12+s16+$0x0], $0xffff  }
0x162: {  	v13 =	vld.idx.msk [tilespmem:v13+s16+$0x0], $0xffff  }
0x163: {  	v14 =	vld.idx.msk [tilespmem:v14+s16+$0x0], $0xffff  }
0x164: {  	v15 =	vld.idx.msk [tilespmem:v15+s16+$0x0], $0xffff;
	_ =	sdelay $0x2  }
0x165: {  	vm1 =	vgt.s32 v12, $0x0;
	vm2 =	vgt.s32 v13, $0x0  }
0x166: {  	v12 =	vnsel vm1, $0x0, v12;
	vm1 =	vgt.s32 v14, $0x0;
	v13 =	vnsel vm2, $0x0, v13  }
0x167: {  	v12 =	vmin.u32 v12, $0x3FF;
	v14 =	vnsel vm1, $0x0, v14;
	vm1 =	vgt.s32 v15, $0x0  }
0x168: {  	v13 =	vmin.u32 v13, $0x3FF;
	v14 =	vmin.u32 v14, $0x3FF;
	v15 =	vnsel vm1, $0x0, v15  }
0x169: {  	[tilespmem:v3+s17+$0x0] =	vst.idx.msk $0xff, v12;
	v15 =	vmin.u32 v15, $0x3FF;
	v16 =	vsub.s32 v14, v12;
	v17 =	vor.u32 $0x400, v13  }
0x16a: {  	v60 =	vor.u32 $0x800, v14;
	vm1 =	vgt.s32 v16, $0x0;
	v18 =	vsub.s32 v15, v13;
	[tilespmem:v5+s17+$0x0] =	vst.idx.msk $0xff, v17  }
0x16b: {  	v61 =	vor.u32 $0xC00, v15;
	v16 =	vnsel vm1, $0x0, v16;
	vm1 =	vgt.s32 v18, $0x0;
	[tilespmem:v6+s17+$0x0] =	vst.idx.msk $0xff, v60  }
0x16c: {  	v12 =	vadd.s32 v12, v14;
	v18 =	vnsel vm1, $0x0, v18;
	v62 =	vor.u32 $0x1000, v16;
	[tilespmem:v7+s17+$0x0] =	vst.idx.msk $0xff, v61  }
0x16d: {  	v12 =	vshrl.u32 v12, $0x1;
	v13 =	vadd.s32 v13, v15;
	v63 =	vor.u32 $0x1400, v18;
	[tilespmem:v8+s17+$0x0] =	vst.idx.msk $0xff, v62  }
0x16e: {  	v13 =	vshrl.u32 v13, $0x1;
	v12 =	vor.u32 $0x1800, v12;
	[tilespmem:v9+s17+$0x0] =	vst.idx.msk $0xff, v63  }
0x16f: {  	v13 =	vor.u32 $0x1C00, v13;
	[tilespmem:v10+s17+$0x0] =	vst.idx.msk $0xff, v12  }
0x170: {  	[tilespmem:v11+s17+$0x0] =	vst.idx.msk $0xff, v13  }
0x171: {  	[tilespmem:s19], [sflag:$0x1] =	stream.indirect.gather [spmem:s2], $0xC0, s17, s18, $0x2000b8;
	[tilespmem:$0x1FC80] =	vst v63  }
.LBB2_6:
0x172: {  	_ =	strace $0x9000004C  }
0x173: {  	_ =	strace $0x8000004D  }
0x174: {  	_ =	swait.ge [sflag:s12], $0x3000  }
0x175: {  	[sflag:s12] =	ssyncset.done $0x0  }
0x176: {  	[sflag:s12] =	ssyncadd.s32 $0xFFFFD000  }
0x177: {  	_ =	strace $0x9000004D  }
0x178: {  	s0 =	simm.s32 @!p0 $0x4;
	_ =	strace $0x8000004E  }
0x179: {  	_ =	swait.ge @!p0 [sflag:s0], $0xC00  }
0x17a: {  	[sflag:s0] =	ssyncset.done @!p0 $0x0  }
0x17b: {  	[sflag:s0] =	ssyncadd.s32 @!p0 $0xFFFFF400  }
0x17c: {  	_ =	strace $0x9000004E  }
0x17d: {  	s0 =	simm.s32 $0x0;
	_ =	strace $0x8000004F  }
.LBB2_7:
0x17e: {  	s3 =	smul.u32 $0x300, s0;
	_ =	sdelay $0x1  }
0x17f: {  	s13 =	sshra.s32 s3, $0x2  }
0x180: {  	v12 =	vld [tilespmem:s13+$0x1B480]  }
0x181: {  	v13 =	vld [tilespmem:s13+$0x1BA80]  }
0x182: {  	v14 =	vld [tilespmem:s13+$0x1C080]  }
0x183: {  	v15 =	vld [tilespmem:s13+$0x1C680]  }
0x184: {  	v16 =	vld [tilespmem:s13+$0x1CC80]  }
0x185: {  	v17 =	vld [tilespmem:s13+$0x1D280]  }
0x186: {  	v18 =	vld [tilespmem:s13+$0x1D880]  }
0x187: {  	v19 =	vld [tilespmem:s13+$0x1DE80]  }
0x188: {  	v21 =	vld [tilespmem:s13+$0x1BB40]  }
0x189: {  	v22 =	vld [tilespmem:s13+$0x1C140]  }
0x18a: {  	v28 =	vld [tilespmem:s13+$0x1C740]  }
0x18b: {  	s6 =	sor.u32 $0x1, s0;
	v31 =	vld [tilespmem:s13+$0x1CD40];
	v12 =	vadd.bf16 v13, v12;
	v27 =	vadd.bf16 v15, v14  }
0x18c: {  	s7 =	smul.u32 $0x300, s6;
	v32 =	vld [tilespmem:s13+$0x1D340];
	v29 =	vadd.bf16 v17, v16;
	v30 =	vadd.bf16 v19, v18  }
0x18d: {  	v34 =	vld [tilespmem:s13+$0x1D940]  }
0x18e: {  	s7 =	sshra.s32 s7, $0x2;
	v35 =	vld [tilespmem:s13+$0x1DF40];
	v12 =	vadd.bf16 v27, v12;
	v33 =	vadd.bf16 v30, v29  }
0x18f: {  	v20 =	vld [tilespmem:s7+$0x1B480]  }
0x190: {  	s14 =	smul.u32 $0x600, s0;
	v12 =	vadd.bf16 v33, v12;
	_ =	sdelay $0x1  }
0x191: {  	s3 =	sshra.s32 s14, $0x2;
	v13 =	vshll.u32 v12, $0x10  }
0x192: {  	v14 =	vadd.bf16 v28, v22;
	v37 =	vadd.bf16 v32, v31;
	v12 =	vand.u32 $0xFFFF0000, v12;
	[tilespmem:s3+$0x1F080] =	vst v13  }
0x193: {  	v15 =	vadd.bf16 v35, v34;
	v36 =	vadd.bf16 v21, v20;
	[tilespmem:s3+$0x1F090] =	vst v12  }
0x194: {  	v38 =	vld [tilespmem:s13+$0x1B490]  }
0x195: {  	v13 =	vadd.bf16 v14, v36;
	v12 =	vadd.bf16 v15, v37;
	v39 =	vld [tilespmem:s13+$0x1BA90]  }
0x196: {  	v40 =	vld [tilespmem:s13+$0x1C090]  }
0x197: {  	s6 =	smul.u32 $0x600, s6;
	v41 =	vld [tilespmem:s13+$0x1C690];
	v12 =	vadd.bf16 v12, v13  }
0x198: {  	v42 =	vld [tilespmem:s13+$0x1CC90]  }
0x199: {  	s6 =	sshra.s32 s6, $0x2;
	v43 =	vld [tilespmem:s13+$0x1D290];
	v44 =	vshll.u32 v12, $0x10  }
0x19a: {  	v45 =	vld [tilespmem:s13+$0x1D890];
	v12 =	vand.u32 $0xFFFF0000, v12;
	[tilespmem:s6+$0x1F080] =	vst v44  }
0x19b: {  	v46 =	vld [tilespmem:s13+$0x1DE90];
	[tilespmem:s6+$0x1F090] =	vst v12  }
0x19c: {  	v12 =	vld [tilespmem:s7+$0x1B490]  }
0x19d: {  	v47 =	vld [tilespmem:s13+$0x1BB50]  }
0x19e: {  	v48 =	vld [tilespmem:s13+$0x1C150]  }
0x19f: {  	v16 =	vadd.bf16 v39, v38;
	v14 =	vadd.bf16 v41, v40;
	v49 =	vld [tilespmem:s13+$0x1C750]  }
0x1a0: {  	v13 =	vadd.bf16 v43, v42;
	v50 =	vadd.bf16 v46, v45;
	v51 =	vld [tilespmem:s13+$0x1CD50]  }
0x1a1: {  	v52 =	vld [tilespmem:s13+$0x1D350]  }
0x1a2: {  	v53 =	vld [tilespmem:s13+$0x1D950];
	v14 =	vadd.bf16 v14, v16;
	v13 =	vadd.bf16 v50, v13  }
0x1a3: {  	v54 =	vld [tilespmem:s13+$0x1DF50]  }
0x1a4: {  	v13 =	vadd.bf16 v13, v14;
	_ =	sdelay $0x1  }
0x1a5: {  	v14 =	vshll.u32 v13, $0x10  }
0x1a6: {  	v12 =	vadd.bf16 v47, v12;
	v55 =	vadd.bf16 v49, v48;
	v13 =	vand.u32 $0xFFFF0000, v13;
	[tilespmem:s3+$0x1F0A0] =	vst v14  }
0x1a7: {  	v56 =	vadd.bf16 v52, v51;
	v57 =	vadd.bf16 v54, v53;
	[tilespmem:s3+$0x1F0B0] =	vst v13  }
0x1a8: {  	v58 =	vld [tilespmem:s13+$0x1B4A0]  }
0x1a9: {  	v12 =	vadd.bf16 v55, v12;
	v13 =	vadd.bf16 v57, v56;
	v59 =	vld [tilespmem:s13+$0x1BAA0]  }
0x1aa: {  	v60 =	vld [tilespmem:s13+$0x1C0A0]  }
0x1ab: {  	v61 =	vld [tilespmem:s13+$0x1C6A0];
	v12 =	vadd.bf16 v13, v12  }
0x1ac: {  	v62 =	vld [tilespmem:s13+$0x1CCA0]  }
0x1ad: {  	v63 =	vld [tilespmem:s13+$0x1D2A0];
	v24 =	vshll.u32 v12, $0x10  }
0x1ae: {  	v25 =	vld [tilespmem:s13+$0x1D8A0];
	v12 =	vand.u32 $0xFFFF0000, v12;
	[tilespmem:s6+$0x1F0A0] =	vst v24  }
0x1af: {  	v26 =	vld [tilespmem:s13+$0x1DEA0];
	[tilespmem:s6+$0x1F0B0] =	vst v12  }
0x1b0: {  	v12 =	vld [tilespmem:s7+$0x1B4A0]  }
0x1b1: {  	v27 =	vld [tilespmem:s13+$0x1BB60]  }
0x1b2: {  	v28 =	vld [tilespmem:s13+$0x1C160]  }
0x1b3: {  	v16 =	vadd.bf16 v59, v58;
	v14 =	vadd.bf16 v61, v60;
	v29 =	vld [tilespmem:s13+$0x1C760]  }
0x1b4: {  	v13 =	vadd.bf16 v63, v62;
	v30 =	vadd.bf16 v26, v25;
	v31 =	vld [tilespmem:s13+$0x1CD60]  }
0x1b5: {  	v32 =	vld [tilespmem:s13+$0x1D360]  }
0x1b6: {  	v33 =	vld [tilespmem:s13+$0x1D960];
	v14 =	vadd.bf16 v14, v16;
	v13 =	vadd.bf16 v30, v13  }
0x1b7: {  	v34 =	vld [tilespmem:s13+$0x1DF60]  }
0x1b8: {  	v13 =	vadd.bf16 v13, v14;
	_ =	sdelay $0x1  }
0x1b9: {  	v14 =	vshll.u32 v13, $0x10  }
0x1ba: {  	v12 =	vadd.bf16 v27, v12;
	v35 =	vadd.bf16 v29, v28;
	v13 =	vand.u32 $0xFFFF0000, v13;
	[tilespmem:s3+$0x1F0C0] =	vst v14  }
0x1bb: {  	v36 =	vadd.bf16 v32, v31;
	v37 =	vadd.bf16 v34, v33;
	[tilespmem:s3+$0x1F0D0] =	vst v13  }
0x1bc: {  	v38 =	vld [tilespmem:s13+$0x1B4B0]  }
0x1bd: {  	v12 =	vadd.bf16 v35, v12;
	v13 =	vadd.bf16 v37, v36;
	v39 =	vld [tilespmem:s13+$0x1BAB0]  }
0x1be: {  	v40 =	vld [tilespmem:s13+$0x1C0B0]  }
0x1bf: {  	v41 =	vld [tilespmem:s13+$0x1C6B0];
	v12 =	vadd.bf16 v13, v12  }
0x1c0: {  	v42 =	vld [tilespmem:s13+$0x1CCB0]  }
0x1c1: {  	v43 =	vld [tilespmem:s13+$0x1D2B0];
	v44 =	vshll.u32 v12, $0x10  }
0x1c2: {  	v45 =	vld [tilespmem:s13+$0x1D8B0];
	v12 =	vand.u32 $0xFFFF0000, v12;
	[tilespmem:s6+$0x1F0C0] =	vst v44  }
0x1c3: {  	v46 =	vld [tilespmem:s13+$0x1DEB0];
	[tilespmem:s6+$0x1F0D0] =	vst v12  }
0x1c4: {  	v12 =	vld [tilespmem:s7+$0x1B4B0]  }
0x1c5: {  	v47 =	vld [tilespmem:s13+$0x1BB70]  }
0x1c6: {  	v48 =	vld [tilespmem:s13+$0x1C170]  }
0x1c7: {  	v16 =	vadd.bf16 v39, v38;
	v14 =	vadd.bf16 v41, v40;
	v49 =	vld [tilespmem:s13+$0x1C770]  }
0x1c8: {  	v13 =	vadd.bf16 v43, v42;
	v50 =	vadd.bf16 v46, v45;
	v51 =	vld [tilespmem:s13+$0x1CD70]  }
0x1c9: {  	v52 =	vld [tilespmem:s13+$0x1D370]  }
0x1ca: {  	v53 =	vld [tilespmem:s13+$0x1D970];
	v14 =	vadd.bf16 v14, v16;
	v13 =	vadd.bf16 v50, v13  }
0x1cb: {  	v54 =	vld [tilespmem:s13+$0x1DF70]  }
0x1cc: {  	v13 =	vadd.bf16 v13, v14;
	_ =	sdelay $0x1  }
0x1cd: {  	v14 =	vshll.u32 v13, $0x10  }
0x1ce: {  	v12 =	vadd.bf16 v47, v12;
	v55 =	vadd.bf16 v49, v48;
	v13 =	vand.u32 $0xFFFF0000, v13;
	[tilespmem:s3+$0x1F0E0] =	vst v14  }
0x1cf: {  	v56 =	vadd.bf16 v52, v51;
	v57 =	vadd.bf16 v54, v53;
	[tilespmem:s3+$0x1F0F0] =	vst v13  }
0x1d0: {  	v58 =	vld [tilespmem:s13+$0x1B4C0]  }
0x1d1: {  	v12 =	vadd.bf16 v55, v12;
	v13 =	vadd.bf16 v57, v56;
	v59 =	vld [tilespmem:s13+$0x1BAC0]  }
0x1d2: {  	v60 =	vld [tilespmem:s13+$0x1C0C0]  }
0x1d3: {  	v61 =	vld [tilespmem:s13+$0x1C6C0];
	v12 =	vadd.bf16 v13, v12  }
0x1d4: {  	v62 =	vld [tilespmem:s13+$0x1CCC0]  }
0x1d5: {  	v63 =	vld [tilespmem:s13+$0x1D2C0];
	v24 =	vshll.u32 v12, $0x10  }
0x1d6: {  	v25 =	vld [tilespmem:s13+$0x1D8C0];
	v12 =	vand.u32 $0xFFFF0000, v12;
	[tilespmem:s6+$0x1F0E0] =	vst v24  }
0x1d7: {  	v26 =	vld [tilespmem:s13+$0x1DEC0];
	[tilespmem:s6+$0x1F0F0] =	vst v12  }
0x1d8: {  	v12 =	vld [tilespmem:s7+$0x1B4C0]  }
0x1d9: {  	v27 =	vld [tilespmem:s13+$0x1BB80]  }
0x1da: {  	v28 =	vld [tilespmem:s13+$0x1C180]  }
0x1db: {  	v16 =	vadd.bf16 v59, v58;
	v14 =	vadd.bf16 v61, v60;
	v29 =	vld [tilespmem:s13+$0x1C780]  }
0x1dc: {  	v13 =	vadd.bf16 v63, v62;
	v30 =	vadd.bf16 v26, v25;
	v31 =	vld [tilespmem:s13+$0x1CD80]  }
0x1dd: {  	v32 =	vld [tilespmem:s13+$0x1D380]  }
0x1de: {  	v33 =	vld [tilespmem:s13+$0x1D980];
	v14 =	vadd.bf16 v14, v16;
	v13 =	vadd.bf16 v30, v13  }
0x1df: {  	v34 =	vld [tilespmem:s13+$0x1DF80]  }
0x1e0: {  	v13 =	vadd.bf16 v13, v14;
	_ =	sdelay $0x1  }
0x1e1: {  	v14 =	vshll.u32 v13, $0x10  }
0x1e2: {  	v12 =	vadd.bf16 v27, v12;
	v35 =	vadd.bf16 v29, v28;
	v13 =	vand.u32 $0xFFFF0000, v13;
	[tilespmem:s3+$0x1F100] =	vst v14  }
0x1e3: {  	v36 =	vadd.bf16 v32, v31;
	v37 =	vadd.bf16 v34, v33;
	[tilespmem:s3+$0x1F110] =	vst v13  }
0x1e4: {  	v38 =	vld [tilespmem:s13+$0x1B4D0]  }
0x1e5: {  	v12 =	vadd.bf16 v35, v12;
	v13 =	vadd.bf16 v37, v36;
	v39 =	vld [tilespmem:s13+$0x1BAD0]  }
0x1e6: {  	v40 =	vld [tilespmem:s13+$0x1C0D0]  }
0x1e7: {  	v41 =	vld [tilespmem:s13+$0x1C6D0];
	v12 =	vadd.bf16 v13, v12  }
0x1e8: {  	v42 =	vld [tilespmem:s13+$0x1CCD0]  }
0x1e9: {  	v43 =	vld [tilespmem:s13+$0x1D2D0];
	v44 =	vshll.u32 v12, $0x10  }
0x1ea: {  	v45 =	vld [tilespmem:s13+$0x1D8D0];
	v12 =	vand.u32 $0xFFFF0000, v12;
	[tilespmem:s6+$0x1F100] =	vst v44  }
0x1eb: {  	v46 =	vld [tilespmem:s13+$0x1DED0];
	[tilespmem:s6+$0x1F110] =	vst v12  }
0x1ec: {  	v12 =	vld [tilespmem:s7+$0x1B4D0]  }
0x1ed: {  	v47 =	vld [tilespmem:s13+$0x1BB90]  }
0x1ee: {  	v48 =	vld [tilespmem:s13+$0x1C190]  }
0x1ef: {  	v16 =	vadd.bf16 v39, v38;
	v14 =	vadd.bf16 v41, v40;
	v49 =	vld [tilespmem:s13+$0x1C790]  }
0x1f0: {  	v13 =	vadd.bf16 v43, v42;
	v50 =	vadd.bf16 v46, v45;
	v51 =	vld [tilespmem:s13+$0x1CD90]  }
0x1f1: {  	v52 =	vld [tilespmem:s13+$0x1D390]  }
0x1f2: {  	v53 =	vld [tilespmem:s13+$0x1D990];
	v14 =	vadd.bf16 v14, v16;
	v13 =	vadd.bf16 v50, v13  }
0x1f3: {  	v54 =	vld [tilespmem:s13+$0x1DF90]  }
0x1f4: {  	v13 =	vadd.bf16 v13, v14;
	_ =	sdelay $0x1  }
0x1f5: {  	v14 =	vshll.u32 v13, $0x10  }
0x1f6: {  	v12 =	vadd.bf16 v47, v12;
	v55 =	vadd.bf16 v49, v48;
	v13 =	vand.u32 $0xFFFF0000, v13;
	[tilespmem:s3+$0x1F120] =	vst v14  }
0x1f7: {  	v56 =	vadd.bf16 v52, v51;
	v57 =	vadd.bf16 v54, v53;
	[tilespmem:s3+$0x1F130] =	vst v13  }
0x1f8: {  	v58 =	vld [tilespmem:s13+$0x1B4E0]  }
0x1f9: {  	v12 =	vadd.bf16 v55, v12;
	v13 =	vadd.bf16 v57, v56;
	v59 =	vld [tilespmem:s13+$0x1BAE0]  }
0x1fa: {  	v60 =	vld [tilespmem:s13+$0x1C0E0]  }
0x1fb: {  	v61 =	vld [tilespmem:s13+$0x1C6E0];
	v12 =	vadd.bf16 v13, v12  }
0x1fc: {  	v62 =	vld [tilespmem:s13+$0x1CCE0]  }
0x1fd: {  	v63 =	vld [tilespmem:s13+$0x1D2E0];
	v24 =	vshll.u32 v12, $0x10  }
0x1fe: {  	v25 =	vld [tilespmem:s13+$0x1D8E0];
	v12 =	vand.u32 $0xFFFF0000, v12;
	[tilespmem:s6+$0x1F120] =	vst v24  }
0x1ff: {  	v26 =	vld [tilespmem:s13+$0x1DEE0];
	[tilespmem:s6+$0x1F130] =	vst v12  }
0x200: {  	v12 =	vld [tilespmem:s7+$0x1B4E0]  }
0x201: {  	v27 =	vld [tilespmem:s13+$0x1BBA0]  }
0x202: {  	v28 =	vld [tilespmem:s13+$0x1C1A0]  }
0x203: {  	v16 =	vadd.bf16 v59, v58;
	v14 =	vadd.bf16 v61, v60;
	v29 =	vld [tilespmem:s13+$0x1C7A0]  }
0x204: {  	v13 =	vadd.bf16 v63, v62;
	v30 =	vadd.bf16 v26, v25;
	v31 =	vld [tilespmem:s13+$0x1CDA0]  }
0x205: {  	v32 =	vld [tilespmem:s13+$0x1D3A0]  }
0x206: {  	v33 =	vld [tilespmem:s13+$0x1D9A0];
	v14 =	vadd.bf16 v14, v16;
	v13 =	vadd.bf16 v30, v13  }
0x207: {  	v34 =	vld [tilespmem:s13+$0x1DFA0]  }
0x208: {  	v13 =	vadd.bf16 v13, v14;
	_ =	sdelay $0x1  }
0x209: {  	v14 =	vshll.u32 v13, $0x10  }
0x20a: {  	v12 =	vadd.bf16 v27, v12;
	v35 =	vadd.bf16 v29, v28;
	v13 =	vand.u32 $0xFFFF0000, v13;
	[tilespmem:s3+$0x1F140] =	vst v14  }
0x20b: {  	v36 =	vadd.bf16 v32, v31;
	v37 =	vadd.bf16 v34, v33;
	[tilespmem:s3+$0x1F150] =	vst v13  }
0x20c: {  	v38 =	vld [tilespmem:s13+$0x1B4F0]  }
0x20d: {  	v12 =	vadd.bf16 v35, v12;
	v13 =	vadd.bf16 v37, v36;
	v39 =	vld [tilespmem:s13+$0x1BAF0]  }
0x20e: {  	v40 =	vld [tilespmem:s13+$0x1C0F0]  }
0x20f: {  	v41 =	vld [tilespmem:s13+$0x1C6F0];
	v12 =	vadd.bf16 v13, v12  }
0x210: {  	v42 =	vld [tilespmem:s13+$0x1CCF0]  }
0x211: {  	v43 =	vld [tilespmem:s13+$0x1D2F0];
	v44 =	vshll.u32 v12, $0x10  }
0x212: {  	v45 =	vld [tilespmem:s13+$0x1D8F0];
	v12 =	vand.u32 $0xFFFF0000, v12;
	[tilespmem:s6+$0x1F140] =	vst v44  }
0x213: {  	v46 =	vld [tilespmem:s13+$0x1DEF0];
	[tilespmem:s6+$0x1F150] =	vst v12  }
0x214: {  	v12 =	vld [tilespmem:s7+$0x1B4F0]  }
0x215: {  	v47 =	vld [tilespmem:s13+$0x1BBB0]  }
0x216: {  	v48 =	vld [tilespmem:s13+$0x1C1B0]  }
0x217: {  	v16 =	vadd.bf16 v39, v38;
	v14 =	vadd.bf16 v41, v40;
	v49 =	vld [tilespmem:s13+$0x1C7B0]  }
0x218: {  	v13 =	vadd.bf16 v43, v42;
	v50 =	vadd.bf16 v46, v45;
	v51 =	vld [tilespmem:s13+$0x1CDB0]  }
0x219: {  	v52 =	vld [tilespmem:s13+$0x1D3B0]  }
0x21a: {  	v53 =	vld [tilespmem:s13+$0x1D9B0];
	v14 =	vadd.bf16 v14, v16;
	v13 =	vadd.bf16 v50, v13  }
0x21b: {  	v54 =	vld [tilespmem:s13+$0x1DFB0]  }
0x21c: {  	v13 =	vadd.bf16 v13, v14;
	_ =	sdelay $0x1  }
0x21d: {  	v14 =	vshll.u32 v13, $0x10  }
0x21e: {  	v12 =	vadd.bf16 v47, v12;
	v55 =	vadd.bf16 v49, v48;
	v13 =	vand.u32 $0xFFFF0000, v13;
	[tilespmem:s3+$0x1F160] =	vst v14  }
0x21f: {  	v56 =	vadd.bf16 v52, v51;
	v57 =	vadd.bf16 v54, v53;
	[tilespmem:s3+$0x1F170] =	vst v13  }
0x220: {  	v58 =	vld [tilespmem:s13+$0x1B500]  }
0x221: {  	v12 =	vadd.bf16 v55, v12;
	v13 =	vadd.bf16 v57, v56;
	v59 =	vld [tilespmem:s13+$0x1BB00]  }
0x222: {  	v60 =	vld [tilespmem:s13+$0x1C100]  }
0x223: {  	v61 =	vld [tilespmem:s13+$0x1C700];
	v12 =	vadd.bf16 v13, v12  }
0x224: {  	v62 =	vld [tilespmem:s13+$0x1CD00]  }
0x225: {  	v63 =	vld [tilespmem:s13+$0x1D300];
	v24 =	vshll.u32 v12, $0x10  }
0x226: {  	v25 =	vld [tilespmem:s13+$0x1D900];
	v12 =	vand.u32 $0xFFFF0000, v12;
	[tilespmem:s6+$0x1F160] =	vst v24  }
0x227: {  	v26 =	vld [tilespmem:s13+$0x1DF00];
	[tilespmem:s6+$0x1F170] =	vst v12  }
0x228: {  	v12 =	vld [tilespmem:s7+$0x1B500]  }
0x229: {  	v27 =	vld [tilespmem:s13+$0x1BBC0]  }
0x22a: {  	v28 =	vld [tilespmem:s13+$0x1C1C0]  }
0x22b: {  	v16 =	vadd.bf16 v59, v58;
	v14 =	vadd.bf16 v61, v60;
	v29 =	vld [tilespmem:s13+$0x1C7C0]  }
0x22c: {  	v13 =	vadd.bf16 v63, v62;
	v30 =	vadd.bf16 v26, v25;
	v31 =	vld [tilespmem:s13+$0x1CDC0]  }
0x22d: {  	v32 =	vld [tilespmem:s13+$0x1D3C0]  }
0x22e: {  	v33 =	vld [tilespmem:s13+$0x1D9C0];
	v14 =	vadd.bf16 v14, v16;
	v13 =	vadd.bf16 v30, v13  }
0x22f: {  	v34 =	vld [tilespmem:s13+$0x1DFC0]  }
0x230: {  	v13 =	vadd.bf16 v13, v14;
	_ =	sdelay $0x1  }
0x231: {  	v14 =	vshll.u32 v13, $0x10  }
0x232: {  	v12 =	vadd.bf16 v27, v12;
	v35 =	vadd.bf16 v29, v28;
	v13 =	vand.u32 $0xFFFF0000, v13;
	[tilespmem:s3+$0x1F180] =	vst v14  }
0x233: {  	v36 =	vadd.bf16 v32, v31;
	v37 =	vadd.bf16 v34, v33;
	[tilespmem:s3+$0x1F190] =	vst v13  }
0x234: {  	v38 =	vld [tilespmem:s13+$0x1B510]  }
0x235: {  	v12 =	vadd.bf16 v35, v12;
	v13 =	vadd.bf16 v37, v36;
	v39 =	vld [tilespmem:s13+$0x1BB10]  }
0x236: {  	v40 =	vld [tilespmem:s13+$0x1C110]  }
0x237: {  	v41 =	vld [tilespmem:s13+$0x1C710];
	v12 =	vadd.bf16 v13, v12  }
0x238: {  	v42 =	vld [tilespmem:s13+$0x1CD10]  }
0x239: {  	v43 =	vld [tilespmem:s13+$0x1D310];
	v44 =	vshll.u32 v12, $0x10  }
0x23a: {  	v45 =	vld [tilespmem:s13+$0x1D910];
	v12 =	vand.u32 $0xFFFF0000, v12;
	[tilespmem:s6+$0x1F180] =	vst v44  }
0x23b: {  	v46 =	vld [tilespmem:s13+$0x1DF10];
	[tilespmem:s6+$0x1F190] =	vst v12  }
0x23c: {  	v12 =	vld [tilespmem:s7+$0x1B510]  }
0x23d: {  	v47 =	vld [tilespmem:s13+$0x1BBD0]  }
0x23e: {  	v48 =	vld [tilespmem:s13+$0x1C1D0]  }
0x23f: {  	v16 =	vadd.bf16 v39, v38;
	v14 =	vadd.bf16 v41, v40;
	v49 =	vld [tilespmem:s13+$0x1C7D0]  }
0x240: {  	v13 =	vadd.bf16 v43, v42;
	v50 =	vadd.bf16 v46, v45;
	v51 =	vld [tilespmem:s13+$0x1CDD0]  }
0x241: {  	v52 =	vld [tilespmem:s13+$0x1D3D0]  }
0x242: {  	v53 =	vld [tilespmem:s13+$0x1D9D0];
	v14 =	vadd.bf16 v14, v16;
	v13 =	vadd.bf16 v50, v13  }
0x243: {  	v54 =	vld [tilespmem:s13+$0x1DFD0]  }
0x244: {  	v13 =	vadd.bf16 v13, v14;
	_ =	sdelay $0x1  }
0x245: {  	v14 =	vshll.u32 v13, $0x10  }
0x246: {  	v12 =	vadd.bf16 v47, v12;
	v55 =	vadd.bf16 v49, v48;
	v13 =	vand.u32 $0xFFFF0000, v13;
	[tilespmem:s3+$0x1F1A0] =	vst v14  }
0x247: {  	v56 =	vadd.bf16 v52, v51;
	v57 =	vadd.bf16 v54, v53;
	[tilespmem:s3+$0x1F1B0] =	vst v13  }
0x248: {  	v58 =	vld [tilespmem:s13+$0x1B520]  }
0x249: {  	v12 =	vadd.bf16 v55, v12;
	v13 =	vadd.bf16 v57, v56;
	v59 =	vld [tilespmem:s13+$0x1BB20]  }
0x24a: {  	v60 =	vld [tilespmem:s13+$0x1C120]  }
0x24b: {  	v61 =	vld [tilespmem:s13+$0x1C720];
	v12 =	vadd.bf16 v13, v12  }
0x24c: {  	v62 =	vld [tilespmem:s13+$0x1CD20]  }
0x24d: {  	v63 =	vld [tilespmem:s13+$0x1D320];
	v30 =	vshll.u32 v12, $0x10  }
0x24e: {  	v31 =	vld [tilespmem:s13+$0x1D920];
	v12 =	vand.u32 $0xFFFF0000, v12;
	[tilespmem:s6+$0x1F1A0] =	vst v30  }
0x24f: {  	v32 =	vld [tilespmem:s13+$0x1DF20];
	[tilespmem:s6+$0x1F1B0] =	vst v12  }
0x250: {  	v12 =	vld [tilespmem:s7+$0x1B520]  }
0x251: {  	v33 =	vld [tilespmem:s13+$0x1BBE0]  }
0x252: {  	v34 =	vld [tilespmem:s13+$0x1C1E0]  }
0x253: {  	v23 =	vld [tilespmem:s13+$0x1C7E0];
	v16 =	vadd.bf16 v59, v58;
	v14 =	vadd.bf16 v61, v60  }
0x254: {  	v24 =	vld [tilespmem:s13+$0x1CDE0];
	v13 =	vadd.bf16 v63, v62;
	v35 =	vadd.bf16 v32, v31  }
0x255: {  	v25 =	vld [tilespmem:s13+$0x1D3E0]  }
0x256: {  	v26 =	vld [tilespmem:s13+$0x1D9E0];
	v14 =	vadd.bf16 v14, v16;
	v13 =	vadd.bf16 v35, v13  }
0x257: {  	v27 =	vld [tilespmem:s13+$0x1DFE0]  }
0x258: {  	v13 =	vadd.bf16 v13, v14;
	_ =	sdelay $0x1  }
0x259: {  	v14 =	vshll.u32 v13, $0x10  }
0x25a: {  	v12 =	vadd.bf16 v33, v12;
	v36 =	vadd.bf16 v23, v34;
	v13 =	vand.u32 $0xFFFF0000, v13;
	[tilespmem:s3+$0x1F1C0] =	vst v14  }
0x25b: {  	v37 =	vadd.bf16 v25, v24;
	v38 =	vadd.bf16 v27, v26;
	[tilespmem:s3+$0x1F1D0] =	vst v13  }
0x25c: {  	v13 =	vld [tilespmem:s13+$0x1B530]  }
0x25d: {  	v12 =	vadd.bf16 v36, v12;
	v39 =	vadd.bf16 v38, v37;
	v41 =	vld [tilespmem:s13+$0x1BB30]  }
0x25e: {  	v42 =	vld [tilespmem:s13+$0x1C130]  }
0x25f: {  	v43 =	vld [tilespmem:s13+$0x1C730];
	v12 =	vadd.bf16 v39, v12  }
0x260: {  	v44 =	vld [tilespmem:s13+$0x1CD30]  }
0x261: {  	v45 =	vld [tilespmem:s13+$0x1D330];
	v40 =	vshll.u32 v12, $0x10  }
0x262: {  	v46 =	vld [tilespmem:s13+$0x1D930];
	v12 =	vand.u32 $0xFFFF0000, v12;
	[tilespmem:s6+$0x1F1C0] =	vst v40  }
0x263: {  	v47 =	vld [tilespmem:s13+$0x1DF30];
	[tilespmem:s6+$0x1F1D0] =	vst v12  }
0x264: {  	v12 =	vld [tilespmem:s7+$0x1B530]  }
0x265: {  	v48 =	vld [tilespmem:s13+$0x1BBF0]  }
0x266: {  	v49 =	vld [tilespmem:s13+$0x1C1F0]  }
0x267: {  	v50 =	vld [tilespmem:s13+$0x1C7F0]  }
0x268: {  	v51 =	vld [tilespmem:s13+$0x1CDF0]  }
0x269: {  	v52 =	vld [tilespmem:s13+$0x1D3F0]  }
0x26a: {  	v53 =	vld [tilespmem:s13+$0x1D9F0]  }
0x26b: {  	v13 =	vadd.bf16 v41, v13;
	v54 =	vadd.bf16 v43, v42;
	v55 =	vld [tilespmem:s13+$0x1DFF0]  }
0x26c: {  	v56 =	vadd.bf16 v45, v44;
	v57 =	vadd.bf16 v47, v46;
	_ =	sdelay $0x1  }
0x26d: {  	v13 =	vadd.bf16 v54, v13;
	v58 =	vadd.bf16 v57, v56  }
0x26e: {  	v12 =	vadd.bf16 v48, v12;
	v59 =	vadd.bf16 v50, v49  }
0x26f: {  	v60 =	vadd.bf16 v52, v51;
	v15 =	vadd.bf16 v55, v53  }
0x270: {  	v13 =	vadd.bf16 v58, v13  }
0x271: {  	v12 =	vadd.bf16 v59, v12;
	v61 =	vadd.bf16 v15, v60  }
0x272: {  	p0 =	slt.u32 s0, $0x6  }
.Ltmp2:
0x273: {  	v62 =	vshll.u32 v13, $0x10;
	v12 =	vadd.bf16 v61, v12;
	(pc) =	sbr.rel @p0 .LBB2_7-.Ltmp2, $4  }
0x274: {  	v13 =	vand.u32 $0xFFFF0000, v13;
	[tilespmem:s3+$0x1F1E0] =	vst v62  }
0x275: {  	[tilespmem:s3+$0x1F1F0] =	vst v13;
	v63 =	vshll.u32 v12, $0x10  }
0x276: {  	s14 =	sadd.s32 $0x2, s0;
	v12 =	vand.u32 $0xFFFF0000, v12;
	[tilespmem:s6+$0x1F1E0] =	vst v63  }
0x277: {  	s0 =	smov.u32 s14;
	[tilespmem:s6+$0x1F1F0] =	vst v12  }
0x278: {  	s0 =	sadd.s32 s5, s1;
	s31 =	sadd.s32 $0x1, s31  }
0x279: {  	s0 =	smul.u32 $0x300, s0;
	p0 =	sne.s32 s31, $0x80  }
.Ltmp3:
0x27a: {  	_ = 	snop;
	(pc) =	sbr.rel @p0 .LBB2_2-.Ltmp3, $4  }
0x27b: {  	s0 =	sor.u32 s9, s0  }
0x27c: {  	s0 =	sshrl.u32 s0, $0x3  }
0x27d: {  	_ =	strace $0x9000004F;
	s0 =	sadd.s32 s4, s0  }
0x27e: {  	[hbm4b:s0+s23] =	stream.strided.scatter [tilespmem:s26], [sflag:$0x4], $0xC00, s24, s23, $0x38;
	[tilespmem:$0x1FC80] =	vst v63  }
0x27f: {  	s30 =	sadd.s32 $0x1, s30  }
0x280: {  	_ =	swait.ge [sflag:s28], $0xC00;
	p0 =	sne.s32 s30, s10  }
.Ltmp4:
0x281: {  	[sflag:s28] =	ssyncset.done $0x0;
	(pc) =	sbr.rel @p0 .LBB2_1-.Ltmp4, $4  }
0x282: {  	[sflag:s28] =	ssyncadd.s32 $0xFFFFF400  }
0x283: {  	_ =	swait.ge [sflag:s29], $0xC00  }
0x284: {  	[sflag:s29] =	ssyncset.done $0x0  }
0x285: {  	[sflag:s29] =	ssyncadd.s32 $0xFFFFF400  }
0x286: {  	_ =	sfence.sel $0x180000  }
0x287: {  	[bflag:$0x0] =	sbarrier.arrive $0xFFFF  }
0x288: {  	_ =	strace $0x90000047  }
0x289: {  	s0 =	stileid.u32;
	[bflag:$0x2] =	sbarrier.arrive $0xFFFF  }
0x28a: {  	p0 =	sne.s32 s0, $0x0;
	s0 =	rddreg [dreg:$0x3]  }
0x28b: {  	s0 =	sadd.s32 @!p0 $0x100000, s0  }
0x28c: {  	[sflag:s0] =	ssyncadd.tile.s32 @!p0 $0x1;
	_ =	shalt  }
.Lfunc_end2:
_tile_overlayer_lowered:
.L_overlay_start_2:
0x28d: {  	(tag) =	ssettag $0x2  }
0x28e: {  	s0 =	rddreg [dreg:$0x0];
	s2 =	stileid.u32  }
0x28f: {  	s1 =	rddreg [dreg:$0x1];
	p0 =	sne.s32 s2, $0x0  }
0x290: {  	s3 =	rddreg [dreg:$0x2];
	[bflag:$0x3] =	sbarrier.arrive $0xFFFF;
	s2 =	simm.s32 @!p0 $0x1C05  }
0x291: {  	[timem:s3], [sflag:s2] =	dma.local @!p0 [hbm:s0], s1  }
0x292: {  	s0 =	simm.s32 @!p0 $0x5  }
0x293: {  	_ =	swait.ge @!p0 [sflag:s0], s1  }
0x294: {  	s1 =	ssub.s32 @!p0 $0x0, s1;
	[sflag:s0] =	ssyncset.done @!p0 $0x0  }
0x295: {  	[sflag:s0] =	ssyncadd.s32 @!p0 s1  }
0x296: {  	[bflag:$0x3] =	sbarrier.arrive $0xFFFF  }
0x297: {  	_ =	shalt  }

</sc_bundles>
